<compile_context>
chip_gen: v7x
topology: tpu7x:2x2x1
jax: 0.10.2.dev20260603
libtpu: 0.0.44.dev20260713+nightly
codegen_flags: <defaults>
</compile_context>

<pallas_src>
import functools

import jax
import jax.numpy as jnp
from jax import lax
from jax.experimental import pallas as pl
from jax.experimental.pallas import tpu as pltpu
from jax.experimental.pallas import tpu_sc as plsc

N = 10000
E = 320000
H = 128
G = 64
EPS = 1e-5

CHUNK = 125
NCHUNKS = E // CHUNK
CPW = NCHUNKS // 32
NP_ACC = 10240
BLK = 1000
NBLK = N // BLK

_mesh = plsc.VectorSubcoreMesh(core_axis_name="c", subcore_axis_name="s")



@functools.partial(
    pl.kernel,
    out_type=jax.ShapeDtypeStruct((2, NP_ACC, 16), jnp.float32),
    mesh=_mesh,
    scratch_types=[
        pltpu.VMEM((CPW, CHUNK), jnp.int32),
        pltpu.VMEM((CHUNK, 16), jnp.float32),
        pltpu.VMEM_SHARED((NP_ACC, 16), jnp.float32),
    ],
)
def _sc_deg(dst_hbm, out_hbm, dstv, buf, acc):
    c = lax.axis_index("c")
    s = lax.axis_index("s")
    wid = c * 16 + s

    @pl.loop(0, CHUNK)
    def _zrow(i):
        buf.at[pl.ds(i, 1), pl.ds(0, 16)][...] = jnp.zeros((1, 16), jnp.float32)

    @pl.loop(0, 5)
    def _zacc(k):
        pltpu.sync_copy(buf, acc.at[pl.ds(s * 640 + k * CHUNK, CHUNK)])

    pltpu.sync_copy(buf.at[pl.ds(0, 15)], acc.at[pl.ds(s * 640 + 625, 15)])

    @pl.loop(0, CHUNK)
    def _orow(i):
        buf.at[pl.ds(i, 1), pl.ds(0, 16)][...] = jnp.ones((1, 16), jnp.float32)

    plsc.subcore_barrier()
    pltpu.sync_copy(dst_hbm.at[pl.ds(wid * CPW, CPW)], dstv)

    @pl.loop(0, CPW)
    def _edges(j):
        pltpu.sync_copy(buf, acc.at[dstv.at[j]], add=True)

    plsc.subcore_barrier()
    pltpu.sync_copy(acc.at[pl.ds(s * 640, 640)], out_hbm.at[c, pl.ds(s * 640, 640)])


@functools.partial(
    pl.kernel,
    out_type=jax.ShapeDtypeStruct((2, NP_ACC, H), jnp.float32),
    mesh=_mesh,
    scratch_types=[
        pltpu.VMEM((CPW // 2, CHUNK), jnp.int32),
        pltpu.VMEM((CPW // 2, CHUNK), jnp.int32),
        pltpu.VMEM((CHUNK, H), jnp.float32),
        pltpu.VMEM((CHUNK, H), jnp.float32),
        pltpu.VMEM_SHARED((NP_ACC, H), jnp.float32),
        pltpu.SemaphoreType.DMA,
        pltpu.SemaphoreType.DMA,
    ],
)
def _sc_agg(src_hbm, dst_hbm, g_hbm, out_hbm, srcv, dstv, rows_a, rows_b, acc,
            sem_a, sem_b):
    c = lax.axis_index("c")
    s = lax.axis_index("s")
    wid = c * 16 + s
    hw = CPW // 2

    @pl.loop(0, CHUNK)
    def _zrow(i):
        @pl.loop(0, H, step=16)
        def _zcol(j):
            rows_a.at[pl.ds(i, 1), pl.ds(j, 16)][...] = jnp.zeros((1, 16), jnp.float32)

    @pl.loop(0, 5)
    def _zacc(k):
        pltpu.sync_copy(rows_a, acc.at[pl.ds(s * 640 + k * CHUNK, CHUNK)])

    pltpu.sync_copy(rows_a.at[pl.ds(0, 15)], acc.at[pl.ds(s * 640 + 625, 15)])
    plsc.subcore_barrier()

    def _gather(j, buf, sem):
        pltpu.make_async_copy(g_hbm.at[srcv.at[j]], buf, sem).start()

    def _gwait(j, buf, sem):
        pltpu.make_async_copy(g_hbm.at[srcv.at[j]], buf, sem).wait()

    @pl.loop(0, 2)
    def _half(h):
        pltpu.sync_copy(src_hbm.at[pl.ds(wid * CPW + h * hw, hw)], srcv)
        pltpu.sync_copy(dst_hbm.at[pl.ds(wid * CPW + h * hw, hw)], dstv)

        @pl.loop(0, hw)
        def _edges(j):
            _gather(j, rows_a, sem_a)
            _gwait(j, rows_a, sem_a)
            pltpu.sync_copy(rows_a, acc.at[dstv.at[j]], add=True)

    plsc.subcore_barrier()
    pltpu.sync_copy(acc.at[pl.ds(s * 640, 640)], out_hbm.at[c, pl.ds(s * 640, 640)])



def _dinv_of(degp_ref):
    cnt = degp_ref[0, :, 0:1] + degp_ref[1, :, 0:1]
    return lax.rsqrt(cnt + 1.0)


def _mm_scale_kernel(degp_ref, x_ref, W_ref, g_ref):
    g_ref[...] = jnp.dot(x_ref[...], W_ref[...],
                         preferred_element_type=jnp.float32) * _dinv_of(degp_ref)


def _comb_kernel(parts_ref, g_ref, degp_ref, b_ref, y_ref, sums_ref):
    i = pl.program_id(0)
    y = (parts_ref[0] + parts_ref[1] + g_ref[...]) * _dinv_of(degp_ref) + b_ref[...]
    y_ref[...] = y

    @pl.when(i == 0)
    def _():
        sums_ref[...] = jnp.zeros_like(sums_ref)

    sums_ref[...] += jnp.stack([jnp.sum(y, axis=0), jnp.sum(y * y, axis=0)])


def _bn_from_sums(sums_ref, gam_ref, bet_ref):
    m = sums_ref[0:1, :] * (1.0 / N)
    v = sums_ref[1:2, :] * (1.0 / N) - m * m
    scale = gam_ref[...] * lax.rsqrt(v + EPS)
    shift = bet_ref[...] - m * scale
    return scale, shift


def _bn_mm_kernel(y_ref, sums_ref, gam_ref, bet_ref, W_ref, degp_ref, g_ref):
    scale, shift = _bn_from_sums(sums_ref, gam_ref, bet_ref)
    h = jnp.maximum(y_ref[...] * scale + shift, 0.0)
    g_ref[...] = jnp.dot(h, W_ref[...],
                         preferred_element_type=jnp.float32) * _dinv_of(degp_ref)


def _pool_kernel(y_ref, sums_ref, gam_ref, bet_ref, batch_ref, s_ref, c_ref):
    i = pl.program_id(0)
    scale, shift = _bn_from_sums(sums_ref, gam_ref, bet_ref)
    h = jnp.maximum(y_ref[...] * scale + shift, 0.0)
    b = batch_ref[0, 0, :]
    onehot = (b[:, None] == lax.broadcasted_iota(jnp.int32, (BLK, G), 1))
    onehot = onehot.astype(jnp.float32)

    @pl.when(i == 0)
    def _():
        s_ref[...] = jnp.zeros_like(s_ref)
        c_ref[...] = jnp.zeros_like(c_ref)

    dn = (((0,), (0,)), ((), ()))
    s_ref[...] += lax.dot_general(onehot, h, dn, preferred_element_type=jnp.float32)
    c_ref[...] += lax.dot_general(onehot, jnp.ones_like(h), dn,
                                  preferred_element_type=jnp.float32)


def _head_kernel(s_ref, c_ref, Wf0_ref, bf0_ref, gamf0_ref, betf0_ref,
                 Wf1_ref, bf1_ref, gamf1_ref, betf1_ref, Wlin_ref, blin_ref,
                 out_ref):
    p = s_ref[...] / jnp.maximum(c_ref[:, 0:1], 1.0)
    for W_r, b_r, g_r, bt_r in ((Wf0_ref, bf0_ref, gamf0_ref, betf0_ref),
                                (Wf1_ref, bf1_ref, gamf1_ref, betf1_ref)):
        p = jnp.dot(p, W_r[...], preferred_element_type=jnp.float32) + b_r[...]
        m = jnp.mean(p, axis=0, keepdims=True)
        v = jnp.mean(p * p, axis=0, keepdims=True) - m * m
        p = jnp.maximum(g_r[...] * (p - m) * lax.rsqrt(v + EPS) + bt_r[...], 0.0)
    out_ref[...] = jnp.maximum(
        jnp.dot(p, Wlin_ref[...], preferred_element_type=jnp.float32) + blin_ref[...],
        0.0)


def _row_spec(blk=BLK):
    return pl.BlockSpec((blk, H), lambda i: (i, 0))


_DEGP_SPEC = pl.BlockSpec((2, BLK, 16), lambda i: (0, i, 0))
_FULL_W = pl.BlockSpec((H, H), lambda i: (0, 0))
_ROWV = pl.BlockSpec((1, H), lambda i: (0, 0))
_SUMS = pl.BlockSpec((2, H), lambda i: (0, 0))


def _mm_scale(degp, x, W):
    return pl.pallas_call(
        _mm_scale_kernel,
        grid=(NBLK,),
        in_specs=[_DEGP_SPEC, _row_spec(), _FULL_W],
        out_specs=_row_spec(),
        out_shape=jax.ShapeDtypeStruct((N, H), jnp.float32),
    )(degp, x, W)


def _comb(parts, g, degp, b):
    return pl.pallas_call(
        _comb_kernel,
        grid=(NBLK,),
        in_specs=[pl.BlockSpec((2, BLK, H), lambda i: (0, i, 0)),
                  _row_spec(), _DEGP_SPEC, _ROWV],
        out_specs=[_row_spec(), _SUMS],
        out_shape=[jax.ShapeDtypeStruct((N, H), jnp.float32),
                   jax.ShapeDtypeStruct((2, H), jnp.float32)],
    )(parts, g, degp, b)


def _bn_mm(y, sums, gam, bet, W, degp):
    return pl.pallas_call(
        _bn_mm_kernel,
        grid=(NBLK,),
        in_specs=[_row_spec(), _SUMS, _ROWV, _ROWV, _FULL_W, _DEGP_SPEC],
        out_specs=_row_spec(),
        out_shape=jax.ShapeDtypeStruct((N, H), jnp.float32),
    )(y, sums, gam, bet, W, degp)


def _pool(y, sums, gam, bet, batch3d):
    return pl.pallas_call(
        _pool_kernel,
        grid=(NBLK,),
        in_specs=[_row_spec(), _SUMS, _ROWV, _ROWV,
                  pl.BlockSpec((1, 1, BLK), lambda i: (i, 0, 0))],
        out_specs=[pl.BlockSpec((G, H), lambda i: (0, 0)),
                   pl.BlockSpec((G, H), lambda i: (0, 0))],
        out_shape=[jax.ShapeDtypeStruct((G, H), jnp.float32),
                   jax.ShapeDtypeStruct((G, H), jnp.float32)],
    )(y, sums, gam, bet, batch3d)


def _head(s, c, Wf0, bf0, gamf0, betf0, Wf1, bf1, gamf1, betf1, Wlin, blin):
    return pl.pallas_call(
        _head_kernel,
        out_shape=jax.ShapeDtypeStruct((G, H), jnp.float32),
    )(s, c, Wf0, bf0, gamf0, betf0, Wf1, bf1, gamf1, betf1, Wlin, blin)


def kernel(x, edge_index, batch, W_g0, b_g0, gam_g0, bet_g0, W_g1, b_g1, gam_g1,
           bet_g1, W_g2, b_g2, gam_g2, bet_g2, W_f0, b_f0, gam_f0, bet_f0,
           W_f1, b_f1, gam_f1, bet_f1, W_lin, b_lin):
    srcp = edge_index[0].reshape(NCHUNKS, CHUNK)
    dstp = edge_index[1].reshape(NCHUNKS, CHUNK)
    batch3d = batch.reshape(NBLK, 1, BLK)
    row = lambda a: a.reshape(1, H)
    Wlin_pad = jnp.pad(W_lin, ((0, 0), (0, H - 1)))
    blin_pad = jnp.pad(b_lin, (0, H - 1)).reshape(1, H)

    degp = _sc_deg(dstp)

    g = _mm_scale(degp, x, W_g0)
    parts = _sc_agg(srcp, dstp, g)
    y, sums = _comb(parts, g, degp, row(b_g0))

    for (W, b, gam, bet) in ((W_g1, b_g1, gam_g0, bet_g0),
                             (W_g2, b_g2, gam_g1, bet_g1)):
        g = _bn_mm(y, sums, row(gam), row(bet), W, degp)
        parts = _sc_agg(srcp, dstp, g)
        y, sums = _comb(parts, g, degp, row(b))

    s, c = _pool(y, sums, row(gam_g2), row(bet_g2), batch3d)
    out = _head(s, c, W_f0, row(b_f0), row(gam_f0), row(bet_f0),
                W_f1, row(b_f1), row(gam_f1), row(bet_f1), Wlin_pad, blin_pad)
    return out[:, 0:1]

# --- scband reference (transcript-rebuilt; emitter-appended) ---
"""Pipeline reference for scband-gcn-new-52020643889347 (READ-ONLY COPY).

The authoritative reference and input builder live on the scoring server;
editing this copy changes nothing except your own understanding.
"""

import jax, jax.numpy as jnp
import numpy as np

N = 10000
E = 320000
DIN = 128
H = 128
FH = 128
G = 64
EPS = 1e-5


def setup_inputs(seed: int = 0):
    key = jax.random.key(seed)
    ks = jax.random.split(key, 16)
    d = {}
    d['x'] = jax.random.normal(ks[0], (N, DIN), dtype=jnp.float32)
    d['edge_index'] = jax.random.randint(ks[1], (2, E), 0, N, dtype=jnp.int32)
    d['batch'] = jnp.sort(jax.random.randint(ks[2], (N,), 0, G, dtype=jnp.int32))
    i = 3
    for li, (a, b) in enumerate([(DIN, H), (H, H), (H, H)]):
        d['W_g%d' % li] = jax.random.normal(ks[i], (a, b), dtype=jnp.float32) * (1.0 / np.sqrt(a))
        i += 1
        d['b_g%d' % li] = jnp.zeros((b,), dtype=jnp.float32)
        d['gam_g%d' % li] = jnp.ones((b,), dtype=jnp.float32)
        d['bet_g%d' % li] = jnp.zeros((b,), dtype=jnp.float32)
    for li, (a, b) in enumerate([(H, FH), (FH, FH)]):
        d['W_f%d' % li] = jax.random.normal(ks[i], (a, b), dtype=jnp.float32) * (1.0 / np.sqrt(a))
        i += 1
        d['b_f%d' % li] = jnp.zeros((b,), dtype=jnp.float32)
        d['gam_f%d' % li] = jnp.ones((b,), dtype=jnp.float32)
        d['bet_f%d' % li] = jnp.zeros((b,), dtype=jnp.float32)
    d['W_lin'] = jax.random.normal(ks[i], (FH, 1), dtype=jnp.float32) * (1.0 / np.sqrt(FH))
    d['b_lin'] = jnp.zeros((1,), dtype=jnp.float32)
    return d


def _gcn_conv(h, src, dst, W, b):
    n = h.shape[0]
    h = h @ W
    loop = jnp.arange(n, dtype=src.dtype)
    s = jnp.concatenate([src, loop])
    t = jnp.concatenate([dst, loop])
    deg = jnp.zeros((n,), h.dtype).at[t].add(1.0)
    dinv = jax.lax.rsqrt(deg)
    norm = dinv[s] * dinv[t]
    msg = h[s] * norm[:, None]
    out = jnp.zeros_like(h).at[t].add(msg)
    return out + b


def _bn(x, g, bta):
    m = jnp.mean(x, axis=0)
    v = jnp.var(x, axis=0)
    return g * (x - m) * jax.lax.rsqrt(v + EPS) + bta


def reference(x, edge_index, batch, W_g0, b_g0, gam_g0, bet_g0, W_g1, b_g1, gam_g1, bet_g1, W_g2, b_g2, gam_g2, bet_g2, W_f0, b_f0, gam_f0, bet_f0, W_f1, b_f1, gam_f1, bet_f1, W_lin, b_lin):
    src, dst = edge_index[0], edge_index[1]
    h = x
    for W, b, g, bt in [(W_g0, b_g0, gam_g0, bet_g0), (W_g1, b_g1, gam_g1, bet_g1), (W_g2, b_g2, gam_g2, bet_g2)]:
        h = jax.nn.relu(_bn(_gcn_conv(h, src, dst, W, b), g, bt))
    s = jax.ops.segment_sum(h, batch, num_segments=G)
    cnt = jax.ops.segment_sum(jnp.ones((h.shape[0],), h.dtype), batch, num_segments=G)
    p = s / jnp.maximum(cnt, 1.0)[:, None]
    for W, b, g, bt in [(W_f0, b_f0, gam_f0, bet_f0), (W_f1, b_f1, gam_f1, bet_f1)]:
        p = jax.nn.relu(_bn(p @ W + b, g, bt))
    return jax.nn.relu(p @ W_lin + b_lin)

if __name__ == "__main__":
    import jax
    _d = setup_inputs()
    print(jax.jit(kernel)(*tuple(_d.values())))

</pallas_src>

<mosaic_0001>
#map = affine_map<(d0, d1) -> (0, 0)>
#map1 = affine_map<(d0, d1) -> (0, 0, 0)>
module attributes {stable_mosaic.version = 14 : i64} {
  func.func @_sc_agg(%arg0: i32, %arg1: i32, %arg2: memref<2560x125xi32, #tpu.memory_space<hbm>>, %arg3: memref<2560x125xi32, #tpu.memory_space<hbm>>, %arg4: memref<10000x128xf32, #tpu.memory_space<hbm>>, %arg5: memref<2x10240x128xf32, #tpu.memory_space<hbm>>, %arg6: memref<40x125xi32, #tpu.memory_space<vmem>>, %arg7: memref<40x125xi32, #tpu.memory_space<vmem>>, %arg8: memref<125x128xf32, #tpu.memory_space<vmem>>, %arg9: memref<125x128xf32, #tpu.memory_space<vmem>>, %arg10: memref<10240x128xf32, #tpu.memory_space<vmem_shared>>, %arg11: memref<!tpu.dma_semaphore, #tpu.memory_space<semaphore_mem>>, %arg12: memref<!tpu.dma_semaphore, #tpu.memory_space<semaphore_mem>>) attributes {dimension_semantics = [#tpu.dimension_semantics<core_parallel>, #tpu.dimension_semantics<subcore_parallel>], iteration_bounds = array<i64: 2, 16>, scalar_prefetch = 0 : i64, scratch_operands = 7 : i64, tpu.core_type = #tpu.core_type<sc_vector_subcore>, window_params = [{transform_indices = #map}, {transform_indices = #map}, {transform_indices = #map}, {transform_indices = #map1}]} {
    %mul3A = arith.constant 16 : i32
    %mul3A_0 = arith.muli %arg0, %mul3A : i32
    %add3A = arith.addi %mul3A_0, %arg1 : i32
    %scan3A = arith.constant 0 : i32
    %scan3A_1 = arith.constant 125 : i32
    %scan3A_2 = arith.addi %scan3A, %scan3A_1 : i32
    %scan3A_3 = arith.constant 1 : i32
    scf.for %scan3A_24 = %scan3A to %scan3A_2 step %scan3A_3  : i32 {
      %mul3A_25 = arith.constant 1 : i32
      %mul3A_26 = arith.muli %scan3A_24, %mul3A_25 : i32
      %add3A_27 = arith.constant 0 : i32
      %add3A_28 = arith.addi %add3A_27, %mul3A_26 : i32
      %scan3A_29 = arith.constant 0 : i32
      %scan3A_30 = arith.constant 8 : i32
      %scan3A_31 = arith.addi %scan3A_29, %scan3A_30 : i32
      %scan3A_32 = arith.constant 1 : i32
      scf.for %scan3A_34 = %scan3A_29 to %scan3A_31 step %scan3A_32  : i32 {
        %mul3A_35 = arith.constant 16 : i32
        %mul3A_36 = arith.muli %scan3A_34, %mul3A_35 : i32
        %add3A_37 = arith.constant 0 : i32
        %add3A_38 = arith.addi %add3A_37, %mul3A_36 : i32
        %broadcast_in_dim3A = arith.constant 0.000000e+00 : f32
        %broadcast_in_dim3A_39 = vector.broadcast %broadcast_in_dim3A : f32 to vector<1x16xf32>
        %swap3A = arith.index_cast %add3A_28 : i32 to index
        %swap3A_40 = arith.index_cast %add3A_38 : i32 to index
        %swap3A_41 = tpu.vector_load %arg8[%swap3A, %swap3A_40] {strides = array<i32>} : memref<125x128xf32, #tpu.memory_space<vmem>>, vector<1x16xf32>,
        %swap3A_42 = vector.shape_cast %swap3A_41 : vector<1x16xf32> to vector<1x16xf32>
        %swap3A_43 = vector.shape_cast %broadcast_in_dim3A_39 : vector<1x16xf32> to vector<1x16xf32>
        tpu.vector_store %arg8[%swap3A, %swap3A_40], %swap3A_43 {strides = array<i32>} : memref<125x128xf32, #tpu.memory_space<vmem>>, vector<1x16xf32>,
      }
      %scan3A_33 = arith.constant 8 : i32
    }
    %scan3A_4 = arith.constant 125 : i32
    %scan3A_5 = arith.constant 0 : i32
    %scan3A_6 = arith.constant 5 : i32
    %scan3A_7 = arith.addi %scan3A_5, %scan3A_6 : i32
    %scan3A_8 = arith.constant 1 : i32
    scf.for %scan3A_24 = %scan3A_5 to %scan3A_7 step %scan3A_8  : i32 {
      %mul3A_25 = arith.constant 1 : i32
      %mul3A_26 = arith.muli %scan3A_24, %mul3A_25 : i32
      %add3A_27 = arith.constant 0 : i32
      %add3A_28 = arith.addi %add3A_27, %mul3A_26 : i32
      %mul3A_29 = arith.constant 640 : i32
      %mul3A_30 = arith.muli %arg1, %mul3A_29 : i32
      %mul3A_31 = arith.constant 125 : i32
      %mul3A_32 = arith.muli %add3A_28, %mul3A_31 : i32
      %add3A_33 = arith.addi %mul3A_30, %mul3A_32 : i32
      "tpu.region"() ({
        %run_scoped3A = tpu.sem_alloc : memref<!tpu.dma_semaphore, #tpu.memory_space<semaphore_mem>>
        %dma_start3A = arith.constant 0 : i32
        %dma_start3A_34 = tpu.memref_slice %arg10[%add3A_33, %dma_start3A] : memref<10240x128xf32, #tpu.memory_space<vmem_shared>> -> memref<125x128xf32, #tpu.memory_space<vmem_shared>>
        %dma_start3A_35 = arith.constant 0 : i32
        %dma_start3A_36 = tpu.memref_slice %arg10[%add3A_33, %dma_start3A_35] : memref<10240x128xf32, #tpu.memory_space<vmem_shared>> -> memref<125x128xf32, #tpu.memory_space<vmem_shared>>
        tpu.enqueue_dma source(%arg8 : memref<125x128xf32, #tpu.memory_space<vmem>>) target(%dma_start3A_36 : memref<125x128xf32, #tpu.memory_space<vmem_shared>>) target_semaphore(%run_scoped3A : memref<!tpu.dma_semaphore, #tpu.memory_space<semaphore_mem>>)
        %dma_wait3A = arith.constant 0 : i32
        %dma_wait3A_37 = tpu.memref_slice %arg10[%add3A_33, %dma_wait3A] : memref<10240x128xf32, #tpu.memory_space<vmem_shared>> -> memref<125x128xf32, #tpu.memory_space<vmem_shared>>
        %dma_wait3A_38 = arith.constant 0 : i32
        %dma_wait3A_39 = tpu.memref_slice %arg10[%add3A_33, %dma_wait3A_38] : memref<10240x128xf32, #tpu.memory_space<vmem_shared>> -> memref<125x128xf32, #tpu.memory_space<vmem_shared>>
        tpu.wait_dma2 semaphore(%run_scoped3A : memref<!tpu.dma_semaphore, #tpu.memory_space<semaphore_mem>>) src(%arg8 : memref<125x128xf32, #tpu.memory_space<vmem>>) dst(%dma_wait3A_39 : memref<125x128xf32, #tpu.memory_space<vmem_shared>>)
        tpu.yield
      }) : () -> ()
    }
    %scan3A_9 = arith.constant 5 : i32
    %mul3A_10 = arith.constant 640 : i32
    %mul3A_11 = arith.muli %arg1, %mul3A_10 : i32
    %add3A_12 = arith.constant 625 : i32
    %add3A_13 = arith.addi %mul3A_11, %add3A_12 : i32
    "tpu.region"() ({
      %run_scoped3A = tpu.sem_alloc : memref<!tpu.dma_semaphore, #tpu.memory_space<semaphore_mem>>
      %dma_start3A = arith.constant 0 : i32
      %dma_start3A_24 = arith.constant 0 : i32
      %dma_start3A_25 = tpu.memref_slice %arg8[%dma_start3A, %dma_start3A_24] : memref<125x128xf32, #tpu.memory_space<vmem>> -> memref<15x128xf32, #tpu.memory_space<vmem>>
      %dma_start3A_26 = arith.constant 0 : i32
      %dma_start3A_27 = tpu.memref_slice %arg10[%add3A_13, %dma_start3A_26] : memref<10240x128xf32, #tpu.memory_space<vmem_shared>> -> memref<15x128xf32, #tpu.memory_space<vmem_shared>>
      %dma_start3A_28 = arith.constant 0 : i32
      %dma_start3A_29 = tpu.memref_slice %arg10[%add3A_13, %dma_start3A_28] : memref<10240x128xf32, #tpu.memory_space<vmem_shared>> -> memref<15x128xf32, #tpu.memory_space<vmem_shared>>
      %dma_start3A_30 = arith.constant 0 : i32
      %dma_start3A_31 = arith.constant 0 : i32
      %dma_start3A_32 = tpu.memref_slice %arg8[%dma_start3A_30, %dma_start3A_31] : memref<125x128xf32, #tpu.memory_space<vmem>> -> memref<15x128xf32, #tpu.memory_space<vmem>>
      tpu.enqueue_dma source(%dma_start3A_32 : memref<15x128xf32, #tpu.memory_space<vmem>>) target(%dma_start3A_29 : memref<15x128xf32, #tpu.memory_space<vmem_shared>>) target_semaphore(%run_scoped3A : memref<!tpu.dma_semaphore, #tpu.memory_space<semaphore_mem>>)
      %dma_wait3A = arith.constant 0 : i32
      %dma_wait3A_33 = arith.constant 0 : i32
      %dma_wait3A_34 = tpu.memref_slice %arg8[%dma_wait3A, %dma_wait3A_33] : memref<125x128xf32, #tpu.memory_space<vmem>> -> memref<15x128xf32, #tpu.memory_space<vmem>>
      %dma_wait3A_35 = arith.constant 0 : i32
      %dma_wait3A_36 = tpu.memref_slice %arg10[%add3A_13, %dma_wait3A_35] : memref<10240x128xf32, #tpu.memory_space<vmem_shared>> -> memref<15x128xf32, #tpu.memory_space<vmem_shared>>
      %dma_wait3A_37 = arith.constant 0 : i32
      %dma_wait3A_38 = tpu.memref_slice %arg10[%add3A_13, %dma_wait3A_37] : memref<10240x128xf32, #tpu.memory_space<vmem_shared>> -> memref<15x128xf32, #tpu.memory_space<vmem_shared>>
      %dma_wait3A_39 = arith.constant 0 : i32
      %dma_wait3A_40 = arith.constant 0 : i32
      %dma_wait3A_41 = tpu.memref_slice %arg8[%dma_wait3A_39, %dma_wait3A_40] : memref<125x128xf32, #tpu.memory_space<vmem>> -> memref<15x128xf32, #tpu.memory_space<vmem>>
      tpu.wait_dma2 semaphore(%run_scoped3A : memref<!tpu.dma_semaphore, #tpu.memory_space<semaphore_mem>>) src(%dma_wait3A_41 : memref<15x128xf32, #tpu.memory_space<vmem>>) dst(%dma_wait3A_38 : memref<15x128xf32, #tpu.memory_space<vmem_shared>>)
      tpu.yield
    }) : () -> ()
    %barrier3A = arith.constant 0 : index
    tpu.barrier barrier_id(%barrier3A)
    %scan3A_14 = arith.constant 0 : i32
    %scan3A_15 = arith.constant 2 : i32
    %scan3A_16 = arith.addi %scan3A_14, %scan3A_15 : i32
    %scan3A_17 = arith.constant 1 : i32
    scf.for %scan3A_24 = %scan3A_14 to %scan3A_16 step %scan3A_17  : i32 {
      %mul3A_25 = arith.constant 1 : i32
      %mul3A_26 = arith.muli %scan3A_24, %mul3A_25 : i32
      %add3A_27 = arith.constant 0 : i32
      %add3A_28 = arith.addi %add3A_27, %mul3A_26 : i32
      %mul3A_29 = arith.constant 80 : i32
      %mul3A_30 = arith.muli %add3A, %mul3A_29 : i32
      %mul3A_31 = arith.constant 40 : i32
      %mul3A_32 = arith.muli %add3A_28, %mul3A_31 : i32
      %add3A_33 = arith.addi %mul3A_30, %mul3A_32 : i32
      "tpu.region"() ({
        %run_scoped3A = tpu.sem_alloc : memref<!tpu.dma_semaphore, #tpu.memory_space<semaphore_mem>>
        %dma_start3A = arith.constant 0 : i32
        %dma_start3A_44 = tpu.memref_slice %arg2[%add3A_33, %dma_start3A] : memref<2560x125xi32, #tpu.memory_space<hbm>> -> memref<40x125xi32, #tpu.memory_space<hbm>>
        %dma_start3A_45 = arith.constant 0 : i32
        %dma_start3A_46 = tpu.memref_slice %arg2[%add3A_33, %dma_start3A_45] : memref<2560x125xi32, #tpu.memory_space<hbm>> -> memref<40x125xi32, #tpu.memory_space<hbm>>
        tpu.enqueue_dma source(%dma_start3A_46 : memref<40x125xi32, #tpu.memory_space<hbm>>) target(%arg6 : memref<40x125xi32, #tpu.memory_space<vmem>>) target_semaphore(%run_scoped3A : memref<!tpu.dma_semaphore, #tpu.memory_space<semaphore_mem>>)
        %dma_wait3A = arith.constant 0 : i32
        %dma_wait3A_47 = tpu.memref_slice %arg2[%add3A_33, %dma_wait3A] : memref<2560x125xi32, #tpu.memory_space<hbm>> -> memref<40x125xi32, #tpu.memory_space<hbm>>
        %dma_wait3A_48 = arith.constant 0 : i32
        %dma_wait3A_49 = tpu.memref_slice %arg2[%add3A_33, %dma_wait3A_48] : memref<2560x125xi32, #tpu.memory_space<hbm>> -> memref<40x125xi32, #tpu.memory_space<hbm>>
        tpu.wait_dma2 semaphore(%run_scoped3A : memref<!tpu.dma_semaphore, #tpu.memory_space<semaphore_mem>>) src(%dma_wait3A_49 : memref<40x125xi32, #tpu.memory_space<hbm>>) dst(%arg6 : memref<40x125xi32, #tpu.memory_space<vmem>>)
        tpu.yield
      }) : () -> ()
      %mul3A_34 = arith.constant 80 : i32
      %mul3A_35 = arith.muli %add3A, %mul3A_34 : i32
      %mul3A_36 = arith.constant 40 : i32
      %mul3A_37 = arith.muli %add3A_28, %mul3A_36 : i32
      %add3A_38 = arith.addi %mul3A_35, %mul3A_37 : i32
      "tpu.region"() ({
        %run_scoped3A = tpu.sem_alloc : memref<!tpu.dma_semaphore, #tpu.memory_space<semaphore_mem>>
        %dma_start3A = arith.constant 0 : i32
        %dma_start3A_44 = tpu.memref_slice %arg3[%add3A_38, %dma_start3A] : memref<2560x125xi32, #tpu.memory_space<hbm>> -> memref<40x125xi32, #tpu.memory_space<hbm>>
        %dma_start3A_45 = arith.constant 0 : i32
        %dma_start3A_46 = tpu.memref_slice %arg3[%add3A_38, %dma_start3A_45] : memref<2560x125xi32, #tpu.memory_space<hbm>> -> memref<40x125xi32, #tpu.memory_space<hbm>>
        tpu.enqueue_dma source(%dma_start3A_46 : memref<40x125xi32, #tpu.memory_space<hbm>>) target(%arg7 : memref<40x125xi32, #tpu.memory_space<vmem>>) target_semaphore(%run_scoped3A : memref<!tpu.dma_semaphore, #tpu.memory_space<semaphore_mem>>)
        %dma_wait3A = arith.constant 0 : i32
        %dma_wait3A_47 = tpu.memref_slice %arg3[%add3A_38, %dma_wait3A] : memref<2560x125xi32, #tpu.memory_space<hbm>> -> memref<40x125xi32, #tpu.memory_space<hbm>>
        %dma_wait3A_48 = arith.constant 0 : i32
        %dma_wait3A_49 = tpu.memref_slice %arg3[%add3A_38, %dma_wait3A_48] : memref<2560x125xi32, #tpu.memory_space<hbm>> -> memref<40x125xi32, #tpu.memory_space<hbm>>
        tpu.wait_dma2 semaphore(%run_scoped3A : memref<!tpu.dma_semaphore, #tpu.memory_space<semaphore_mem>>) src(%dma_wait3A_49 : memref<40x125xi32, #tpu.memory_space<hbm>>) dst(%arg7 : memref<40x125xi32, #tpu.memory_space<vmem>>)
        tpu.yield
      }) : () -> ()
      %scan3A_39 = arith.constant 0 : i32
      %scan3A_40 = arith.constant 40 : i32
      %scan3A_41 = arith.addi %scan3A_39, %scan3A_40 : i32
      %scan3A_42 = arith.constant 1 : i32
      scf.for %scan3A_44 = %scan3A_39 to %scan3A_41 step %scan3A_42  : i32 {
        %mul3A_45 = arith.constant 1 : i32
        %mul3A_46 = arith.muli %scan3A_44, %mul3A_45 : i32
        %add3A_47 = arith.constant 0 : i32
        %add3A_48 = arith.addi %add3A_47, %mul3A_46 : i32
        %dma_start3A = arith.constant 0 : i32
        %dma_start3A_49 = tpu.memref_slice %arg6[%add3A_48, %dma_start3A] : memref<40x125xi32, #tpu.memory_space<vmem>> -> memref<1x125xi32, #tpu.memory_space<vmem>>
        %dma_start3A_50 = tpu.memref_squeeze %dma_start3A_49 : memref<1x125xi32, #tpu.memory_space<vmem>> -> memref<125xi32, #tpu.memory_space<vmem>>
        %dma_start3A_51 = arith.constant 0 : i32
        %dma_start3A_52 = arith.constant 0 : i32
        %dma_start3A_53 = tpu.memref_slice %arg4[%dma_start3A_51, %dma_start3A_52] : memref<10000x128xf32, #tpu.memory_space<hbm>> -> memref<10000x128xf32, #tpu.memory_space<hbm>>
        tpu.enqueue_indirect_dma source(%dma_start3A_53 : memref<10000x128xf32, #tpu.memory_space<hbm>>) target(%arg8 : memref<125x128xf32, #tpu.memory_space<vmem>>) offsets(%dma_start3A_50 : memref<125xi32, #tpu.memory_space<vmem>>) semaphore(%arg11 : memref<!tpu.dma_semaphore, #tpu.memory_space<semaphore_mem>>)
        %dma_wait3A = arith.constant 0 : i32
        %dma_wait3A_54 = tpu.memref_slice %arg6[%add3A_48, %dma_wait3A] : memref<40x125xi32, #tpu.memory_space<vmem>> -> memref<1x125xi32, #tpu.memory_space<vmem>>
        %dma_wait3A_55 = tpu.memref_squeeze %dma_wait3A_54 : memref<1x125xi32, #tpu.memory_space<vmem>> -> memref<125xi32, #tpu.memory_space<vmem>>
        %dma_wait3A_56 = arith.constant 0 : i32
        %dma_wait3A_57 = arith.constant 0 : i32
        %dma_wait3A_58 = tpu.memref_slice %arg4[%dma_wait3A_56, %dma_wait3A_57] : memref<10000x128xf32, #tpu.memory_space<hbm>> -> memref<10000x128xf32, #tpu.memory_space<hbm>>
        tpu.wait_indirect_dma semaphore(%arg11 : memref<!tpu.dma_semaphore, #tpu.memory_space<semaphore_mem>>) src(%dma_wait3A_58 : memref<10000x128xf32, #tpu.memory_space<hbm>>) dst(%arg8 : memref<125x128xf32, #tpu.memory_space<vmem>>)
        "tpu.region"() ({
          %run_scoped3A = tpu.sem_alloc : memref<!tpu.dma_semaphore, #tpu.memory_space<semaphore_mem>>
          %dma_start3A_59 = arith.constant 0 : i32
          %dma_start3A_60 = tpu.memref_slice %arg7[%add3A_48, %dma_start3A_59] : memref<40x125xi32, #tpu.memory_space<vmem>> -> memref<1x125xi32, #tpu.memory_space<vmem>>
          %dma_start3A_61 = tpu.memref_squeeze %dma_start3A_60 : memref<1x125xi32, #tpu.memory_space<vmem>> -> memref<125xi32, #tpu.memory_space<vmem>>
          %dma_start3A_62 = arith.constant 0 : i32
          %dma_start3A_63 = arith.constant 0 : i32
          %dma_start3A_64 = tpu.memref_slice %arg10[%dma_start3A_62, %dma_start3A_63] : memref<10240x128xf32, #tpu.memory_space<vmem_shared>> -> memref<10240x128xf32, #tpu.memory_space<vmem_shared>>
          tpu.enqueue_indirect_dma source(%arg8 : memref<125x128xf32, #tpu.memory_space<vmem>>) target(%dma_start3A_64 : memref<10240x128xf32, #tpu.memory_space<vmem_shared>>) offsets(%dma_start3A_61 : memref<125xi32, #tpu.memory_space<vmem>>) semaphore(%run_scoped3A : memref<!tpu.dma_semaphore, #tpu.memory_space<semaphore_mem>>) {add = true}
          %dma_wait3A_65 = arith.constant 0 : i32
          %dma_wait3A_66 = tpu.memref_slice %arg7[%add3A_48, %dma_wait3A_65] : memref<40x125xi32, #tpu.memory_space<vmem>> -> memref<1x125xi32, #tpu.memory_space<vmem>>
          %dma_wait3A_67 = tpu.memref_squeeze %dma_wait3A_66 : memref<1x125xi32, #tpu.memory_space<vmem>> -> memref<125xi32, #tpu.memory_space<vmem>>
          %dma_wait3A_68 = arith.constant 0 : i32
          %dma_wait3A_69 = arith.constant 0 : i32
          %dma_wait3A_70 = tpu.memref_slice %arg10[%dma_wait3A_68, %dma_wait3A_69] : memref<10240x128xf32, #tpu.memory_space<vmem_shared>> -> memref<10240x128xf32, #tpu.memory_space<vmem_shared>>
          tpu.wait_indirect_dma semaphore(%run_scoped3A : memref<!tpu.dma_semaphore, #tpu.memory_space<semaphore_mem>>) src(%arg8 : memref<125x128xf32, #tpu.memory_space<vmem>>) dst(%dma_wait3A_70 : memref<10240x128xf32, #tpu.memory_space<vmem_shared>>)
          tpu.yield
        }) : () -> ()
      }
      %scan3A_43 = arith.constant 40 : i32
    }
    %scan3A_18 = arith.constant 2 : i32
    %barrier3A_19 = arith.constant 0 : index
    tpu.barrier barrier_id(%barrier3A_19)
    %mul3A_20 = arith.constant 640 : i32
    %mul3A_21 = arith.muli %arg1, %mul3A_20 : i32
    %mul3A_22 = arith.constant 640 : i32
    %mul3A_23 = arith.muli %arg1, %mul3A_22 : i32
    "tpu.region"() ({
      %run_scoped3A = tpu.sem_alloc : memref<!tpu.dma_semaphore, #tpu.memory_space<semaphore_mem>>
      %dma_start3A = arith.constant 0 : i32
      %dma_start3A_24 = tpu.memref_slice %arg5[%arg0, %mul3A_23, %dma_start3A] : memref<2x10240x128xf32, #tpu.memory_space<hbm>> -> memref<1x640x128xf32, #tpu.memory_space<hbm>>
      %dma_start3A_25 = tpu.memref_squeeze %dma_start3A_24 : memref<1x640x128xf32, #tpu.memory_space<hbm>> -> memref<640x128xf32, #tpu.memory_space<hbm>>
      %dma_start3A_26 = arith.constant 0 : i32
      %dma_start3A_27 = tpu.memref_slice %arg10[%mul3A_21, %dma_start3A_26] : memref<10240x128xf32, #tpu.memory_space<vmem_shared>> -> memref<640x128xf32, #tpu.memory_space<vmem_shared>>
      tpu.enqueue_dma source(%dma_start3A_27 : memref<640x128xf32, #tpu.memory_space<vmem_shared>>) target(%dma_start3A_25 : memref<640x128xf32, #tpu.memory_space<hbm>>) target_semaphore(%run_scoped3A : memref<!tpu.dma_semaphore, #tpu.memory_space<semaphore_mem>>)
      %dma_wait3A = arith.constant 0 : i32
      %dma_wait3A_28 = tpu.memref_slice %arg5[%arg0, %mul3A_23, %dma_wait3A] : memref<2x10240x128xf32, #tpu.memory_space<hbm>> -> memref<1x640x128xf32, #tpu.memory_space<hbm>>
      %dma_wait3A_29 = tpu.memref_squeeze %dma_wait3A_28 : memref<1x640x128xf32, #tpu.memory_space<hbm>> -> memref<640x128xf32, #tpu.memory_space<hbm>>
      %dma_wait3A_30 = arith.constant 0 : i32
      %dma_wait3A_31 = tpu.memref_slice %arg10[%mul3A_21, %dma_wait3A_30] : memref<10240x128xf32, #tpu.memory_space<vmem_shared>> -> memref<640x128xf32, #tpu.memory_space<vmem_shared>>
      tpu.wait_dma2 semaphore(%run_scoped3A : memref<!tpu.dma_semaphore, #tpu.memory_space<semaphore_mem>>) src(%dma_wait3A_31 : memref<640x128xf32, #tpu.memory_space<vmem_shared>>) dst(%dma_wait3A_29 : memref<640x128xf32, #tpu.memory_space<hbm>>)
      tpu.yield
    }) : () -> ()
    return
  }
}

#map = affine_map<(d0, d1) -> (0, 0)>
#map1 = affine_map<(d0, d1) -> (0, 0, 0)>
module attributes {stable_mosaic.version = 14 : i64} {
  func.func @_sc_agg(%arg0: i32, %arg1: i32, %arg2: memref<2560x125xi32, #tpu.memory_space<hbm>>, %arg3: memref<2560x125xi32, #tpu.memory_space<hbm>>, %arg4: memref<10000x128xf32, #tpu.memory_space<hbm>>, %arg5: memref<2x10240x128xf32, #tpu.memory_space<hbm>>, %arg6: memref<40x125xi32, #tpu.memory_space<vmem>>, %arg7: memref<40x125xi32, #tpu.memory_space<vmem>>, %arg8: memref<125x128xf32, #tpu.memory_space<vmem>>, %arg9: memref<125x128xf32, #tpu.memory_space<vmem>>, %arg10: memref<10240x128xf32, #tpu.memory_space<vmem_shared>>, %arg11: memref<!tpu.dma_semaphore, #tpu.memory_space<semaphore_mem>>, %arg12: memref<!tpu.dma_semaphore, #tpu.memory_space<semaphore_mem>>) attributes {dimension_semantics = [#tpu.dimension_semantics<core_parallel>, #tpu.dimension_semantics<subcore_parallel>], iteration_bounds = array<i64: 2, 16>, scalar_prefetch = 0 : i64, scratch_operands = 7 : i64, tpu.core_type = #tpu.core_type<sc_vector_subcore>, window_params = [{transform_indices = #map}, {transform_indices = #map}, {transform_indices = #map}, {transform_indices = #map1}]} {
    %mul3A = arith.constant 16 : i32
    %mul3A_0 = arith.muli %arg0, %mul3A : i32
    %add3A = arith.addi %mul3A_0, %arg1 : i32
    %scan3A = arith.constant 0 : i32
    %scan3A_1 = arith.constant 125 : i32
    %scan3A_2 = arith.addi %scan3A, %scan3A_1 : i32
    %scan3A_3 = arith.constant 1 : i32
    scf.for %scan3A_24 = %scan3A to %scan3A_2 step %scan3A_3  : i32 {
      %mul3A_25 = arith.constant 1 : i32
      %mul3A_26 = arith.muli %scan3A_24, %mul3A_25 : i32
      %add3A_27 = arith.constant 0 : i32
      %add3A_28 = arith.addi %add3A_27, %mul3A_26 : i32
      %scan3A_29 = arith.constant 0 : i32
      %scan3A_30 = arith.constant 8 : i32
      %scan3A_31 = arith.addi %scan3A_29, %scan3A_30 : i32
      %scan3A_32 = arith.constant 1 : i32
      scf.for %scan3A_34 = %scan3A_29 to %scan3A_31 step %scan3A_32  : i32 {
        %mul3A_35 = arith.constant 16 : i32
        %mul3A_36 = arith.muli %scan3A_34, %mul3A_35 : i32
        %add3A_37 = arith.constant 0 : i32
        %add3A_38 = arith.addi %add3A_37, %mul3A_36 : i32
        %broadcast_in_dim3A = arith.constant 0.000000e+00 : f32
        %broadcast_in_dim3A_39 = vector.broadcast %broadcast_in_dim3A : f32 to vector<1x16xf32>
        %swap3A = arith.index_cast %add3A_28 : i32 to index
        %swap3A_40 = arith.index_cast %add3A_38 : i32 to index
        %swap3A_41 = tpu.vector_load %arg8[%swap3A, %swap3A_40] {strides = array<i32>} : memref<125x128xf32, #tpu.memory_space<vmem>>, vector<1x16xf32>,
        %swap3A_42 = vector.shape_cast %swap3A_41 : vector<1x16xf32> to vector<1x16xf32>
        %swap3A_43 = vector.shape_cast %broadcast_in_dim3A_39 : vector<1x16xf32> to vector<1x16xf32>
        tpu.vector_store %arg8[%swap3A, %swap3A_40], %swap3A_43 {strides = array<i32>} : memref<125x128xf32, #tpu.memory_space<vmem>>, vector<1x16xf32>,
      }
      %scan3A_33 = arith.constant 8 : i32
    }
    %scan3A_4 = arith.constant 125 : i32
    %scan3A_5 = arith.constant 0 : i32
    %scan3A_6 = arith.constant 5 : i32
    %scan3A_7 = arith.addi %scan3A_5, %scan3A_6 : i32
    %scan3A_8 = arith.constant 1 : i32
    scf.for %scan3A_24 = %scan3A_5 to %scan3A_7 step %scan3A_8  : i32 {
      %mul3A_25 = arith.constant 1 : i32
      %mul3A_26 = arith.muli %scan3A_24, %mul3A_25 : i32
      %add3A_27 = arith.constant 0 : i32
      %add3A_28 = arith.addi %add3A_27, %mul3A_26 : i32
      %mul3A_29 = arith.constant 640 : i32
      %mul3A_30 = arith.muli %arg1, %mul3A_29 : i32
      %mul3A_31 = arith.constant 125 : i32
      %mul3A_32 = arith.muli %add3A_28, %mul3A_31 : i32
      %add3A_33 = arith.addi %mul3A_30, %mul3A_32 : i32
      "tpu.region"() ({
        %run_scoped3A = tpu.sem_alloc : memref<!tpu.dma_semaphore, #tpu.memory_space<semaphore_mem>>
        %dma_start3A = arith.constant 0 : i32
        %dma_start3A_34 = tpu.memref_slice %arg10[%add3A_33, %dma_start3A] : memref<10240x128xf32, #tpu.memory_space<vmem_shared>> -> memref<125x128xf32, #tpu.memory_space<vmem_shared>>
        %dma_start3A_35 = arith.constant 0 : i32
        %dma_start3A_36 = tpu.memref_slice %arg10[%add3A_33, %dma_start3A_35] : memref<10240x128xf32, #tpu.memory_space<vmem_shared>> -> memref<125x128xf32, #tpu.memory_space<vmem_shared>>
        tpu.enqueue_dma source(%arg8 : memref<125x128xf32, #tpu.memory_space<vmem>>) target(%dma_start3A_36 : memref<125x128xf32, #tpu.memory_space<vmem_shared>>) target_semaphore(%run_scoped3A : memref<!tpu.dma_semaphore, #tpu.memory_space<semaphore_mem>>)
        %dma_wait3A = arith.constant 0 : i32
        %dma_wait3A_37 = tpu.memref_slice %arg10[%add3A_33, %dma_wait3A] : memref<10240x128xf32, #tpu.memory_space<vmem_shared>> -> memref<125x128xf32, #tpu.memory_space<vmem_shared>>
        %dma_wait3A_38 = arith.constant 0 : i32
        %dma_wait3A_39 = tpu.memref_slice %arg10[%add3A_33, %dma_wait3A_38] : memref<10240x128xf32, #tpu.memory_space<vmem_shared>> -> memref<125x128xf32, #tpu.memory_space<vmem_shared>>
        tpu.wait_dma2 semaphore(%run_scoped3A : memref<!tpu.dma_semaphore, #tpu.memory_space<semaphore_mem>>) src(%arg8 : memref<125x128xf32, #tpu.memory_space<vmem>>) dst(%dma_wait3A_39 : memref<125x128xf32, #tpu.memory_space<vmem_shared>>)
        tpu.yield
      }) : () -> ()
    }
    %scan3A_9 = arith.constant 5 : i32
    %mul3A_10 = arith.constant 640 : i32
    %mul3A_11 = arith.muli %arg1, %mul3A_10 : i32
    %add3A_12 = arith.constant 625 : i32
    %add3A_13 = arith.addi %mul3A_11, %add3A_12 : i32
    "tpu.region"() ({
      %run_scoped3A = tpu.sem_alloc : memref<!tpu.dma_semaphore, #tpu.memory_space<semaphore_mem>>
      %dma_start3A = arith.constant 0 : i32
      %dma_start3A_24 = arith.constant 0 : i32
      %dma_start3A_25 = tpu.memref_slice %arg8[%dma_start3A, %dma_start3A_24] : memref<125x128xf32, #tpu.memory_space<vmem>> -> memref<15x128xf32, #tpu.memory_space<vmem>>
      %dma_start3A_26 = arith.constant 0 : i32
      %dma_start3A_27 = tpu.memref_slice %arg10[%add3A_13, %dma_start3A_26] : memref<10240x128xf32, #tpu.memory_space<vmem_shared>> -> memref<15x128xf32, #tpu.memory_space<vmem_shared>>
      %dma_start3A_28 = arith.constant 0 : i32
      %dma_start3A_29 = tpu.memref_slice %arg10[%add3A_13, %dma_start3A_28] : memref<10240x128xf32, #tpu.memory_space<vmem_shared>> -> memref<15x128xf32, #tpu.memory_space<vmem_shared>>
      %dma_start3A_30 = arith.constant 0 : i32
      %dma_start3A_31 = arith.constant 0 : i32
      %dma_start3A_32 = tpu.memref_slice %arg8[%dma_start3A_30, %dma_start3A_31] : memref<125x128xf32, #tpu.memory_space<vmem>> -> memref<15x128xf32, #tpu.memory_space<vmem>>
      tpu.enqueue_dma source(%dma_start3A_32 : memref<15x128xf32, #tpu.memory_space<vmem>>) target(%dma_start3A_29 : memref<15x128xf32, #tpu.memory_space<vmem_shared>>) target_semaphore(%run_scoped3A : memref<!tpu.dma_semaphore, #tpu.memory_space<semaphore_mem>>)
      %dma_wait3A = arith.constant 0 : i32
      %dma_wait3A_33 = arith.constant 0 : i32
      %dma_wait3A_34 = tpu.memref_slice %arg8[%dma_wait3A, %dma_wait3A_33] : memref<125x128xf32, #tpu.memory_space<vmem>> -> memref<15x128xf32, #tpu.memory_space<vmem>>
      %dma_wait3A_35 = arith.constant 0 : i32
      %dma_wait3A_36 = tpu.memref_slice %arg10[%add3A_13, %dma_wait3A_35] : memref<10240x128xf32, #tpu.memory_space<vmem_shared>> -> memref<15x128xf32, #tpu.memory_space<vmem_shared>>
      %dma_wait3A_37 = arith.constant 0 : i32
      %dma_wait3A_38 = tpu.memref_slice %arg10[%add3A_13, %dma_wait3A_37] : memref<10240x128xf32, #tpu.memory_space<vmem_shared>> -> memref<15x128xf32, #tpu.memory_space<vmem_shared>>
      %dma_wait3A_39 = arith.constant 0 : i32
      %dma_wait3A_40 = arith.constant 0 : i32
      %dma_wait3A_41 = tpu.memref_slice %arg8[%dma_wait3A_39, %dma_wait3A_40] : memref<125x128xf32, #tpu.memory_space<vmem>> -> memref<15x128xf32, #tpu.memory_space<vmem>>
      tpu.wait_dma2 semaphore(%run_scoped3A : memref<!tpu.dma_semaphore, #tpu.memory_space<semaphore_mem>>) src(%dma_wait3A_41 : memref<15x128xf32, #tpu.memory_space<vmem>>) dst(%dma_wait3A_38 : memref<15x128xf32, #tpu.memory_space<vmem_shared>>)
      tpu.yield
    }) : () -> ()
    %barrier3A = arith.constant 0 : index
    tpu.barrier barrier_id(%barrier3A)
    %scan3A_14 = arith.constant 0 : i32
    %scan3A_15 = arith.constant 2 : i32
    %scan3A_16 = arith.addi %scan3A_14, %scan3A_15 : i32
    %scan3A_17 = arith.constant 1 : i32
    scf.for %scan3A_24 = %scan3A_14 to %scan3A_16 step %scan3A_17  : i32 {
      %mul3A_25 = arith.constant 1 : i32
      %mul3A_26 = arith.muli %scan3A_24, %mul3A_25 : i32
      %add3A_27 = arith.constant 0 : i32
      %add3A_28 = arith.addi %add3A_27, %mul3A_26 : i32
      %mul3A_29 = arith.constant 80 : i32
      %mul3A_30 = arith.muli %add3A, %mul3A_29 : i32
      %mul3A_31 = arith.constant 40 : i32
      %mul3A_32 = arith.muli %add3A_28, %mul3A_31 : i32
      %add3A_33 = arith.addi %mul3A_30, %mul3A_32 : i32
      "tpu.region"() ({
        %run_scoped3A = tpu.sem_alloc : memref<!tpu.dma_semaphore, #tpu.memory_space<semaphore_mem>>
        %dma_start3A = arith.constant 0 : i32
        %dma_start3A_44 = tpu.memref_slice %arg2[%add3A_33, %dma_start3A] : memref<2560x125xi32, #tpu.memory_space<hbm>> -> memref<40x125xi32, #tpu.memory_space<hbm>>
        %dma_start3A_45 = arith.constant 0 : i32
        %dma_start3A_46 = tpu.memref_slice %arg2[%add3A_33, %dma_start3A_45] : memref<2560x125xi32, #tpu.memory_space<hbm>> -> memref<40x125xi32, #tpu.memory_space<hbm>>
        tpu.enqueue_dma source(%dma_start3A_46 : memref<40x125xi32, #tpu.memory_space<hbm>>) target(%arg6 : memref<40x125xi32, #tpu.memory_space<vmem>>) target_semaphore(%run_scoped3A : memref<!tpu.dma_semaphore, #tpu.memory_space<semaphore_mem>>)
        %dma_wait3A = arith.constant 0 : i32
        %dma_wait3A_47 = tpu.memref_slice %arg2[%add3A_33, %dma_wait3A] : memref<2560x125xi32, #tpu.memory_space<hbm>> -> memref<40x125xi32, #tpu.memory_space<hbm>>
        %dma_wait3A_48 = arith.constant 0 : i32
        %dma_wait3A_49 = tpu.memref_slice %arg2[%add3A_33, %dma_wait3A_48] : memref<2560x125xi32, #tpu.memory_space<hbm>> -> memref<40x125xi32, #tpu.memory_space<hbm>>
        tpu.wait_dma2 semaphore(%run_scoped3A : memref<!tpu.dma_semaphore, #tpu.memory_space<semaphore_mem>>) src(%dma_wait3A_49 : memref<40x125xi32, #tpu.memory_space<hbm>>) dst(%arg6 : memref<40x125xi32, #tpu.memory_space<vmem>>)
        tpu.yield
      }) : () -> ()
      %mul3A_34 = arith.constant 80 : i32
      %mul3A_35 = arith.muli %add3A, %mul3A_34 : i32
      %mul3A_36 = arith.constant 40 : i32
      %mul3A_37 = arith.muli %add3A_28, %mul3A_36 : i32
      %add3A_38 = arith.addi %mul3A_35, %mul3A_37 : i32
      "tpu.region"() ({
        %run_scoped3A = tpu.sem_alloc : memref<!tpu.dma_semaphore, #tpu.memory_space<semaphore_mem>>
        %dma_start3A = arith.constant 0 : i32
        %dma_start3A_44 = tpu.memref_slice %arg3[%add3A_38, %dma_start3A] : memref<2560x125xi32, #tpu.memory_space<hbm>> -> memref<40x125xi32, #tpu.memory_space<hbm>>
        %dma_start3A_45 = arith.constant 0 : i32
        %dma_start3A_46 = tpu.memref_slice %arg3[%add3A_38, %dma_start3A_45] : memref<2560x125xi32, #tpu.memory_space<hbm>> -> memref<40x125xi32, #tpu.memory_space<hbm>>
        tpu.enqueue_dma source(%dma_start3A_46 : memref<40x125xi32, #tpu.memory_space<hbm>>) target(%arg7 : memref<40x125xi32, #tpu.memory_space<vmem>>) target_semaphore(%run_scoped3A : memref<!tpu.dma_semaphore, #tpu.memory_space<semaphore_mem>>)
        %dma_wait3A = arith.constant 0 : i32
        %dma_wait3A_47 = tpu.memref_slice %arg3[%add3A_38, %dma_wait3A] : memref<2560x125xi32, #tpu.memory_space<hbm>> -> memref<40x125xi32, #tpu.memory_space<hbm>>
        %dma_wait3A_48 = arith.constant 0 : i32
        %dma_wait3A_49 = tpu.memref_slice %arg3[%add3A_38, %dma_wait3A_48] : memref<2560x125xi32, #tpu.memory_space<hbm>> -> memref<40x125xi32, #tpu.memory_space<hbm>>
        tpu.wait_dma2 semaphore(%run_scoped3A : memref<!tpu.dma_semaphore, #tpu.memory_space<semaphore_mem>>) src(%dma_wait3A_49 : memref<40x125xi32, #tpu.memory_space<hbm>>) dst(%arg7 : memref<40x125xi32, #tpu.memory_space<vmem>>)
        tpu.yield
      }) : () -> ()
      %scan3A_39 = arith.constant 0 : i32
      %scan3A_40 = arith.constant 40 : i32
      %scan3A_41 = arith.addi %scan3A_39, %scan3A_40 : i32
      %scan3A_42 = arith.constant 1 : i32
      scf.for %scan3A_44 = %scan3A_39 to %scan3A_41 step %scan3A_42  : i32 {
        %mul3A_45 = arith.constant 1 : i32
        %mul3A_46 = arith.muli %scan3A_44, %mul3A_45 : i32
        %add3A_47 = arith.constant 0 : i32
        %add3A_48 = arith.addi %add3A_47, %mul3A_46 : i32
        %dma_start3A = arith.constant 0 : i32
        %dma_start3A_49 = tpu.memref_slice %arg6[%add3A_48, %dma_start3A] : memref<40x125xi32, #tpu.memory_space<vmem>> -> memref<1x125xi32, #tpu.memory_space<vmem>>
        %dma_start3A_50 = tpu.memref_squeeze %dma_start3A_49 : memref<1x125xi32, #tpu.memory_space<vmem>> -> memref<125xi32, #tpu.memory_space<vmem>>
        %dma_start3A_51 = arith.constant 0 : i32
        %dma_start3A_52 = arith.constant 0 : i32
        %dma_start3A_53 = tpu.memref_slice %arg4[%dma_start3A_51, %dma_start3A_52] : memref<10000x128xf32, #tpu.memory_space<hbm>> -> memref<10000x128xf32, #tpu.memory_space<hbm>>
        tpu.enqueue_indirect_dma source(%dma_start3A_53 : memref<10000x128xf32, #tpu.memory_space<hbm>>) target(%arg8 : memref<125x128xf32, #tpu.memory_space<vmem>>) offsets(%dma_start3A_50 : memref<125xi32, #tpu.memory_space<vmem>>) semaphore(%arg11 : memref<!tpu.dma_semaphore, #tpu.memory_space<semaphore_mem>>)
        %dma_wait3A = arith.constant 0 : i32
        %dma_wait3A_54 = tpu.memref_slice %arg6[%add3A_48, %dma_wait3A] : memref<40x125xi32, #tpu.memory_space<vmem>> -> memref<1x125xi32, #tpu.memory_space<vmem>>
        %dma_wait3A_55 = tpu.memref_squeeze %dma_wait3A_54 : memref<1x125xi32, #tpu.memory_space<vmem>> -> memref<125xi32, #tpu.memory_space<vmem>>
        %dma_wait3A_56 = arith.constant 0 : i32
        %dma_wait3A_57 = arith.constant 0 : i32
        %dma_wait3A_58 = tpu.memref_slice %arg4[%dma_wait3A_56, %dma_wait3A_57] : memref<10000x128xf32, #tpu.memory_space<hbm>> -> memref<10000x128xf32, #tpu.memory_space<hbm>>
        tpu.wait_indirect_dma semaphore(%arg11 : memref<!tpu.dma_semaphore, #tpu.memory_space<semaphore_mem>>) src(%dma_wait3A_58 : memref<10000x128xf32, #tpu.memory_space<hbm>>) dst(%arg8 : memref<125x128xf32, #tpu.memory_space<vmem>>)
        "tpu.region"() ({
          %run_scoped3A = tpu.sem_alloc : memref<!tpu.dma_semaphore, #tpu.memory_space<semaphore_mem>>
          %dma_start3A_59 = arith.constant 0 : i32
          %dma_start3A_60 = tpu.memref_slice %arg7[%add3A_48, %dma_start3A_59] : memref<40x125xi32, #tpu.memory_space<vmem>> -> memref<1x125xi32, #tpu.memory_space<vmem>>
          %dma_start3A_61 = tpu.memref_squeeze %dma_start3A_60 : memref<1x125xi32, #tpu.memory_space<vmem>> -> memref<125xi32, #tpu.memory_space<vmem>>
          %dma_start3A_62 = arith.constant 0 : i32
          %dma_start3A_63 = arith.constant 0 : i32
          %dma_start3A_64 = tpu.memref_slice %arg10[%dma_start3A_62, %dma_start3A_63] : memref<10240x128xf32, #tpu.memory_space<vmem_shared>> -> memref<10240x128xf32, #tpu.memory_space<vmem_shared>>
          tpu.enqueue_indirect_dma source(%arg8 : memref<125x128xf32, #tpu.memory_space<vmem>>) target(%dma_start3A_64 : memref<10240x128xf32, #tpu.memory_space<vmem_shared>>) offsets(%dma_start3A_61 : memref<125xi32, #tpu.memory_space<vmem>>) semaphore(%run_scoped3A : memref<!tpu.dma_semaphore, #tpu.memory_space<semaphore_mem>>) {add = true}
          %dma_wait3A_65 = arith.constant 0 : i32
          %dma_wait3A_66 = tpu.memref_slice %arg7[%add3A_48, %dma_wait3A_65] : memref<40x125xi32, #tpu.memory_space<vmem>> -> memref<1x125xi32, #tpu.memory_space<vmem>>
          %dma_wait3A_67 = tpu.memref_squeeze %dma_wait3A_66 : memref<1x125xi32, #tpu.memory_space<vmem>> -> memref<125xi32, #tpu.memory_space<vmem>>
          %dma_wait3A_68 = arith.constant 0 : i32
          %dma_wait3A_69 = arith.constant 0 : i32
          %dma_wait3A_70 = tpu.memref_slice %arg10[%dma_wait3A_68, %dma_wait3A_69] : memref<10240x128xf32, #tpu.memory_space<vmem_shared>> -> memref<10240x128xf32, #tpu.memory_space<vmem_shared>>
          tpu.wait_indirect_dma semaphore(%run_scoped3A : memref<!tpu.dma_semaphore, #tpu.memory_space<semaphore_mem>>) src(%arg8 : memref<125x128xf32, #tpu.memory_space<vmem>>) dst(%dma_wait3A_70 : memref<10240x128xf32, #tpu.memory_space<vmem_shared>>)
          tpu.yield
        }) : () -> ()
      }
      %scan3A_43 = arith.constant 40 : i32
    }
    %scan3A_18 = arith.constant 2 : i32
    %barrier3A_19 = arith.constant 0 : index
    tpu.barrier barrier_id(%barrier3A_19)
    %mul3A_20 = arith.constant 640 : i32
    %mul3A_21 = arith.muli %arg1, %mul3A_20 : i32
    %mul3A_22 = arith.constant 640 : i32
    %mul3A_23 = arith.muli %arg1, %mul3A_22 : i32
    "tpu.region"() ({
      %run_scoped3A = tpu.sem_alloc : memref<!tpu.dma_semaphore, #tpu.memory_space<semaphore_mem>>
      %dma_start3A = arith.constant 0 : i32
      %dma_start3A_24 = tpu.memref_slice %arg5[%arg0, %mul3A_23, %dma_start3A] : memref<2x10240x128xf32, #tpu.memory_space<hbm>> -> memref<1x640x128xf32, #tpu.memory_space<hbm>>
      %dma_start3A_25 = tpu.memref_squeeze %dma_start3A_24 : memref<1x640x128xf32, #tpu.memory_space<hbm>> -> memref<640x128xf32, #tpu.memory_space<hbm>>
      %dma_start3A_26 = arith.constant 0 : i32
      %dma_start3A_27 = tpu.memref_slice %arg10[%mul3A_21, %dma_start3A_26] : memref<10240x128xf32, #tpu.memory_space<vmem_shared>> -> memref<640x128xf32, #tpu.memory_space<vmem_shared>>
      tpu.enqueue_dma source(%dma_start3A_27 : memref<640x128xf32, #tpu.memory_space<vmem_shared>>) target(%dma_start3A_25 : memref<640x128xf32, #tpu.memory_space<hbm>>) target_semaphore(%run_scoped3A : memref<!tpu.dma_semaphore, #tpu.memory_space<semaphore_mem>>)
      %dma_wait3A = arith.constant 0 : i32
      %dma_wait3A_28 = tpu.memref_slice %arg5[%arg0, %mul3A_23, %dma_wait3A] : memref<2x10240x128xf32, #tpu.memory_space<hbm>> -> memref<1x640x128xf32, #tpu.memory_space<hbm>>
      %dma_wait3A_29 = tpu.memref_squeeze %dma_wait3A_28 : memref<1x640x128xf32, #tpu.memory_space<hbm>> -> memref<640x128xf32, #tpu.memory_space<hbm>>
      %dma_wait3A_30 = arith.constant 0 : i32
      %dma_wait3A_31 = tpu.memref_slice %arg10[%mul3A_21, %dma_wait3A_30] : memref<10240x128xf32, #tpu.memory_space<vmem_shared>> -> memref<640x128xf32, #tpu.memory_space<vmem_shared>>
      tpu.wait_dma2 semaphore(%run_scoped3A : memref<!tpu.dma_semaphore, #tpu.memory_space<semaphore_mem>>) src(%dma_wait3A_31 : memref<640x128xf32, #tpu.memory_space<vmem_shared>>) dst(%dma_wait3A_29 : memref<640x128xf32, #tpu.memory_space<hbm>>)
      tpu.yield
    }) : () -> ()
    return
  }
}

#map = affine_map<(d0, d1) -> (0, 0)>
#map1 = affine_map<(d0, d1) -> (0, 0, 0)>
module attributes {stable_mosaic.version = 14 : i64} {
  func.func @_sc_deg(%arg0: i32, %arg1: i32, %arg2: memref<2560x125xi32, #tpu.memory_space<hbm>>, %arg3: memref<2x10240x16xf32, #tpu.memory_space<hbm>>, %arg4: memref<80x125xi32, #tpu.memory_space<vmem>>, %arg5: memref<125x16xf32, #tpu.memory_space<vmem>>, %arg6: memref<10240x16xf32, #tpu.memory_space<vmem_shared>>) attributes {dimension_semantics = [#tpu.dimension_semantics<core_parallel>, #tpu.dimension_semantics<subcore_parallel>], iteration_bounds = array<i64: 2, 16>, scalar_prefetch = 0 : i64, scratch_operands = 3 : i64, tpu.core_type = #tpu.core_type<sc_vector_subcore>, window_params = [{transform_indices = #map}, {transform_indices = #map1}]} {
    %mul3A = arith.constant 16 : i32
    %mul3A_0 = arith.muli %arg0, %mul3A : i32
    %add3A = arith.addi %mul3A_0, %arg1 : i32
    %scan3A = arith.constant 0 : i32
    %scan3A_1 = arith.constant 125 : i32
    %scan3A_2 = arith.addi %scan3A, %scan3A_1 : i32
    %scan3A_3 = arith.constant 1 : i32
    scf.for %scan3A_31 = %scan3A to %scan3A_2 step %scan3A_3  : i32 {
      %mul3A_32 = arith.constant 1 : i32
      %mul3A_33 = arith.muli %scan3A_31, %mul3A_32 : i32
      %add3A_34 = arith.constant 0 : i32
      %add3A_35 = arith.addi %add3A_34, %mul3A_33 : i32
      %broadcast_in_dim3A = arith.constant 0.000000e+00 : f32
      %broadcast_in_dim3A_36 = vector.broadcast %broadcast_in_dim3A : f32 to vector<1x16xf32>
      %swap3A = arith.index_cast %add3A_35 : i32 to index
      %swap3A_37 = arith.constant 0 : index
      %swap3A_38 = tpu.vector_load %arg5[%swap3A, %swap3A_37] {strides = array<i32>} : memref<125x16xf32, #tpu.memory_space<vmem>>, vector<1x16xf32>,
      %swap3A_39 = vector.shape_cast %swap3A_38 : vector<1x16xf32> to vector<1x16xf32>
      %swap3A_40 = vector.shape_cast %broadcast_in_dim3A_36 : vector<1x16xf32> to vector<1x16xf32>
      tpu.vector_store %arg5[%swap3A, %swap3A_37], %swap3A_40 {strides = array<i32>} : memref<125x16xf32, #tpu.memory_space<vmem>>, vector<1x16xf32>,
    }
    %scan3A_4 = arith.constant 125 : i32
    %scan3A_5 = arith.constant 0 : i32
    %scan3A_6 = arith.constant 5 : i32
    %scan3A_7 = arith.addi %scan3A_5, %scan3A_6 : i32
    %scan3A_8 = arith.constant 1 : i32
    scf.for %scan3A_31 = %scan3A_5 to %scan3A_7 step %scan3A_8  : i32 {
      %mul3A_32 = arith.constant 1 : i32
      %mul3A_33 = arith.muli %scan3A_31, %mul3A_32 : i32
      %add3A_34 = arith.constant 0 : i32
      %add3A_35 = arith.addi %add3A_34, %mul3A_33 : i32
      %mul3A_36 = arith.constant 640 : i32
      %mul3A_37 = arith.muli %arg1, %mul3A_36 : i32
      %mul3A_38 = arith.constant 125 : i32
      %mul3A_39 = arith.muli %add3A_35, %mul3A_38 : i32
      %add3A_40 = arith.addi %mul3A_37, %mul3A_39 : i32
      "tpu.region"() ({
        %run_scoped3A = tpu.sem_alloc : memref<!tpu.dma_semaphore, #tpu.memory_space<semaphore_mem>>
        %dma_start3A = arith.constant 0 : i32
        %dma_start3A_41 = tpu.memref_slice %arg6[%add3A_40, %dma_start3A] : memref<10240x16xf32, #tpu.memory_space<vmem_shared>> -> memref<125x16xf32, #tpu.memory_space<vmem_shared>>
        %dma_start3A_42 = arith.constant 0 : i32
        %dma_start3A_43 = tpu.memref_slice %arg6[%add3A_40, %dma_start3A_42] : memref<10240x16xf32, #tpu.memory_space<vmem_shared>> -> memref<125x16xf32, #tpu.memory_space<vmem_shared>>
        tpu.enqueue_dma source(%arg5 : memref<125x16xf32, #tpu.memory_space<vmem>>) target(%dma_start3A_43 : memref<125x16xf32, #tpu.memory_space<vmem_shared>>) target_semaphore(%run_scoped3A : memref<!tpu.dma_semaphore, #tpu.memory_space<semaphore_mem>>)
        %dma_wait3A = arith.constant 0 : i32
        %dma_wait3A_44 = tpu.memref_slice %arg6[%add3A_40, %dma_wait3A] : memref<10240x16xf32, #tpu.memory_space<vmem_shared>> -> memref<125x16xf32, #tpu.memory_space<vmem_shared>>
        %dma_wait3A_45 = arith.constant 0 : i32
        %dma_wait3A_46 = tpu.memref_slice %arg6[%add3A_40, %dma_wait3A_45] : memref<10240x16xf32, #tpu.memory_space<vmem_shared>> -> memref<125x16xf32, #tpu.memory_space<vmem_shared>>
        tpu.wait_dma2 semaphore(%run_scoped3A : memref<!tpu.dma_semaphore, #tpu.memory_space<semaphore_mem>>) src(%arg5 : memref<125x16xf32, #tpu.memory_space<vmem>>) dst(%dma_wait3A_46 : memref<125x16xf32, #tpu.memory_space<vmem_shared>>)
        tpu.yield
      }) : () -> ()
    }
    %scan3A_9 = arith.constant 5 : i32
    %mul3A_10 = arith.constant 640 : i32
    %mul3A_11 = arith.muli %arg1, %mul3A_10 : i32
    %add3A_12 = arith.constant 625 : i32
    %add3A_13 = arith.addi %mul3A_11, %add3A_12 : i32
    "tpu.region"() ({
      %run_scoped3A = tpu.sem_alloc : memref<!tpu.dma_semaphore, #tpu.memory_space<semaphore_mem>>
      %dma_start3A = arith.constant 0 : i32
      %dma_start3A_31 = arith.constant 0 : i32
      %dma_start3A_32 = tpu.memref_slice %arg5[%dma_start3A, %dma_start3A_31] : memref<125x16xf32, #tpu.memory_space<vmem>> -> memref<15x16xf32, #tpu.memory_space<vmem>>
      %dma_start3A_33 = arith.constant 0 : i32
      %dma_start3A_34 = tpu.memref_slice %arg6[%add3A_13, %dma_start3A_33] : memref<10240x16xf32, #tpu.memory_space<vmem_shared>> -> memref<15x16xf32, #tpu.memory_space<vmem_shared>>
      %dma_start3A_35 = arith.constant 0 : i32
      %dma_start3A_36 = tpu.memref_slice %arg6[%add3A_13, %dma_start3A_35] : memref<10240x16xf32, #tpu.memory_space<vmem_shared>> -> memref<15x16xf32, #tpu.memory_space<vmem_shared>>
      %dma_start3A_37 = arith.constant 0 : i32
      %dma_start3A_38 = arith.constant 0 : i32
      %dma_start3A_39 = tpu.memref_slice %arg5[%dma_start3A_37, %dma_start3A_38] : memref<125x16xf32, #tpu.memory_space<vmem>> -> memref<15x16xf32, #tpu.memory_space<vmem>>
      tpu.enqueue_dma source(%dma_start3A_39 : memref<15x16xf32, #tpu.memory_space<vmem>>) target(%dma_start3A_36 : memref<15x16xf32, #tpu.memory_space<vmem_shared>>) target_semaphore(%run_scoped3A : memref<!tpu.dma_semaphore, #tpu.memory_space<semaphore_mem>>)
      %dma_wait3A = arith.constant 0 : i32
      %dma_wait3A_40 = arith.constant 0 : i32
      %dma_wait3A_41 = tpu.memref_slice %arg5[%dma_wait3A, %dma_wait3A_40] : memref<125x16xf32, #tpu.memory_space<vmem>> -> memref<15x16xf32, #tpu.memory_space<vmem>>
      %dma_wait3A_42 = arith.constant 0 : i32
      %dma_wait3A_43 = tpu.memref_slice %arg6[%add3A_13, %dma_wait3A_42] : memref<10240x16xf32, #tpu.memory_space<vmem_shared>> -> memref<15x16xf32, #tpu.memory_space<vmem_shared>>
      %dma_wait3A_44 = arith.constant 0 : i32
      %dma_wait3A_45 = tpu.memref_slice %arg6[%add3A_13, %dma_wait3A_44] : memref<10240x16xf32, #tpu.memory_space<vmem_shared>> -> memref<15x16xf32, #tpu.memory_space<vmem_shared>>
      %dma_wait3A_46 = arith.constant 0 : i32
      %dma_wait3A_47 = arith.constant 0 : i32
      %dma_wait3A_48 = tpu.memref_slice %arg5[%dma_wait3A_46, %dma_wait3A_47] : memref<125x16xf32, #tpu.memory_space<vmem>> -> memref<15x16xf32, #tpu.memory_space<vmem>>
      tpu.wait_dma2 semaphore(%run_scoped3A : memref<!tpu.dma_semaphore, #tpu.memory_space<semaphore_mem>>) src(%dma_wait3A_48 : memref<15x16xf32, #tpu.memory_space<vmem>>) dst(%dma_wait3A_45 : memref<15x16xf32, #tpu.memory_space<vmem_shared>>)
      tpu.yield
    }) : () -> ()
    %scan3A_14 = arith.constant 0 : i32
    %scan3A_15 = arith.constant 125 : i32
    %scan3A_16 = arith.addi %scan3A_14, %scan3A_15 : i32
    %scan3A_17 = arith.constant 1 : i32
    scf.for %scan3A_31 = %scan3A_14 to %scan3A_16 step %scan3A_17  : i32 {
      %mul3A_32 = arith.constant 1 : i32
      %mul3A_33 = arith.muli %scan3A_31, %mul3A_32 : i32
      %add3A_34 = arith.constant 0 : i32
      %add3A_35 = arith.addi %add3A_34, %mul3A_33 : i32
      %broadcast_in_dim3A = arith.constant 1.000000e+00 : f32
      %broadcast_in_dim3A_36 = vector.broadcast %broadcast_in_dim3A : f32 to vector<1x16xf32>
      %swap3A = arith.index_cast %add3A_35 : i32 to index
      %swap3A_37 = arith.constant 0 : index
      %swap3A_38 = tpu.vector_load %arg5[%swap3A, %swap3A_37] {strides = array<i32>} : memref<125x16xf32, #tpu.memory_space<vmem>>, vector<1x16xf32>,
      %swap3A_39 = vector.shape_cast %swap3A_38 : vector<1x16xf32> to vector<1x16xf32>
      %swap3A_40 = vector.shape_cast %broadcast_in_dim3A_36 : vector<1x16xf32> to vector<1x16xf32>
      tpu.vector_store %arg5[%swap3A, %swap3A_37], %swap3A_40 {strides = array<i32>} : memref<125x16xf32, #tpu.memory_space<vmem>>, vector<1x16xf32>,
    }
    %scan3A_18 = arith.constant 125 : i32
    %barrier3A = arith.constant 0 : index
    tpu.barrier barrier_id(%barrier3A)
    %mul3A_19 = arith.constant 80 : i32
    %mul3A_20 = arith.muli %add3A, %mul3A_19 : i32
    "tpu.region"() ({
      %run_scoped3A = tpu.sem_alloc : memref<!tpu.dma_semaphore, #tpu.memory_space<semaphore_mem>>
      %dma_start3A = arith.constant 0 : i32
      %dma_start3A_31 = tpu.memref_slice %arg2[%mul3A_20, %dma_start3A] : memref<2560x125xi32, #tpu.memory_space<hbm>> -> memref<80x125xi32, #tpu.memory_space<hbm>>
      %dma_start3A_32 = arith.constant 0 : i32
      %dma_start3A_33 = tpu.memref_slice %arg2[%mul3A_20, %dma_start3A_32] : memref<2560x125xi32, #tpu.memory_space<hbm>> -> memref<80x125xi32, #tpu.memory_space<hbm>>
      tpu.enqueue_dma source(%dma_start3A_33 : memref<80x125xi32, #tpu.memory_space<hbm>>) target(%arg4 : memref<80x125xi32, #tpu.memory_space<vmem>>) target_semaphore(%run_scoped3A : memref<!tpu.dma_semaphore, #tpu.memory_space<semaphore_mem>>)
      %dma_wait3A = arith.constant 0 : i32
      %dma_wait3A_34 = tpu.memref_slice %arg2[%mul3A_20, %dma_wait3A] : memref<2560x125xi32, #tpu.memory_space<hbm>> -> memref<80x125xi32, #tpu.memory_space<hbm>>
      %dma_wait3A_35 = arith.constant 0 : i32
      %dma_wait3A_36 = tpu.memref_slice %arg2[%mul3A_20, %dma_wait3A_35] : memref<2560x125xi32, #tpu.memory_space<hbm>> -> memref<80x125xi32, #tpu.memory_space<hbm>>
      tpu.wait_dma2 semaphore(%run_scoped3A : memref<!tpu.dma_semaphore, #tpu.memory_space<semaphore_mem>>) src(%dma_wait3A_36 : memref<80x125xi32, #tpu.memory_space<hbm>>) dst(%arg4 : memref<80x125xi32, #tpu.memory_space<vmem>>)
      tpu.yield
    }) : () -> ()
    %scan3A_21 = arith.constant 0 : i32
    %scan3A_22 = arith.constant 80 : i32
    %scan3A_23 = arith.addi %scan3A_21, %scan3A_22 : i32
    %scan3A_24 = arith.constant 1 : i32
    scf.for %scan3A_31 = %scan3A_21 to %scan3A_23 step %scan3A_24  : i32 {
      %mul3A_32 = arith.constant 1 : i32
      %mul3A_33 = arith.muli %scan3A_31, %mul3A_32 : i32
      %add3A_34 = arith.constant 0 : i32
      %add3A_35 = arith.addi %add3A_34, %mul3A_33 : i32
      "tpu.region"() ({
        %run_scoped3A = tpu.sem_alloc : memref<!tpu.dma_semaphore, #tpu.memory_space<semaphore_mem>>
        %dma_start3A = arith.constant 0 : i32
        %dma_start3A_36 = tpu.memref_slice %arg4[%add3A_35, %dma_start3A] : memref<80x125xi32, #tpu.memory_space<vmem>> -> memref<1x125xi32, #tpu.memory_space<vmem>>
        %dma_start3A_37 = tpu.memref_squeeze %dma_start3A_36 : memref<1x125xi32, #tpu.memory_space<vmem>> -> memref<125xi32, #tpu.memory_space<vmem>>
        %dma_start3A_38 = arith.constant 0 : i32
        %dma_start3A_39 = arith.constant 0 : i32
        %dma_start3A_40 = tpu.memref_slice %arg6[%dma_start3A_38, %dma_start3A_39] : memref<10240x16xf32, #tpu.memory_space<vmem_shared>> -> memref<10240x16xf32, #tpu.memory_space<vmem_shared>>
        tpu.enqueue_indirect_dma source(%arg5 : memref<125x16xf32, #tpu.memory_space<vmem>>) target(%dma_start3A_40 : memref<10240x16xf32, #tpu.memory_space<vmem_shared>>) offsets(%dma_start3A_37 : memref<125xi32, #tpu.memory_space<vmem>>) semaphore(%run_scoped3A : memref<!tpu.dma_semaphore, #tpu.memory_space<semaphore_mem>>) {add = true}
        %dma_wait3A = arith.constant 0 : i32
        %dma_wait3A_41 = tpu.memref_slice %arg4[%add3A_35, %dma_wait3A] : memref<80x125xi32, #tpu.memory_space<vmem>> -> memref<1x125xi32, #tpu.memory_space<vmem>>
        %dma_wait3A_42 = tpu.memref_squeeze %dma_wait3A_41 : memref<1x125xi32, #tpu.memory_space<vmem>> -> memref<125xi32, #tpu.memory_space<vmem>>
        %dma_wait3A_43 = arith.constant 0 : i32
        %dma_wait3A_44 = arith.constant 0 : i32
        %dma_wait3A_45 = tpu.memref_slice %arg6[%dma_wait3A_43, %dma_wait3A_44] : memref<10240x16xf32, #tpu.memory_space<vmem_shared>> -> memref<10240x16xf32, #tpu.memory_space<vmem_shared>>
        tpu.wait_indirect_dma semaphore(%run_scoped3A : memref<!tpu.dma_semaphore, #tpu.memory_space<semaphore_mem>>) src(%arg5 : memref<125x16xf32, #tpu.memory_space<vmem>>) dst(%dma_wait3A_45 : memref<10240x16xf32, #tpu.memory_space<vmem_shared>>)
        tpu.yield
      }) : () -> ()
    }
    %scan3A_25 = arith.constant 80 : i32
    %barrier3A_26 = arith.constant 0 : index
    tpu.barrier barrier_id(%barrier3A_26)
    %mul3A_27 = arith.constant 640 : i32
    %mul3A_28 = arith.muli %arg1, %mul3A_27 : i32
    %mul3A_29 = arith.constant 640 : i32
    %mul3A_30 = arith.muli %arg1, %mul3A_29 : i32
    "tpu.region"() ({
      %run_scoped3A = tpu.sem_alloc : memref<!tpu.dma_semaphore, #tpu.memory_space<semaphore_mem>>
      %dma_start3A = arith.constant 0 : i32
      %dma_start3A_31 = tpu.memref_slice %arg3[%arg0, %mul3A_30, %dma_start3A] : memref<2x10240x16xf32, #tpu.memory_space<hbm>> -> memref<1x640x16xf32, #tpu.memory_space<hbm>>
      %dma_start3A_32 = tpu.memref_squeeze %dma_start3A_31 : memref<1x640x16xf32, #tpu.memory_space<hbm>> -> memref<640x16xf32, #tpu.memory_space<hbm>>
      %dma_start3A_33 = arith.constant 0 : i32
      %dma_start3A_34 = tpu.memref_slice %arg6[%mul3A_28, %dma_start3A_33] : memref<10240x16xf32, #tpu.memory_space<vmem_shared>> -> memref<640x16xf32, #tpu.memory_space<vmem_shared>>
      tpu.enqueue_dma source(%dma_start3A_34 : memref<640x16xf32, #tpu.memory_space<vmem_shared>>) target(%dma_start3A_32 : memref<640x16xf32, #tpu.memory_space<hbm>>) target_semaphore(%run_scoped3A : memref<!tpu.dma_semaphore, #tpu.memory_space<semaphore_mem>>)
      %dma_wait3A = arith.constant 0 : i32
      %dma_wait3A_35 = tpu.memref_slice %arg3[%arg0, %mul3A_30, %dma_wait3A] : memref<2x10240x16xf32, #tpu.memory_space<hbm>> -> memref<1x640x16xf32, #tpu.memory_space<hbm>>
      %dma_wait3A_36 = tpu.memref_squeeze %dma_wait3A_35 : memref<1x640x16xf32, #tpu.memory_space<hbm>> -> memref<640x16xf32, #tpu.memory_space<hbm>>
      %dma_wait3A_37 = arith.constant 0 : i32
      %dma_wait3A_38 = tpu.memref_slice %arg6[%mul3A_28, %dma_wait3A_37] : memref<10240x16xf32, #tpu.memory_space<vmem_shared>> -> memref<640x16xf32, #tpu.memory_space<vmem_shared>>
      tpu.wait_dma2 semaphore(%run_scoped3A : memref<!tpu.dma_semaphore, #tpu.memory_space<semaphore_mem>>) src(%dma_wait3A_38 : memref<640x16xf32, #tpu.memory_space<vmem_shared>>) dst(%dma_wait3A_36 : memref<640x16xf32, #tpu.memory_space<hbm>>)
      tpu.yield
    }) : () -> ()
    return
  }
}

#map = affine_map<(d0, d1) -> (0, 0)>
#map1 = affine_map<(d0, d1) -> (0, 0, 0)>
module attributes {stable_mosaic.version = 14 : i64} {
  func.func @_sc_agg(%arg0: i32, %arg1: i32, %arg2: memref<2560x125xi32, #tpu.memory_space<hbm>>, %arg3: memref<2560x125xi32, #tpu.memory_space<hbm>>, %arg4: memref<10000x128xf32, #tpu.memory_space<hbm>>, %arg5: memref<2x10240x128xf32, #tpu.memory_space<hbm>>, %arg6: memref<40x125xi32, #tpu.memory_space<vmem>>, %arg7: memref<40x125xi32, #tpu.memory_space<vmem>>, %arg8: memref<125x128xf32, #tpu.memory_space<vmem>>, %arg9: memref<125x128xf32, #tpu.memory_space<vmem>>, %arg10: memref<10240x128xf32, #tpu.memory_space<vmem_shared>>, %arg11: memref<!tpu.dma_semaphore, #tpu.memory_space<semaphore_mem>>, %arg12: memref<!tpu.dma_semaphore, #tpu.memory_space<semaphore_mem>>) attributes {dimension_semantics = [#tpu.dimension_semantics<core_parallel>, #tpu.dimension_semantics<subcore_parallel>], iteration_bounds = array<i64: 2, 16>, scalar_prefetch = 0 : i64, scratch_operands = 7 : i64, tpu.core_type = #tpu.core_type<sc_vector_subcore>, window_params = [{transform_indices = #map}, {transform_indices = #map}, {transform_indices = #map}, {transform_indices = #map1}]} {
    %mul3A = arith.constant 16 : i32
    %mul3A_0 = arith.muli %arg0, %mul3A : i32
    %add3A = arith.addi %mul3A_0, %arg1 : i32
    %scan3A = arith.constant 0 : i32
    %scan3A_1 = arith.constant 125 : i32
    %scan3A_2 = arith.addi %scan3A, %scan3A_1 : i32
    %scan3A_3 = arith.constant 1 : i32
    scf.for %scan3A_24 = %scan3A to %scan3A_2 step %scan3A_3  : i32 {
      %mul3A_25 = arith.constant 1 : i32
      %mul3A_26 = arith.muli %scan3A_24, %mul3A_25 : i32
      %add3A_27 = arith.constant 0 : i32
      %add3A_28 = arith.addi %add3A_27, %mul3A_26 : i32
      %scan3A_29 = arith.constant 0 : i32
      %scan3A_30 = arith.constant 8 : i32
      %scan3A_31 = arith.addi %scan3A_29, %scan3A_30 : i32
      %scan3A_32 = arith.constant 1 : i32
      scf.for %scan3A_34 = %scan3A_29 to %scan3A_31 step %scan3A_32  : i32 {
        %mul3A_35 = arith.constant 16 : i32
        %mul3A_36 = arith.muli %scan3A_34, %mul3A_35 : i32
        %add3A_37 = arith.constant 0 : i32
        %add3A_38 = arith.addi %add3A_37, %mul3A_36 : i32
        %broadcast_in_dim3A = arith.constant 0.000000e+00 : f32
        %broadcast_in_dim3A_39 = vector.broadcast %broadcast_in_dim3A : f32 to vector<1x16xf32>
        %swap3A = arith.index_cast %add3A_28 : i32 to index
        %swap3A_40 = arith.index_cast %add3A_38 : i32 to index
        %swap3A_41 = tpu.vector_load %arg8[%swap3A, %swap3A_40] {strides = array<i32>} : memref<125x128xf32, #tpu.memory_space<vmem>>, vector<1x16xf32>,
        %swap3A_42 = vector.shape_cast %swap3A_41 : vector<1x16xf32> to vector<1x16xf32>
        %swap3A_43 = vector.shape_cast %broadcast_in_dim3A_39 : vector<1x16xf32> to vector<1x16xf32>
        tpu.vector_store %arg8[%swap3A, %swap3A_40], %swap3A_43 {strides = array<i32>} : memref<125x128xf32, #tpu.memory_space<vmem>>, vector<1x16xf32>,
      }
      %scan3A_33 = arith.constant 8 : i32
    }
    %scan3A_4 = arith.constant 125 : i32
    %scan3A_5 = arith.constant 0 : i32
    %scan3A_6 = arith.constant 5 : i32
    %scan3A_7 = arith.addi %scan3A_5, %scan3A_6 : i32
    %scan3A_8 = arith.constant 1 : i32
    scf.for %scan3A_24 = %scan3A_5 to %scan3A_7 step %scan3A_8  : i32 {
      %mul3A_25 = arith.constant 1 : i32
      %mul3A_26 = arith.muli %scan3A_24, %mul3A_25 : i32
      %add3A_27 = arith.constant 0 : i32
      %add3A_28 = arith.addi %add3A_27, %mul3A_26 : i32
      %mul3A_29 = arith.constant 640 : i32
      %mul3A_30 = arith.muli %arg1, %mul3A_29 : i32
      %mul3A_31 = arith.constant 125 : i32
      %mul3A_32 = arith.muli %add3A_28, %mul3A_31 : i32
      %add3A_33 = arith.addi %mul3A_30, %mul3A_32 : i32
      "tpu.region"() ({
        %run_scoped3A = tpu.sem_alloc : memref<!tpu.dma_semaphore, #tpu.memory_space<semaphore_mem>>
        %dma_start3A = arith.constant 0 : i32
        %dma_start3A_34 = tpu.memref_slice %arg10[%add3A_33, %dma_start3A] : memref<10240x128xf32, #tpu.memory_space<vmem_shared>> -> memref<125x128xf32, #tpu.memory_space<vmem_shared>>
        %dma_start3A_35 = arith.constant 0 : i32
        %dma_start3A_36 = tpu.memref_slice %arg10[%add3A_33, %dma_start3A_35] : memref<10240x128xf32, #tpu.memory_space<vmem_shared>> -> memref<125x128xf32, #tpu.memory_space<vmem_shared>>
        tpu.enqueue_dma source(%arg8 : memref<125x128xf32, #tpu.memory_space<vmem>>) target(%dma_start3A_36 : memref<125x128xf32, #tpu.memory_space<vmem_shared>>) target_semaphore(%run_scoped3A : memref<!tpu.dma_semaphore, #tpu.memory_space<semaphore_mem>>)
        %dma_wait3A = arith.constant 0 : i32
        %dma_wait3A_37 = tpu.memref_slice %arg10[%add3A_33, %dma_wait3A] : memref<10240x128xf32, #tpu.memory_space<vmem_shared>> -> memref<125x128xf32, #tpu.memory_space<vmem_shared>>
        %dma_wait3A_38 = arith.constant 0 : i32
        %dma_wait3A_39 = tpu.memref_slice %arg10[%add3A_33, %dma_wait3A_38] : memref<10240x128xf32, #tpu.memory_space<vmem_shared>> -> memref<125x128xf32, #tpu.memory_space<vmem_shared>>
        tpu.wait_dma2 semaphore(%run_scoped3A : memref<!tpu.dma_semaphore, #tpu.memory_space<semaphore_mem>>) src(%arg8 : memref<125x128xf32, #tpu.memory_space<vmem>>) dst(%dma_wait3A_39 : memref<125x128xf32, #tpu.memory_space<vmem_shared>>)
        tpu.yield
      }) : () -> ()
    }
    %scan3A_9 = arith.constant 5 : i32
    %mul3A_10 = arith.constant 640 : i32
    %mul3A_11 = arith.muli %arg1, %mul3A_10 : i32
    %add3A_12 = arith.constant 625 : i32
    %add3A_13 = arith.addi %mul3A_11, %add3A_12 : i32
    "tpu.region"() ({
      %run_scoped3A = tpu.sem_alloc : memref<!tpu.dma_semaphore, #tpu.memory_space<semaphore_mem>>
      %dma_start3A = arith.constant 0 : i32
      %dma_start3A_24 = arith.constant 0 : i32
      %dma_start3A_25 = tpu.memref_slice %arg8[%dma_start3A, %dma_start3A_24] : memref<125x128xf32, #tpu.memory_space<vmem>> -> memref<15x128xf32, #tpu.memory_space<vmem>>
      %dma_start3A_26 = arith.constant 0 : i32
      %dma_start3A_27 = tpu.memref_slice %arg10[%add3A_13, %dma_start3A_26] : memref<10240x128xf32, #tpu.memory_space<vmem_shared>> -> memref<15x128xf32, #tpu.memory_space<vmem_shared>>
      %dma_start3A_28 = arith.constant 0 : i32
      %dma_start3A_29 = tpu.memref_slice %arg10[%add3A_13, %dma_start3A_28] : memref<10240x128xf32, #tpu.memory_space<vmem_shared>> -> memref<15x128xf32, #tpu.memory_space<vmem_shared>>
      %dma_start3A_30 = arith.constant 0 : i32
      %dma_start3A_31 = arith.constant 0 : i32
      %dma_start3A_32 = tpu.memref_slice %arg8[%dma_start3A_30, %dma_start3A_31] : memref<125x128xf32, #tpu.memory_space<vmem>> -> memref<15x128xf32, #tpu.memory_space<vmem>>
      tpu.enqueue_dma source(%dma_start3A_32 : memref<15x128xf32, #tpu.memory_space<vmem>>) target(%dma_start3A_29 : memref<15x128xf32, #tpu.memory_space<vmem_shared>>) target_semaphore(%run_scoped3A : memref<!tpu.dma_semaphore, #tpu.memory_space<semaphore_mem>>)
      %dma_wait3A = arith.constant 0 : i32
      %dma_wait3A_33 = arith.constant 0 : i32
      %dma_wait3A_34 = tpu.memref_slice %arg8[%dma_wait3A, %dma_wait3A_33] : memref<125x128xf32, #tpu.memory_space<vmem>> -> memref<15x128xf32, #tpu.memory_space<vmem>>
      %dma_wait3A_35 = arith.constant 0 : i32
      %dma_wait3A_36 = tpu.memref_slice %arg10[%add3A_13, %dma_wait3A_35] : memref<10240x128xf32, #tpu.memory_space<vmem_shared>> -> memref<15x128xf32, #tpu.memory_space<vmem_shared>>
      %dma_wait3A_37 = arith.constant 0 : i32
      %dma_wait3A_38 = tpu.memref_slice %arg10[%add3A_13, %dma_wait3A_37] : memref<10240x128xf32, #tpu.memory_space<vmem_shared>> -> memref<15x128xf32, #tpu.memory_space<vmem_shared>>
      %dma_wait3A_39 = arith.constant 0 : i32
      %dma_wait3A_40 = arith.constant 0 : i32
      %dma_wait3A_41 = tpu.memref_slice %arg8[%dma_wait3A_39, %dma_wait3A_40] : memref<125x128xf32, #tpu.memory_space<vmem>> -> memref<15x128xf32, #tpu.memory_space<vmem>>
      tpu.wait_dma2 semaphore(%run_scoped3A : memref<!tpu.dma_semaphore, #tpu.memory_space<semaphore_mem>>) src(%dma_wait3A_41 : memref<15x128xf32, #tpu.memory_space<vmem>>) dst(%dma_wait3A_38 : memref<15x128xf32, #tpu.memory_space<vmem_shared>>)
      tpu.yield
    }) : () -> ()
    %barrier3A = arith.constant 0 : index
    tpu.barrier barrier_id(%barrier3A)
    %scan3A_14 = arith.constant 0 : i32
    %scan3A_15 = arith.constant 2 : i32
    %scan3A_16 = arith.addi %scan3A_14, %scan3A_15 : i32
    %scan3A_17 = arith.constant 1 : i32
    scf.for %scan3A_24 = %scan3A_14 to %scan3A_16 step %scan3A_17  : i32 {
      %mul3A_25 = arith.constant 1 : i32
      %mul3A_26 = arith.muli %scan3A_24, %mul3A_25 : i32
      %add3A_27 = arith.constant 0 : i32
      %add3A_28 = arith.addi %add3A_27, %mul3A_26 : i32
      %mul3A_29 = arith.constant 80 : i32
      %mul3A_30 = arith.muli %add3A, %mul3A_29 : i32
      %mul3A_31 = arith.constant 40 : i32
      %mul3A_32 = arith.muli %add3A_28, %mul3A_31 : i32
      %add3A_33 = arith.addi %mul3A_30, %mul3A_32 : i32
      "tpu.region"() ({
        %run_scoped3A = tpu.sem_alloc : memref<!tpu.dma_semaphore, #tpu.memory_space<semaphore_mem>>
        %dma_start3A = arith.constant 0 : i32
        %dma_start3A_44 = tpu.memref_slice %arg2[%add3A_33, %dma_start3A] : memref<2560x125xi32, #tpu.memory_space<hbm>> -> memref<40x125xi32, #tpu.memory_space<hbm>>
        %dma_start3A_45 = arith.constant 0 : i32
        %dma_start3A_46 = tpu.memref_slice %arg2[%add3A_33, %dma_start3A_45] : memref<2560x125xi32, #tpu.memory_space<hbm>> -> memref<40x125xi32, #tpu.memory_space<hbm>>
        tpu.enqueue_dma source(%dma_start3A_46 : memref<40x125xi32, #tpu.memory_space<hbm>>) target(%arg6 : memref<40x125xi32, #tpu.memory_space<vmem>>) target_semaphore(%run_scoped3A : memref<!tpu.dma_semaphore, #tpu.memory_space<semaphore_mem>>)
        %dma_wait3A = arith.constant 0 : i32
        %dma_wait3A_47 = tpu.memref_slice %arg2[%add3A_33, %dma_wait3A] : memref<2560x125xi32, #tpu.memory_space<hbm>> -> memref<40x125xi32, #tpu.memory_space<hbm>>
        %dma_wait3A_48 = arith.constant 0 : i32
        %dma_wait3A_49 = tpu.memref_slice %arg2[%add3A_33, %dma_wait3A_48] : memref<2560x125xi32, #tpu.memory_space<hbm>> -> memref<40x125xi32, #tpu.memory_space<hbm>>
        tpu.wait_dma2 semaphore(%run_scoped3A : memref<!tpu.dma_semaphore, #tpu.memory_space<semaphore_mem>>) src(%dma_wait3A_49 : memref<40x125xi32, #tpu.memory_space<hbm>>) dst(%arg6 : memref<40x125xi32, #tpu.memory_space<vmem>>)
        tpu.yield
      }) : () -> ()
      %mul3A_34 = arith.constant 80 : i32
      %mul3A_35 = arith.muli %add3A, %mul3A_34 : i32
      %mul3A_36 = arith.constant 40 : i32
      %mul3A_37 = arith.muli %add3A_28, %mul3A_36 : i32
      %add3A_38 = arith.addi %mul3A_35, %mul3A_37 : i32
      "tpu.region"() ({
        %run_scoped3A = tpu.sem_alloc : memref<!tpu.dma_semaphore, #tpu.memory_space<semaphore_mem>>
        %dma_start3A = arith.constant 0 : i32
        %dma_start3A_44 = tpu.memref_slice %arg3[%add3A_38, %dma_start3A] : memref<2560x125xi32, #tpu.memory_space<hbm>> -> memref<40x125xi32, #tpu.memory_space<hbm>>
        %dma_start3A_45 = arith.constant 0 : i32
        %dma_start3A_46 = tpu.memref_slice %arg3[%add3A_38, %dma_start3A_45] : memref<2560x125xi32, #tpu.memory_space<hbm>> -> memref<40x125xi32, #tpu.memory_space<hbm>>
        tpu.enqueue_dma source(%dma_start3A_46 : memref<40x125xi32, #tpu.memory_space<hbm>>) target(%arg7 : memref<40x125xi32, #tpu.memory_space<vmem>>) target_semaphore(%run_scoped3A : memref<!tpu.dma_semaphore, #tpu.memory_space<semaphore_mem>>)
        %dma_wait3A = arith.constant 0 : i32
        %dma_wait3A_47 = tpu.memref_slice %arg3[%add3A_38, %dma_wait3A] : memref<2560x125xi32, #tpu.memory_space<hbm>> -> memref<40x125xi32, #tpu.memory_space<hbm>>
        %dma_wait3A_48 = arith.constant 0 : i32
        %dma_wait3A_49 = tpu.memref_slice %arg3[%add3A_38, %dma_wait3A_48] : memref<2560x125xi32, #tpu.memory_space<hbm>> -> memref<40x125xi32, #tpu.memory_space<hbm>>
        tpu.wait_dma2 semaphore(%run_scoped3A : memref<!tpu.dma_semaphore, #tpu.memory_space<semaphore_mem>>) src(%dma_wait3A_49 : memref<40x125xi32, #tpu.memory_space<hbm>>) dst(%arg7 : memref<40x125xi32, #tpu.memory_space<vmem>>)
        tpu.yield
      }) : () -> ()
      %scan3A_39 = arith.constant 0 : i32
      %scan3A_40 = arith.constant 40 : i32
      %scan3A_41 = arith.addi %scan3A_39, %scan3A_40 : i32
      %scan3A_42 = arith.constant 1 : i32
      scf.for %scan3A_44 = %scan3A_39 to %scan3A_41 step %scan3A_42  : i32 {
        %mul3A_45 = arith.constant 1 : i32
        %mul3A_46 = arith.muli %scan3A_44, %mul3A_45 : i32
        %add3A_47 = arith.constant 0 : i32
        %add3A_48 = arith.addi %add3A_47, %mul3A_46 : i32
        %dma_start3A = arith.constant 0 : i32
        %dma_start3A_49 = tpu.memref_slice %arg6[%add3A_48, %dma_start3A] : memref<40x125xi32, #tpu.memory_space<vmem>> -> memref<1x125xi32, #tpu.memory_space<vmem>>
        %dma_start3A_50 = tpu.memref_squeeze %dma_start3A_49 : memref<1x125xi32, #tpu.memory_space<vmem>> -> memref<125xi32, #tpu.memory_space<vmem>>
        %dma_start3A_51 = arith.constant 0 : i32
        %dma_start3A_52 = arith.constant 0 : i32
        %dma_start3A_53 = tpu.memref_slice %arg4[%dma_start3A_51, %dma_start3A_52] : memref<10000x128xf32, #tpu.memory_space<hbm>> -> memref<10000x128xf32, #tpu.memory_space<hbm>>
        tpu.enqueue_indirect_dma source(%dma_start3A_53 : memref<10000x128xf32, #tpu.memory_space<hbm>>) target(%arg8 : memref<125x128xf32, #tpu.memory_space<vmem>>) offsets(%dma_start3A_50 : memref<125xi32, #tpu.memory_space<vmem>>) semaphore(%arg11 : memref<!tpu.dma_semaphore, #tpu.memory_space<semaphore_mem>>)
        %dma_wait3A = arith.constant 0 : i32
        %dma_wait3A_54 = tpu.memref_slice %arg6[%add3A_48, %dma_wait3A] : memref<40x125xi32, #tpu.memory_space<vmem>> -> memref<1x125xi32, #tpu.memory_space<vmem>>
        %dma_wait3A_55 = tpu.memref_squeeze %dma_wait3A_54 : memref<1x125xi32, #tpu.memory_space<vmem>> -> memref<125xi32, #tpu.memory_space<vmem>>
        %dma_wait3A_56 = arith.constant 0 : i32
        %dma_wait3A_57 = arith.constant 0 : i32
        %dma_wait3A_58 = tpu.memref_slice %arg4[%dma_wait3A_56, %dma_wait3A_57] : memref<10000x128xf32, #tpu.memory_space<hbm>> -> memref<10000x128xf32, #tpu.memory_space<hbm>>
        tpu.wait_indirect_dma semaphore(%arg11 : memref<!tpu.dma_semaphore, #tpu.memory_space<semaphore_mem>>) src(%dma_wait3A_58 : memref<10000x128xf32, #tpu.memory_space<hbm>>) dst(%arg8 : memref<125x128xf32, #tpu.memory_space<vmem>>)
        "tpu.region"() ({
          %run_scoped3A = tpu.sem_alloc : memref<!tpu.dma_semaphore, #tpu.memory_space<semaphore_mem>>
          %dma_start3A_59 = arith.constant 0 : i32
          %dma_start3A_60 = tpu.memref_slice %arg7[%add3A_48, %dma_start3A_59] : memref<40x125xi32, #tpu.memory_space<vmem>> -> memref<1x125xi32, #tpu.memory_space<vmem>>
          %dma_start3A_61 = tpu.memref_squeeze %dma_start3A_60 : memref<1x125xi32, #tpu.memory_space<vmem>> -> memref<125xi32, #tpu.memory_space<vmem>>
          %dma_start3A_62 = arith.constant 0 : i32
          %dma_start3A_63 = arith.constant 0 : i32
          %dma_start3A_64 = tpu.memref_slice %arg10[%dma_start3A_62, %dma_start3A_63] : memref<10240x128xf32, #tpu.memory_space<vmem_shared>> -> memref<10240x128xf32, #tpu.memory_space<vmem_shared>>
          tpu.enqueue_indirect_dma source(%arg8 : memref<125x128xf32, #tpu.memory_space<vmem>>) target(%dma_start3A_64 : memref<10240x128xf32, #tpu.memory_space<vmem_shared>>) offsets(%dma_start3A_61 : memref<125xi32, #tpu.memory_space<vmem>>) semaphore(%run_scoped3A : memref<!tpu.dma_semaphore, #tpu.memory_space<semaphore_mem>>) {add = true}
          %dma_wait3A_65 = arith.constant 0 : i32
          %dma_wait3A_66 = tpu.memref_slice %arg7[%add3A_48, %dma_wait3A_65] : memref<40x125xi32, #tpu.memory_space<vmem>> -> memref<1x125xi32, #tpu.memory_space<vmem>>
          %dma_wait3A_67 = tpu.memref_squeeze %dma_wait3A_66 : memref<1x125xi32, #tpu.memory_space<vmem>> -> memref<125xi32, #tpu.memory_space<vmem>>
          %dma_wait3A_68 = arith.constant 0 : i32
          %dma_wait3A_69 = arith.constant 0 : i32
          %dma_wait3A_70 = tpu.memref_slice %arg10[%dma_wait3A_68, %dma_wait3A_69] : memref<10240x128xf32, #tpu.memory_space<vmem_shared>> -> memref<10240x128xf32, #tpu.memory_space<vmem_shared>>
          tpu.wait_indirect_dma semaphore(%run_scoped3A : memref<!tpu.dma_semaphore, #tpu.memory_space<semaphore_mem>>) src(%arg8 : memref<125x128xf32, #tpu.memory_space<vmem>>) dst(%dma_wait3A_70 : memref<10240x128xf32, #tpu.memory_space<vmem_shared>>)
          tpu.yield
        }) : () -> ()
      }
      %scan3A_43 = arith.constant 40 : i32
    }
    %scan3A_18 = arith.constant 2 : i32
    %barrier3A_19 = arith.constant 0 : index
    tpu.barrier barrier_id(%barrier3A_19)
    %mul3A_20 = arith.constant 640 : i32
    %mul3A_21 = arith.muli %arg1, %mul3A_20 : i32
    %mul3A_22 = arith.constant 640 : i32
    %mul3A_23 = arith.muli %arg1, %mul3A_22 : i32
    "tpu.region"() ({
      %run_scoped3A = tpu.sem_alloc : memref<!tpu.dma_semaphore, #tpu.memory_space<semaphore_mem>>
      %dma_start3A = arith.constant 0 : i32
      %dma_start3A_24 = tpu.memref_slice %arg5[%arg0, %mul3A_23, %dma_start3A] : memref<2x10240x128xf32, #tpu.memory_space<hbm>> -> memref<1x640x128xf32, #tpu.memory_space<hbm>>
      %dma_start3A_25 = tpu.memref_squeeze %dma_start3A_24 : memref<1x640x128xf32, #tpu.memory_space<hbm>> -> memref<640x128xf32, #tpu.memory_space<hbm>>
      %dma_start3A_26 = arith.constant 0 : i32
      %dma_start3A_27 = tpu.memref_slice %arg10[%mul3A_21, %dma_start3A_26] : memref<10240x128xf32, #tpu.memory_space<vmem_shared>> -> memref<640x128xf32, #tpu.memory_space<vmem_shared>>
      tpu.enqueue_dma source(%dma_start3A_27 : memref<640x128xf32, #tpu.memory_space<vmem_shared>>) target(%dma_start3A_25 : memref<640x128xf32, #tpu.memory_space<hbm>>) target_semaphore(%run_scoped3A : memref<!tpu.dma_semaphore, #tpu.memory_space<semaphore_mem>>)
      %dma_wait3A = arith.constant 0 : i32
      %dma_wait3A_28 = tpu.memref_slice %arg5[%arg0, %mul3A_23, %dma_wait3A] : memref<2x10240x128xf32, #tpu.memory_space<hbm>> -> memref<1x640x128xf32, #tpu.memory_space<hbm>>
      %dma_wait3A_29 = tpu.memref_squeeze %dma_wait3A_28 : memref<1x640x128xf32, #tpu.memory_space<hbm>> -> memref<640x128xf32, #tpu.memory_space<hbm>>
      %dma_wait3A_30 = arith.constant 0 : i32
      %dma_wait3A_31 = tpu.memref_slice %arg10[%mul3A_21, %dma_wait3A_30] : memref<10240x128xf32, #tpu.memory_space<vmem_shared>> -> memref<640x128xf32, #tpu.memory_space<vmem_shared>>
      tpu.wait_dma2 semaphore(%run_scoped3A : memref<!tpu.dma_semaphore, #tpu.memory_space<semaphore_mem>>) src(%dma_wait3A_31 : memref<640x128xf32, #tpu.memory_space<vmem_shared>>) dst(%dma_wait3A_29 : memref<640x128xf32, #tpu.memory_space<hbm>>)
      tpu.yield
    }) : () -> ()
    return
  }
}

module attributes {stable_mosaic.version = 14 : i64} {
  func.func @_mm_scale_kernel(%arg0: i32, %arg1: memref<2x1000x16xf32, #tpu.memory_space<vmem>>, %arg2: memref<1000x128xf32, #tpu.memory_space<vmem>>, %arg3: memref<128x128xf32, #tpu.memory_space<vmem>>, %arg4: memref<1000x128xf32, #tpu.memory_space<vmem>>) attributes {dimension_semantics = [#tpu.dimension_semantics<arbitrary>], iteration_bounds = array<i64: 10>, scalar_prefetch = 0 : i64, scratch_operands = 0 : i64, tpu.core_type = #tpu.core_type<tc>, window_params = [{transform_indices = @transform_0, window_bounds = array<i64: 2, 1000, 16>}, {transform_indices = @transform_1, window_bounds = array<i64: 1000, 128>}, {pipeline_mode = #tpu.pipeline_mode<synchronous>, transform_indices = @transform_2, window_bounds = array<i64: 128, 128>}, {transform_indices = @transform_3, window_bounds = array<i64: 1000, 128>}]} {
    %get3A = arith.constant 0 : index
    %get3A_0 = arith.constant 0 : index
    %get3A_1 = vector.load %arg2[%get3A, %get3A_0] : memref<1000x128xf32, #tpu.memory_space<vmem>>, vector<1000x128xf32>
    %get3A_2 = arith.constant 0 : index
    %get3A_3 = arith.constant 0 : index
    %get3A_4 = vector.load %arg3[%get3A_2, %get3A_3] : memref<128x128xf32, #tpu.memory_space<vmem>>, vector<128x128xf32>
    %dot_general3A = arith.constant dense<0.000000e+00> : vector<1000x128xf32>
    %dot_general3A_5 = tpu.matmul %get3A_1, %get3A_4, %dot_general3A {dimension_numbers = #tpu.dot_dimension_numbers<[1], [0], [0], [1], [0, 0, 1, 1], [], []>, transpose_lhs_hint = false} : vector<1000x128xf32>, vector<128x128xf32>, vector<1000x128xf32> -> vector<1000x128xf32>
    %get3A_6 = arith.constant 0 : index
    %get3A_7 = arith.constant 0 : index
    %get3A_8 = arith.constant 0 : index
    %get3A_9 = vector.load %arg1[%get3A_6, %get3A_7, %get3A_8] : memref<2x1000x16xf32, #tpu.memory_space<vmem>>, vector<1x1000x1xf32>
    %get3A_10 = vector.shape_cast %get3A_9 : vector<1x1000x1xf32> to vector<1000x1xf32>
    %get3A_11 = arith.constant 1 : index
    %get3A_12 = arith.constant 0 : index
    %get3A_13 = arith.constant 0 : index
    %get3A_14 = vector.load %arg1[%get3A_11, %get3A_12, %get3A_13] : memref<2x1000x16xf32, #tpu.memory_space<vmem>>, vector<1x1000x1xf32>
    %get3A_15 = vector.shape_cast %get3A_14 : vector<1x1000x1xf32> to vector<1000x1xf32>
    %add3A = arith.addf %get3A_10, %get3A_15 : vector<1000x1xf32>
    %add3A_16 = arith.constant 1.000000e+00 : f32
    %add3A_17 = vector.broadcast %add3A_16 : f32 to vector<1000x1xf32>
    %add3A_18 = arith.addf %add3A, %add3A_17 : vector<1000x1xf32>
    %rsqrt3A = math.rsqrt %add3A_18 : vector<1000x1xf32>
    %mul3A = vector.broadcast %rsqrt3A : vector<1000x1xf32> to vector<1000x128xf32>
    %mul3A_19 = arith.mulf %dot_general3A_5, %mul3A : vector<1000x128xf32>
    %swap3A = arith.constant 0 : index
    %swap3A_20 = arith.constant 0 : index
    %swap3A_21 = vector.load %arg4[%swap3A, %swap3A_20] : memref<1000x128xf32, #tpu.memory_space<vmem>>, vector<1000x128xf32>
    tpu.vector_store %arg4[%swap3A, %swap3A_20], %mul3A_19 {strides = array<i32>} : memref<1000x128xf32, #tpu.memory_space<vmem>>, vector<1000x128xf32>,
    return
  }
  func.func @transform_0(%arg0: i32) -> (i32, i32, i32) {
    %c0_i32 = arith.constant 0 : i32
    %c0_i32_0 = arith.constant 0 : i32
    %c0_i32_1 = arith.constant 0 : i32
    return %c0_i32, %arg0, %c0_i32_0 : i32, i32, i32
  }
  func.func @transform_1(%arg0: i32) -> (i32, i32) {
    %c0_i32 = arith.constant 0 : i32
    %c0_i32_0 = arith.constant 0 : i32
    return %arg0, %c0_i32 : i32, i32
  }
  func.func @transform_2(%arg0: i32) -> (i32, i32) {
    %c0_i32 = arith.constant 0 : i32
    %c0_i32_0 = arith.constant 0 : i32
    %c0_i32_1 = arith.constant 0 : i32
    return %c0_i32, %c0_i32_0 : i32, i32
  }
  func.func @transform_3(%arg0: i32) -> (i32, i32) {
    %c0_i32 = arith.constant 0 : i32
    %c0_i32_0 = arith.constant 0 : i32
    return %arg0, %c0_i32 : i32, i32
  }
}

module attributes {stable_mosaic.version = 14 : i64} {
  func.func @_comb_kernel(%arg0: i32, %arg1: memref<2x1000x128xf32, #tpu.memory_space<vmem>>, %arg2: memref<1000x128xf32, #tpu.memory_space<vmem>>, %arg3: memref<2x1000x16xf32, #tpu.memory_space<vmem>>, %arg4: memref<1x128xf32, #tpu.memory_space<vmem>>, %arg5: memref<1000x128xf32, #tpu.memory_space<vmem>>, %arg6: memref<2x128xf32, #tpu.memory_space<vmem>>) attributes {dimension_semantics = [#tpu.dimension_semantics<arbitrary>], iteration_bounds = array<i64: 10>, scalar_prefetch = 0 : i64, scratch_operands = 0 : i64, tpu.core_type = #tpu.core_type<tc>, window_params = [{transform_indices = @transform_0, window_bounds = array<i64: 2, 1000, 128>}, {transform_indices = @transform_1, window_bounds = array<i64: 1000, 128>}, {transform_indices = @transform_2, window_bounds = array<i64: 2, 1000, 16>}, {pipeline_mode = #tpu.pipeline_mode<synchronous>, transform_indices = @transform_3, window_bounds = array<i64: 1, 128>}, {transform_indices = @transform_4, window_bounds = array<i64: 1000, 128>}, {pipeline_mode = #tpu.pipeline_mode<synchronous>, transform_indices = @transform_5, window_bounds = array<i64: 2, 128>}]} {
    %get3A = arith.constant 0 : index
    %get3A_0 = arith.constant 0 : index
    %get3A_1 = arith.constant 0 : index
    %get3A_2 = vector.load %arg1[%get3A, %get3A_0, %get3A_1] : memref<2x1000x128xf32, #tpu.memory_space<vmem>>, vector<1x1000x128xf32>
    %get3A_3 = vector.shape_cast %get3A_2 : vector<1x1000x128xf32> to vector<1000x128xf32>
    %get3A_4 = arith.constant 1 : index
    %get3A_5 = arith.constant 0 : index
    %get3A_6 = arith.constant 0 : index
    %get3A_7 = vector.load %arg1[%get3A_4, %get3A_5, %get3A_6] : memref<2x1000x128xf32, #tpu.memory_space<vmem>>, vector<1x1000x128xf32>
    %get3A_8 = vector.shape_cast %get3A_7 : vector<1x1000x128xf32> to vector<1000x128xf32>
    %add3A = arith.addf %get3A_3, %get3A_8 : vector<1000x128xf32>
    %get3A_9 = arith.constant 0 : index
    %get3A_10 = arith.constant 0 : index
    %get3A_11 = vector.load %arg2[%get3A_9, %get3A_10] : memref<1000x128xf32, #tpu.memory_space<vmem>>, vector<1000x128xf32>
    %add3A_12 = arith.addf %add3A, %get3A_11 : vector<1000x128xf32>
    %get3A_13 = arith.constant 0 : index
    %get3A_14 = arith.constant 0 : index
    %get3A_15 = arith.constant 0 : index
    %get3A_16 = vector.load %arg3[%get3A_13, %get3A_14, %get3A_15] : memref<2x1000x16xf32, #tpu.memory_space<vmem>>, vector<1x1000x1xf32>
    %get3A_17 = vector.shape_cast %get3A_16 : vector<1x1000x1xf32> to vector<1000x1xf32>
    %get3A_18 = arith.constant 1 : index
    %get3A_19 = arith.constant 0 : index
    %get3A_20 = arith.constant 0 : index
    %get3A_21 = vector.load %arg3[%get3A_18, %get3A_19, %get3A_20] : memref<2x1000x16xf32, #tpu.memory_space<vmem>>, vector<1x1000x1xf32>
    %get3A_22 = vector.shape_cast %get3A_21 : vector<1x1000x1xf32> to vector<1000x1xf32>
    %add3A_23 = arith.addf %get3A_17, %get3A_22 : vector<1000x1xf32>
    %add3A_24 = arith.constant 1.000000e+00 : f32
    %add3A_25 = vector.broadcast %add3A_24 : f32 to vector<1000x1xf32>
    %add3A_26 = arith.addf %add3A_23, %add3A_25 : vector<1000x1xf32>
    %rsqrt3A = math.rsqrt %add3A_26 : vector<1000x1xf32>
    %mul3A = vector.broadcast %rsqrt3A : vector<1000x1xf32> to vector<1000x128xf32>
    %mul3A_27 = arith.mulf %add3A_12, %mul3A : vector<1000x128xf32>
    %get3A_28 = arith.constant 0 : index
    %get3A_29 = arith.constant 0 : index
    %get3A_30 = vector.load %arg4[%get3A_28, %get3A_29] : memref<1x128xf32, #tpu.memory_space<vmem>>, vector<1x128xf32>
    %add3A_31 = vector.broadcast %get3A_30 : vector<1x128xf32> to vector<1000x128xf32>
    %add3A_32 = arith.addf %mul3A_27, %add3A_31 : vector<1000x128xf32>
    %swap3A = arith.constant 0 : index
    %swap3A_33 = arith.constant 0 : index
    %swap3A_34 = vector.load %arg5[%swap3A, %swap3A_33] : memref<1000x128xf32, #tpu.memory_space<vmem>>, vector<1000x128xf32>
    tpu.vector_store %arg5[%swap3A, %swap3A_33], %add3A_32 {strides = array<i32>} : memref<1000x128xf32, #tpu.memory_space<vmem>>, vector<1000x128xf32>,
    %eq3A = arith.constant 0 : i32
    %eq3A_35 = arith.cmpi eq, %arg0, %eq3A : i32
    %convert_element_type3A = arith.extui %eq3A_35 : i1 to i32
    %cond3A = arith.constant 0 : i32
    %cond3A_36 = arith.cmpi ne, %convert_element_type3A, %cond3A : i32
    scf.if %cond3A_36 {
      %broadcast_in_dim3A = arith.constant 0.000000e+00 : f32
      %broadcast_in_dim3A_50 = vector.broadcast %broadcast_in_dim3A : f32 to vector<2x128xf32>
      %swap3A_51 = arith.constant 0 : index
      %swap3A_52 = arith.constant 0 : index
      %swap3A_53 = vector.load %arg6[%swap3A_51, %swap3A_52] : memref<2x128xf32, #tpu.memory_space<vmem>>, vector<2x128xf32>
      tpu.vector_store %arg6[%swap3A_51, %swap3A_52], %broadcast_in_dim3A_50 {strides = array<i32>} : memref<2x128xf32, #tpu.memory_space<vmem>>, vector<2x128xf32>,
    } else {
    }
    %get3A_37 = arith.constant 0 : index
    %get3A_38 = arith.constant 0 : index
    %get3A_39 = vector.load %arg6[%get3A_37, %get3A_38] : memref<2x128xf32, #tpu.memory_space<vmem>>, vector<2x128xf32>
    %reduce_sum3A = arith.constant dense<0.000000e+00> : vector<128xf32>
    %reduce_sum3A_40 = vector.multi_reduction <add>, %add3A_32, %reduce_sum3A [0] : vector<1000x128xf32> to vector<128xf32>
    %mul3A_41 = arith.mulf %add3A_32, %add3A_32 : vector<1000x128xf32>
    %reduce_sum3A_42 = arith.constant dense<0.000000e+00> : vector<128xf32>
    %reduce_sum3A_43 = vector.multi_reduction <add>, %mul3A_41, %reduce_sum3A_42 [0] : vector<1000x128xf32> to vector<128xf32>
    %stack3A = vector.shape_cast %reduce_sum3A_40 : vector<128xf32> to vector<1x128xf32>
    %stack3A_44 = vector.shape_cast %reduce_sum3A_43 : vector<128xf32> to vector<1x128xf32>
    %stack3A_45 = tpu.concatenate %stack3A, %stack3A_44 in 0 : vector<1x128xf32>, vector<1x128xf32> -> vector<2x128xf32>
    %add3A_46 = arith.addf %get3A_39, %stack3A_45 : vector<2x128xf32>
    %swap3A_47 = arith.constant 0 : index
    %swap3A_48 = arith.constant 0 : index
    %swap3A_49 = vector.load %arg6[%swap3A_47, %swap3A_48] : memref<2x128xf32, #tpu.memory_space<vmem>>, vector<2x128xf32>
    tpu.vector_store %arg6[%swap3A_47, %swap3A_48], %add3A_46 {strides = array<i32>} : memref<2x128xf32, #tpu.memory_space<vmem>>, vector<2x128xf32>,
    return
  }
  func.func @transform_0(%arg0: i32) -> (i32, i32, i32) {
    %c0_i32 = arith.constant 0 : i32
    %c0_i32_0 = arith.constant 0 : i32
    %c0_i32_1 = arith.constant 0 : i32
    return %c0_i32, %arg0, %c0_i32_0 : i32, i32, i32
  }
  func.func @transform_1(%arg0: i32) -> (i32, i32) {
    %c0_i32 = arith.constant 0 : i32
    %c0_i32_0 = arith.constant 0 : i32
    return %arg0, %c0_i32 : i32, i32
  }
  func.func @transform_2(%arg0: i32) -> (i32, i32, i32) {
    %c0_i32 = arith.constant 0 : i32
    %c0_i32_0 = arith.constant 0 : i32
    %c0_i32_1 = arith.constant 0 : i32
    return %c0_i32, %arg0, %c0_i32_0 : i32, i32, i32
  }
  func.func @transform_3(%arg0: i32) -> (i32, i32) {
    %c0_i32 = arith.constant 0 : i32
    %c0_i32_0 = arith.constant 0 : i32
    %c0_i32_1 = arith.constant 0 : i32
    return %c0_i32, %c0_i32_0 : i32, i32
  }
  func.func @transform_4(%arg0: i32) -> (i32, i32) {
    %c0_i32 = arith.constant 0 : i32
    %c0_i32_0 = arith.constant 0 : i32
    return %arg0, %c0_i32 : i32, i32
  }
  func.func @transform_5(%arg0: i32) -> (i32, i32) {
    %c0_i32 = arith.constant 0 : i32
    %c0_i32_0 = arith.constant 0 : i32
    %c0_i32_1 = arith.constant 0 : i32
    return %c0_i32, %c0_i32_0 : i32, i32
  }
}

module attributes {stable_mosaic.version = 14 : i64} {
  func.func @_bn_mm_kernel(%arg0: i32, %arg1: memref<1000x128xf32, #tpu.memory_space<vmem>>, %arg2: memref<2x128xf32, #tpu.memory_space<vmem>>, %arg3: memref<1x128xf32, #tpu.memory_space<vmem>>, %arg4: memref<1x128xf32, #tpu.memory_space<vmem>>, %arg5: memref<128x128xf32, #tpu.memory_space<vmem>>, %arg6: memref<2x1000x16xf32, #tpu.memory_space<vmem>>, %arg7: memref<1000x128xf32, #tpu.memory_space<vmem>>) attributes {dimension_semantics = [#tpu.dimension_semantics<arbitrary>], iteration_bounds = array<i64: 10>, scalar_prefetch = 0 : i64, scratch_operands = 0 : i64, tpu.core_type = #tpu.core_type<tc>, window_params = [{transform_indices = @transform_0, window_bounds = array<i64: 1000, 128>}, {pipeline_mode = #tpu.pipeline_mode<synchronous>, transform_indices = @transform_1, window_bounds = array<i64: 2, 128>}, {pipeline_mode = #tpu.pipeline_mode<synchronous>, transform_indices = @transform_2, window_bounds = array<i64: 1, 128>}, {pipeline_mode = #tpu.pipeline_mode<synchronous>, transform_indices = @transform_3, window_bounds = array<i64: 1, 128>}, {pipeline_mode = #tpu.pipeline_mode<synchronous>, transform_indices = @transform_4, window_bounds = array<i64: 128, 128>}, {transform_indices = @transform_5, window_bounds = array<i64: 2, 1000, 16>}, {transform_indices = @transform_6, window_bounds = array<i64: 1000, 128>}]} {
    %get3A = arith.constant 0 : index
    %get3A_0 = arith.constant 0 : index
    %get3A_1 = vector.load %arg2[%get3A, %get3A_0] : memref<2x128xf32, #tpu.memory_space<vmem>>, vector<1x128xf32>
    %mul3A = arith.constant 9.99999974E-5 : f32
    %mul3A_2 = vector.broadcast %mul3A : f32 to vector<1x128xf32>
    %mul3A_3 = arith.mulf %get3A_1, %mul3A_2 : vector<1x128xf32>
    %get3A_4 = arith.constant 1 : index
    %get3A_5 = arith.constant 0 : index
    %get3A_6 = vector.load %arg2[%get3A_4, %get3A_5] : memref<2x128xf32, #tpu.memory_space<vmem>>, vector<1x128xf32>
    %mul3A_7 = arith.constant 9.99999974E-5 : f32
    %mul3A_8 = vector.broadcast %mul3A_7 : f32 to vector<1x128xf32>
    %mul3A_9 = arith.mulf %get3A_6, %mul3A_8 : vector<1x128xf32>
    %mul3A_10 = arith.mulf %mul3A_3, %mul3A_3 : vector<1x128xf32>
    %sub3A = arith.subf %mul3A_9, %mul3A_10 : vector<1x128xf32>
    %get3A_11 = arith.constant 0 : index
    %get3A_12 = arith.constant 0 : index
    %get3A_13 = vector.load %arg3[%get3A_11, %get3A_12] : memref<1x128xf32, #tpu.memory_space<vmem>>, vector<1x128xf32>
    %add3A = arith.constant 9.99999974E-6 : f32
    %add3A_14 = vector.broadcast %add3A : f32 to vector<1x128xf32>
    %add3A_15 = arith.addf %sub3A, %add3A_14 : vector<1x128xf32>
    %rsqrt3A = math.rsqrt %add3A_15 : vector<1x128xf32>
    %mul3A_16 = arith.mulf %get3A_13, %rsqrt3A : vector<1x128xf32>
    %get3A_17 = arith.constant 0 : index
    %get3A_18 = arith.constant 0 : index
    %get3A_19 = vector.load %arg4[%get3A_17, %get3A_18] : memref<1x128xf32, #tpu.memory_space<vmem>>, vector<1x128xf32>
    %mul3A_20 = arith.mulf %mul3A_3, %mul3A_16 : vector<1x128xf32>
    %sub3A_21 = arith.subf %get3A_19, %mul3A_20 : vector<1x128xf32>
    %get3A_22 = arith.constant 0 : index
    %get3A_23 = arith.constant 0 : index
    %get3A_24 = vector.load %arg1[%get3A_22, %get3A_23] : memref<1000x128xf32, #tpu.memory_space<vmem>>, vector<1000x128xf32>
    %mul3A_25 = vector.broadcast %mul3A_16 : vector<1x128xf32> to vector<1000x128xf32>
    %mul3A_26 = arith.mulf %get3A_24, %mul3A_25 : vector<1000x128xf32>
    %add3A_27 = vector.broadcast %sub3A_21 : vector<1x128xf32> to vector<1000x128xf32>
    %add3A_28 = arith.addf %mul3A_26, %add3A_27 : vector<1000x128xf32>
    %max3A = arith.constant 0.000000e+00 : f32
    %max3A_29 = vector.broadcast %max3A : f32 to vector<1000x128xf32>
    %max3A_30 = arith.maximumf %add3A_28, %max3A_29 : vector<1000x128xf32>
    %get3A_31 = arith.constant 0 : index
    %get3A_32 = arith.constant 0 : index
    %get3A_33 = vector.load %arg5[%get3A_31, %get3A_32] : memref<128x128xf32, #tpu.memory_space<vmem>>, vector<128x128xf32>
    %dot_general3A = arith.constant dense<0.000000e+00> : vector<1000x128xf32>
    %dot_general3A_34 = tpu.matmul %max3A_30, %get3A_33, %dot_general3A {dimension_numbers = #tpu.dot_dimension_numbers<[1], [0], [0], [1], [0, 0, 1, 1], [], []>, transpose_lhs_hint = false} : vector<1000x128xf32>, vector<128x128xf32>, vector<1000x128xf32> -> vector<1000x128xf32>
    %get3A_35 = arith.constant 0 : index
    %get3A_36 = arith.constant 0 : index
    %get3A_37 = arith.constant 0 : index
    %get3A_38 = vector.load %arg6[%get3A_35, %get3A_36, %get3A_37] : memref<2x1000x16xf32, #tpu.memory_space<vmem>>, vector<1x1000x1xf32>
    %get3A_39 = vector.shape_cast %get3A_38 : vector<1x1000x1xf32> to vector<1000x1xf32>
    %get3A_40 = arith.constant 1 : index
    %get3A_41 = arith.constant 0 : index
    %get3A_42 = arith.constant 0 : index
    %get3A_43 = vector.load %arg6[%get3A_40, %get3A_41, %get3A_42] : memref<2x1000x16xf32, #tpu.memory_space<vmem>>, vector<1x1000x1xf32>
    %get3A_44 = vector.shape_cast %get3A_43 : vector<1x1000x1xf32> to vector<1000x1xf32>
    %add3A_45 = arith.addf %get3A_39, %get3A_44 : vector<1000x1xf32>
    %add3A_46 = arith.constant 1.000000e+00 : f32
    %add3A_47 = vector.broadcast %add3A_46 : f32 to vector<1000x1xf32>
    %add3A_48 = arith.addf %add3A_45, %add3A_47 : vector<1000x1xf32>
    %rsqrt3A_49 = math.rsqrt %add3A_48 : vector<1000x1xf32>
    %mul3A_50 = vector.broadcast %rsqrt3A_49 : vector<1000x1xf32> to vector<1000x128xf32>
    %mul3A_51 = arith.mulf %dot_general3A_34, %mul3A_50 : vector<1000x128xf32>
    %swap3A = arith.constant 0 : index
    %swap3A_52 = arith.constant 0 : index
    %swap3A_53 = vector.load %arg7[%swap3A, %swap3A_52] : memref<1000x128xf32, #tpu.memory_space<vmem>>, vector<1000x128xf32>
    tpu.vector_store %arg7[%swap3A, %swap3A_52], %mul3A_51 {strides = array<i32>} : memref<1000x128xf32, #tpu.memory_space<vmem>>, vector<1000x128xf32>,
    return
  }
  func.func @transform_0(%arg0: i32) -> (i32, i32) {
    %c0_i32 = arith.constant 0 : i32
    %c0_i32_0 = arith.constant 0 : i32
    return %arg0, %c0_i32 : i32, i32
  }
  func.func @transform_1(%arg0: i32) -> (i32, i32) {
    %c0_i32 = arith.constant 0 : i32
    %c0_i32_0 = arith.constant 0 : i32
    %c0_i32_1 = arith.constant 0 : i32
    return %c0_i32, %c0_i32_0 : i32, i32
  }
  func.func @transform_2(%arg0: i32) -> (i32, i32) {
    %c0_i32 = arith.constant 0 : i32
    %c0_i32_0 = arith.constant 0 : i32
    %c0_i32_1 = arith.constant 0 : i32
    return %c0_i32, %c0_i32_0 : i32, i32
  }
  func.func @transform_3(%arg0: i32) -> (i32, i32) {
    %c0_i32 = arith.constant 0 : i32
    %c0_i32_0 = arith.constant 0 : i32
    %c0_i32_1 = arith.constant 0 : i32
    return %c0_i32, %c0_i32_0 : i32, i32
  }
  func.func @transform_4(%arg0: i32) -> (i32, i32) {
    %c0_i32 = arith.constant 0 : i32
    %c0_i32_0 = arith.constant 0 : i32
    %c0_i32_1 = arith.constant 0 : i32
    return %c0_i32, %c0_i32_0 : i32, i32
  }
  func.func @transform_5(%arg0: i32) -> (i32, i32, i32) {
    %c0_i32 = arith.constant 0 : i32
    %c0_i32_0 = arith.constant 0 : i32
    %c0_i32_1 = arith.constant 0 : i32
    return %c0_i32, %arg0, %c0_i32_0 : i32, i32, i32
  }
  func.func @transform_6(%arg0: i32) -> (i32, i32) {
    %c0_i32 = arith.constant 0 : i32
    %c0_i32_0 = arith.constant 0 : i32
    return %arg0, %c0_i32 : i32, i32
  }
}

module attributes {stable_mosaic.version = 14 : i64} {
  func.func @_pool_kernel(%arg0: i32, %arg1: memref<1000x128xf32, #tpu.memory_space<vmem>>, %arg2: memref<2x128xf32, #tpu.memory_space<vmem>>, %arg3: memref<1x128xf32, #tpu.memory_space<vmem>>, %arg4: memref<1x128xf32, #tpu.memory_space<vmem>>, %arg5: memref<1x1x1000xi32, #tpu.memory_space<vmem>>, %arg6: memref<64x128xf32, #tpu.memory_space<vmem>>, %arg7: memref<64x128xf32, #tpu.memory_space<vmem>>) attributes {dimension_semantics = [#tpu.dimension_semantics<arbitrary>], iteration_bounds = array<i64: 10>, scalar_prefetch = 0 : i64, scratch_operands = 0 : i64, tpu.core_type = #tpu.core_type<tc>, window_params = [{transform_indices = @transform_0, window_bounds = array<i64: 1000, 128>}, {pipeline_mode = #tpu.pipeline_mode<synchronous>, transform_indices = @transform_1, window_bounds = array<i64: 2, 128>}, {pipeline_mode = #tpu.pipeline_mode<synchronous>, transform_indices = @transform_2, window_bounds = array<i64: 1, 128>}, {pipeline_mode = #tpu.pipeline_mode<synchronous>, transform_indices = @transform_3, window_bounds = array<i64: 1, 128>}, {transform_indices = @transform_4, window_bounds = array<i64: 1, 1, 1000>}, {pipeline_mode = #tpu.pipeline_mode<synchronous>, transform_indices = @transform_5, window_bounds = array<i64: 64, 128>}, {pipeline_mode = #tpu.pipeline_mode<synchronous>, transform_indices = @transform_6, window_bounds = array<i64: 64, 128>}]} {
    %get3A = arith.constant 0 : index
    %get3A_0 = arith.constant 0 : index
    %get3A_1 = vector.load %arg2[%get3A, %get3A_0] : memref<2x128xf32, #tpu.memory_space<vmem>>, vector<1x128xf32>
    %mul3A = arith.constant 9.99999974E-5 : f32
    %mul3A_2 = vector.broadcast %mul3A : f32 to vector<1x128xf32>
    %mul3A_3 = arith.mulf %get3A_1, %mul3A_2 : vector<1x128xf32>
    %get3A_4 = arith.constant 1 : index
    %get3A_5 = arith.constant 0 : index
    %get3A_6 = vector.load %arg2[%get3A_4, %get3A_5] : memref<2x128xf32, #tpu.memory_space<vmem>>, vector<1x128xf32>
    %mul3A_7 = arith.constant 9.99999974E-5 : f32
    %mul3A_8 = vector.broadcast %mul3A_7 : f32 to vector<1x128xf32>
    %mul3A_9 = arith.mulf %get3A_6, %mul3A_8 : vector<1x128xf32>
    %mul3A_10 = arith.mulf %mul3A_3, %mul3A_3 : vector<1x128xf32>
    %sub3A = arith.subf %mul3A_9, %mul3A_10 : vector<1x128xf32>
    %get3A_11 = arith.constant 0 : index
    %get3A_12 = arith.constant 0 : index
    %get3A_13 = vector.load %arg3[%get3A_11, %get3A_12] : memref<1x128xf32, #tpu.memory_space<vmem>>, vector<1x128xf32>
    %add3A = arith.constant 9.99999974E-6 : f32
    %add3A_14 = vector.broadcast %add3A : f32 to vector<1x128xf32>
    %add3A_15 = arith.addf %sub3A, %add3A_14 : vector<1x128xf32>
    %rsqrt3A = math.rsqrt %add3A_15 : vector<1x128xf32>
    %mul3A_16 = arith.mulf %get3A_13, %rsqrt3A : vector<1x128xf32>
    %get3A_17 = arith.constant 0 : index
    %get3A_18 = arith.constant 0 : index
    %get3A_19 = vector.load %arg4[%get3A_17, %get3A_18] : memref<1x128xf32, #tpu.memory_space<vmem>>, vector<1x128xf32>
    %mul3A_20 = arith.mulf %mul3A_3, %mul3A_16 : vector<1x128xf32>
    %sub3A_21 = arith.subf %get3A_19, %mul3A_20 : vector<1x128xf32>
    %get3A_22 = arith.constant 0 : index
    %get3A_23 = arith.constant 0 : index
    %get3A_24 = vector.load %arg1[%get3A_22, %get3A_23] : memref<1000x128xf32, #tpu.memory_space<vmem>>, vector<1000x128xf32>
    %mul3A_25 = vector.broadcast %mul3A_16 : vector<1x128xf32> to vector<1000x128xf32>
    %mul3A_26 = arith.mulf %get3A_24, %mul3A_25 : vector<1000x128xf32>
    %add3A_27 = vector.broadcast %sub3A_21 : vector<1x128xf32> to vector<1000x128xf32>
    %add3A_28 = arith.addf %mul3A_26, %add3A_27 : vector<1000x128xf32>
    %max3A = arith.constant 0.000000e+00 : f32
    %max3A_29 = vector.broadcast %max3A : f32 to vector<1000x128xf32>
    %max3A_30 = arith.maximumf %add3A_28, %max3A_29 : vector<1000x128xf32>
    %get3A_31 = arith.constant 0 : index
    %get3A_32 = arith.constant 0 : index
    %get3A_33 = arith.constant 0 : index
    %get3A_34 = vector.load %arg5[%get3A_31, %get3A_32, %get3A_33] : memref<1x1x1000xi32, #tpu.memory_space<vmem>>, vector<1x1x1000xi32>
    %get3A_35 = vector.shape_cast %get3A_34 : vector<1x1x1000xi32> to vector<1000xi32>
    %broadcast_in_dim3A = vector.shape_cast %get3A_35 : vector<1000xi32> to vector<1000x1xi32>
    %iota3A = tpu.iota {dimensions = array<i32: 1>} : vector<1000x64xi32>
    %eq3A = vector.broadcast %broadcast_in_dim3A : vector<1000x1xi32> to vector<1000x64xi32>
    %eq3A_36 = arith.cmpi eq, %eq3A, %iota3A : vector<1000x64xi32>
    %convert_element_type3A = arith.extui %eq3A_36 : vector<1000x64xi1> to vector<1000x64xi32>
    %convert_element_type3A_37 = arith.sitofp %convert_element_type3A : vector<1000x64xi32> to vector<1000x64xf32>
    %eq3A_38 = arith.constant 0 : i32
    %eq3A_39 = arith.cmpi eq, %arg0, %eq3A_38 : i32
    %convert_element_type3A_40 = arith.extui %eq3A_39 : i1 to i32
    %cond3A = arith.constant 0 : i32
    %cond3A_41 = arith.cmpi ne, %convert_element_type3A_40, %cond3A : i32
    scf.if %cond3A_41 {
      %broadcast_in_dim3A_60 = arith.constant 0.000000e+00 : f32
      %broadcast_in_dim3A_61 = vector.broadcast %broadcast_in_dim3A_60 : f32 to vector<64x128xf32>
      %swap3A_62 = arith.constant 0 : index
      %swap3A_63 = arith.constant 0 : index
      %swap3A_64 = vector.load %arg6[%swap3A_62, %swap3A_63] : memref<64x128xf32, #tpu.memory_space<vmem>>, vector<64x128xf32>
      tpu.vector_store %arg6[%swap3A_62, %swap3A_63], %broadcast_in_dim3A_61 {strides = array<i32>} : memref<64x128xf32, #tpu.memory_space<vmem>>, vector<64x128xf32>,
      %broadcast_in_dim3A_65 = arith.constant 0.000000e+00 : f32
      %broadcast_in_dim3A_66 = vector.broadcast %broadcast_in_dim3A_65 : f32 to vector<64x128xf32>
      %swap3A_67 = arith.constant 0 : index
      %swap3A_68 = arith.constant 0 : index
      %swap3A_69 = vector.load %arg7[%swap3A_67, %swap3A_68] : memref<64x128xf32, #tpu.memory_space<vmem>>, vector<64x128xf32>
      tpu.vector_store %arg7[%swap3A_67, %swap3A_68], %broadcast_in_dim3A_66 {strides = array<i32>} : memref<64x128xf32, #tpu.memory_space<vmem>>, vector<64x128xf32>,
    } else {
    }
    %get3A_42 = arith.constant 0 : index
    %get3A_43 = arith.constant 0 : index
    %get3A_44 = vector.load %arg6[%get3A_42, %get3A_43] : memref<64x128xf32, #tpu.memory_space<vmem>>, vector<64x128xf32>
    %dot_general3A = arith.constant dense<0.000000e+00> : vector<64x128xf32>
    %dot_general3A_45 = tpu.matmul %convert_element_type3A_37, %max3A_30, %dot_general3A {dimension_numbers = #tpu.dot_dimension_numbers<[0], [0], [1], [1], [0, 1, 1, 1], [], []>, transpose_lhs_hint = false} : vector<1000x64xf32>, vector<1000x128xf32>, vector<64x128xf32> -> vector<64x128xf32>
    %add3A_46 = arith.addf %get3A_44, %dot_general3A_45 : vector<64x128xf32>
    %swap3A = arith.constant 0 : index
    %swap3A_47 = arith.constant 0 : index
    %swap3A_48 = vector.load %arg6[%swap3A, %swap3A_47] : memref<64x128xf32, #tpu.memory_space<vmem>>, vector<64x128xf32>
    tpu.vector_store %arg6[%swap3A, %swap3A_47], %add3A_46 {strides = array<i32>} : memref<64x128xf32, #tpu.memory_space<vmem>>, vector<64x128xf32>,
    %get3A_49 = arith.constant 0 : index
    %get3A_50 = arith.constant 0 : index
    %get3A_51 = vector.load %arg7[%get3A_49, %get3A_50] : memref<64x128xf32, #tpu.memory_space<vmem>>, vector<64x128xf32>
    %broadcast_in_dim3A_52 = arith.constant 1.000000e+00 : f32
    %broadcast_in_dim3A_53 = vector.broadcast %broadcast_in_dim3A_52 : f32 to vector<1000x128xf32>
    %dot_general3A_54 = arith.constant dense<0.000000e+00> : vector<64x128xf32>
    %dot_general3A_55 = tpu.matmul %convert_element_type3A_37, %broadcast_in_dim3A_53, %dot_general3A_54 {dimension_numbers = #tpu.dot_dimension_numbers<[0], [0], [1], [1], [0, 1, 1, 1], [], []>, transpose_lhs_hint = false} : vector<1000x64xf32>, vector<1000x128xf32>, vector<64x128xf32> -> vector<64x128xf32>
    %add3A_56 = arith.addf %get3A_51, %dot_general3A_55 : vector<64x128xf32>
    %swap3A_57 = arith.constant 0 : index
    %swap3A_58 = arith.constant 0 : index
    %swap3A_59 = vector.load %arg7[%swap3A_57, %swap3A_58] : memref<64x128xf32, #tpu.memory_space<vmem>>, vector<64x128xf32>
    tpu.vector_store %arg7[%swap3A_57, %swap3A_58], %add3A_56 {strides = array<i32>} : memref<64x128xf32, #tpu.memory_space<vmem>>, vector<64x128xf32>,
    return
  }
  func.func @transform_0(%arg0: i32) -> (i32, i32) {
    %c0_i32 = arith.constant 0 : i32
    %c0_i32_0 = arith.constant 0 : i32
    return %arg0, %c0_i32 : i32, i32
  }
  func.func @transform_1(%arg0: i32) -> (i32, i32) {
    %c0_i32 = arith.constant 0 : i32
    %c0_i32_0 = arith.constant 0 : i32
    %c0_i32_1 = arith.constant 0 : i32
    return %c0_i32, %c0_i32_0 : i32, i32
  }
  func.func @transform_2(%arg0: i32) -> (i32, i32) {
    %c0_i32 = arith.constant 0 : i32
    %c0_i32_0 = arith.constant 0 : i32
    %c0_i32_1 = arith.constant 0 : i32
    return %c0_i32, %c0_i32_0 : i32, i32
  }
  func.func @transform_3(%arg0: i32) -> (i32, i32) {
    %c0_i32 = arith.constant 0 : i32
    %c0_i32_0 = arith.constant 0 : i32
    %c0_i32_1 = arith.constant 0 : i32
    return %c0_i32, %c0_i32_0 : i32, i32
  }
  func.func @transform_4(%arg0: i32) -> (i32, i32, i32) {
    %c0_i32 = arith.constant 0 : i32
    %c0_i32_0 = arith.constant 0 : i32
    %c0_i32_1 = arith.constant 0 : i32
    return %arg0, %c0_i32, %c0_i32_0 : i32, i32, i32
  }
  func.func @transform_5(%arg0: i32) -> (i32, i32) {
    %c0_i32 = arith.constant 0 : i32
    %c0_i32_0 = arith.constant 0 : i32
    %c0_i32_1 = arith.constant 0 : i32
    return %c0_i32, %c0_i32_0 : i32, i32
  }
  func.func @transform_6(%arg0: i32) -> (i32, i32) {
    %c0_i32 = arith.constant 0 : i32
    %c0_i32_0 = arith.constant 0 : i32
    %c0_i32_1 = arith.constant 0 : i32
    return %c0_i32, %c0_i32_0 : i32, i32
  }
}

module attributes {stable_mosaic.version = 14 : i64} {
  func.func @_head_kernel(%arg0: memref<64x128xf32, #tpu.memory_space<vmem>>, %arg1: memref<64x128xf32, #tpu.memory_space<vmem>>, %arg2: memref<128x128xf32, #tpu.memory_space<vmem>>, %arg3: memref<1x128xf32, #tpu.memory_space<vmem>>, %arg4: memref<1x128xf32, #tpu.memory_space<vmem>>, %arg5: memref<1x128xf32, #tpu.memory_space<vmem>>, %arg6: memref<128x128xf32, #tpu.memory_space<vmem>>, %arg7: memref<1x128xf32, #tpu.memory_space<vmem>>, %arg8: memref<1x128xf32, #tpu.memory_space<vmem>>, %arg9: memref<1x128xf32, #tpu.memory_space<vmem>>, %arg10: memref<128x128xf32, #tpu.memory_space<vmem>>, %arg11: memref<1x128xf32, #tpu.memory_space<vmem>>, %arg12: memref<64x128xf32, #tpu.memory_space<vmem>>) attributes {dimension_semantics = [], scalar_prefetch = 0 : i64, scratch_operands = 0 : i64, tpu.core_type = #tpu.core_type<tc>} {
    %get3A = arith.constant 0 : index
    %get3A_0 = arith.constant 0 : index
    %get3A_1 = vector.load %arg0[%get3A, %get3A_0] : memref<64x128xf32, #tpu.memory_space<vmem>>, vector<64x128xf32>
    %get3A_2 = arith.constant 0 : index
    %get3A_3 = arith.constant 0 : index
    %get3A_4 = vector.load %arg1[%get3A_2, %get3A_3] : memref<64x128xf32, #tpu.memory_space<vmem>>, vector<64x1xf32>
    %max3A = arith.constant 1.000000e+00 : f32
    %max3A_5 = vector.broadcast %max3A : f32 to vector<64x1xf32>
    %max3A_6 = arith.maximumf %get3A_4, %max3A_5 : vector<64x1xf32>
    %div3A = vector.broadcast %max3A_6 : vector<64x1xf32> to vector<64x128xf32>
    %div3A_7 = arith.divf %get3A_1, %div3A : vector<64x128xf32>
    %get3A_8 = arith.constant 0 : index
    %get3A_9 = arith.constant 0 : index
    %get3A_10 = vector.load %arg2[%get3A_8, %get3A_9] : memref<128x128xf32, #tpu.memory_space<vmem>>, vector<128x128xf32>
    %dot_general3A = arith.constant dense<0.000000e+00> : vector<64x128xf32>
    %dot_general3A_11 = tpu.matmul %div3A_7, %get3A_10, %dot_general3A {dimension_numbers = #tpu.dot_dimension_numbers<[1], [0], [0], [1], [0, 0, 1, 1], [], []>, transpose_lhs_hint = false} : vector<64x128xf32>, vector<128x128xf32>, vector<64x128xf32> -> vector<64x128xf32>
    %get3A_12 = arith.constant 0 : index
    %get3A_13 = arith.constant 0 : index
    %get3A_14 = vector.load %arg3[%get3A_12, %get3A_13] : memref<1x128xf32, #tpu.memory_space<vmem>>, vector<1x128xf32>
    %add3A = vector.broadcast %get3A_14 : vector<1x128xf32> to vector<64x128xf32>
    %add3A_15 = arith.addf %dot_general3A_11, %add3A : vector<64x128xf32>
    %reduce_sum3A = arith.constant dense<0.000000e+00> : vector<128xf32>
    %reduce_sum3A_16 = vector.multi_reduction <add>, %add3A_15, %reduce_sum3A [0] : vector<64x128xf32> to vector<128xf32>
    %broadcast_in_dim3A = vector.shape_cast %reduce_sum3A_16 : vector<128xf32> to vector<1x128xf32>
    %div3A_17 = arith.constant 6.400000e+01 : f32
    %div3A_18 = vector.broadcast %div3A_17 : f32 to vector<1x128xf32>
    %div3A_19 = arith.divf %broadcast_in_dim3A, %div3A_18 : vector<1x128xf32>
    %mul3A = arith.mulf %add3A_15, %add3A_15 : vector<64x128xf32>
    %reduce_sum3A_20 = arith.constant dense<0.000000e+00> : vector<128xf32>
    %reduce_sum3A_21 = vector.multi_reduction <add>, %mul3A, %reduce_sum3A_20 [0] : vector<64x128xf32> to vector<128xf32>
    %broadcast_in_dim3A_22 = vector.shape_cast %reduce_sum3A_21 : vector<128xf32> to vector<1x128xf32>
    %div3A_23 = arith.constant 6.400000e+01 : f32
    %div3A_24 = vector.broadcast %div3A_23 : f32 to vector<1x128xf32>
    %div3A_25 = arith.divf %broadcast_in_dim3A_22, %div3A_24 : vector<1x128xf32>
    %mul3A_26 = arith.mulf %div3A_19, %div3A_19 : vector<1x128xf32>
    %sub3A = arith.subf %div3A_25, %mul3A_26 : vector<1x128xf32>
    %get3A_27 = arith.constant 0 : index
    %get3A_28 = arith.constant 0 : index
    %get3A_29 = vector.load %arg4[%get3A_27, %get3A_28] : memref<1x128xf32, #tpu.memory_space<vmem>>, vector<1x128xf32>
    %sub3A_30 = vector.broadcast %div3A_19 : vector<1x128xf32> to vector<64x128xf32>
    %sub3A_31 = arith.subf %add3A_15, %sub3A_30 : vector<64x128xf32>
    %mul3A_32 = vector.broadcast %get3A_29 : vector<1x128xf32> to vector<64x128xf32>
    %mul3A_33 = arith.mulf %mul3A_32, %sub3A_31 : vector<64x128xf32>
    %add3A_34 = arith.constant 9.99999974E-6 : f32
    %add3A_35 = vector.broadcast %add3A_34 : f32 to vector<1x128xf32>
    %add3A_36 = arith.addf %sub3A, %add3A_35 : vector<1x128xf32>
    %rsqrt3A = math.rsqrt %add3A_36 : vector<1x128xf32>
    %mul3A_37 = vector.broadcast %rsqrt3A : vector<1x128xf32> to vector<64x128xf32>
    %mul3A_38 = arith.mulf %mul3A_33, %mul3A_37 : vector<64x128xf32>
    %get3A_39 = arith.constant 0 : index
    %get3A_40 = arith.constant 0 : index
    %get3A_41 = vector.load %arg5[%get3A_39, %get3A_40] : memref<1x128xf32, #tpu.memory_space<vmem>>, vector<1x128xf32>
    %add3A_42 = vector.broadcast %get3A_41 : vector<1x128xf32> to vector<64x128xf32>
    %add3A_43 = arith.addf %mul3A_38, %add3A_42 : vector<64x128xf32>
    %max3A_44 = arith.constant 0.000000e+00 : f32
    %max3A_45 = vector.broadcast %max3A_44 : f32 to vector<64x128xf32>
    %max3A_46 = arith.maximumf %add3A_43, %max3A_45 : vector<64x128xf32>
    %get3A_47 = arith.constant 0 : index
    %get3A_48 = arith.constant 0 : index
    %get3A_49 = vector.load %arg6[%get3A_47, %get3A_48] : memref<128x128xf32, #tpu.memory_space<vmem>>, vector<128x128xf32>
    %dot_general3A_50 = arith.constant dense<0.000000e+00> : vector<64x128xf32>
    %dot_general3A_51 = tpu.matmul %max3A_46, %get3A_49, %dot_general3A_50 {dimension_numbers = #tpu.dot_dimension_numbers<[1], [0], [0], [1], [0, 0, 1, 1], [], []>, transpose_lhs_hint = false} : vector<64x128xf32>, vector<128x128xf32>, vector<64x128xf32> -> vector<64x128xf32>
    %get3A_52 = arith.constant 0 : index
    %get3A_53 = arith.constant 0 : index
    %get3A_54 = vector.load %arg7[%get3A_52, %get3A_53] : memref<1x128xf32, #tpu.memory_space<vmem>>, vector<1x128xf32>
    %add3A_55 = vector.broadcast %get3A_54 : vector<1x128xf32> to vector<64x128xf32>
    %add3A_56 = arith.addf %dot_general3A_51, %add3A_55 : vector<64x128xf32>
    %reduce_sum3A_57 = arith.constant dense<0.000000e+00> : vector<128xf32>
    %reduce_sum3A_58 = vector.multi_reduction <add>, %add3A_56, %reduce_sum3A_57 [0] : vector<64x128xf32> to vector<128xf32>
    %broadcast_in_dim3A_59 = vector.shape_cast %reduce_sum3A_58 : vector<128xf32> to vector<1x128xf32>
    %div3A_60 = arith.constant 6.400000e+01 : f32
    %div3A_61 = vector.broadcast %div3A_60 : f32 to vector<1x128xf32>
    %div3A_62 = arith.divf %broadcast_in_dim3A_59, %div3A_61 : vector<1x128xf32>
    %mul3A_63 = arith.mulf %add3A_56, %add3A_56 : vector<64x128xf32>
    %reduce_sum3A_64 = arith.constant dense<0.000000e+00> : vector<128xf32>
    %reduce_sum3A_65 = vector.multi_reduction <add>, %mul3A_63, %reduce_sum3A_64 [0] : vector<64x128xf32> to vector<128xf32>
    %broadcast_in_dim3A_66 = vector.shape_cast %reduce_sum3A_65 : vector<128xf32> to vector<1x128xf32>
    %div3A_67 = arith.constant 6.400000e+01 : f32
    %div3A_68 = vector.broadcast %div3A_67 : f32 to vector<1x128xf32>
    %div3A_69 = arith.divf %broadcast_in_dim3A_66, %div3A_68 : vector<1x128xf32>
    %mul3A_70 = arith.mulf %div3A_62, %div3A_62 : vector<1x128xf32>
    %sub3A_71 = arith.subf %div3A_69, %mul3A_70 : vector<1x128xf32>
    %get3A_72 = arith.constant 0 : index
    %get3A_73 = arith.constant 0 : index
    %get3A_74 = vector.load %arg8[%get3A_72, %get3A_73] : memref<1x128xf32, #tpu.memory_space<vmem>>, vector<1x128xf32>
    %sub3A_75 = vector.broadcast %div3A_62 : vector<1x128xf32> to vector<64x128xf32>
    %sub3A_76 = arith.subf %add3A_56, %sub3A_75 : vector<64x128xf32>
    %mul3A_77 = vector.broadcast %get3A_74 : vector<1x128xf32> to vector<64x128xf32>
    %mul3A_78 = arith.mulf %mul3A_77, %sub3A_76 : vector<64x128xf32>
    %add3A_79 = arith.constant 9.99999974E-6 : f32
    %add3A_80 = vector.broadcast %add3A_79 : f32 to vector<1x128xf32>
    %add3A_81 = arith.addf %sub3A_71, %add3A_80 : vector<1x128xf32>
    %rsqrt3A_82 = math.rsqrt %add3A_81 : vector<1x128xf32>
    %mul3A_83 = vector.broadcast %rsqrt3A_82 : vector<1x128xf32> to vector<64x128xf32>
    %mul3A_84 = arith.mulf %mul3A_78, %mul3A_83 : vector<64x128xf32>
    %get3A_85 = arith.constant 0 : index
    %get3A_86 = arith.constant 0 : index
    %get3A_87 = vector.load %arg9[%get3A_85, %get3A_86] : memref<1x128xf32, #tpu.memory_space<vmem>>, vector<1x128xf32>
    %add3A_88 = vector.broadcast %get3A_87 : vector<1x128xf32> to vector<64x128xf32>
    %add3A_89 = arith.addf %mul3A_84, %add3A_88 : vector<64x128xf32>
    %max3A_90 = arith.constant 0.000000e+00 : f32
    %max3A_91 = vector.broadcast %max3A_90 : f32 to vector<64x128xf32>
    %max3A_92 = arith.maximumf %add3A_89, %max3A_91 : vector<64x128xf32>
    %get3A_93 = arith.constant 0 : index
    %get3A_94 = arith.constant 0 : index
    %get3A_95 = vector.load %arg10[%get3A_93, %get3A_94] : memref<128x128xf32, #tpu.memory_space<vmem>>, vector<128x128xf32>
    %dot_general3A_96 = arith.constant dense<0.000000e+00> : vector<64x128xf32>
    %dot_general3A_97 = tpu.matmul %max3A_92, %get3A_95, %dot_general3A_96 {dimension_numbers = #tpu.dot_dimension_numbers<[1], [0], [0], [1], [0, 0, 1, 1], [], []>, transpose_lhs_hint = false} : vector<64x128xf32>, vector<128x128xf32>, vector<64x128xf32> -> vector<64x128xf32>
    %get3A_98 = arith.constant 0 : index
    %get3A_99 = arith.constant 0 : index
    %get3A_100 = vector.load %arg11[%get3A_98, %get3A_99] : memref<1x128xf32, #tpu.memory_space<vmem>>, vector<1x128xf32>
    %add3A_101 = vector.broadcast %get3A_100 : vector<1x128xf32> to vector<64x128xf32>
    %add3A_102 = arith.addf %dot_general3A_97, %add3A_101 : vector<64x128xf32>
    %max3A_103 = arith.constant 0.000000e+00 : f32
    %max3A_104 = vector.broadcast %max3A_103 : f32 to vector<64x128xf32>
    %max3A_105 = arith.maximumf %add3A_102, %max3A_104 : vector<64x128xf32>
    %swap3A = arith.constant 0 : index
    %swap3A_106 = arith.constant 0 : index
    %swap3A_107 = vector.load %arg12[%swap3A, %swap3A_106] : memref<64x128xf32, #tpu.memory_space<vmem>>, vector<64x128xf32>
    tpu.vector_store %arg12[%swap3A, %swap3A_106], %max3A_105 {strides = array<i32>} : memref<64x128xf32, #tpu.memory_space<vmem>>, vector<64x128xf32>,
    return
  }
}

</mosaic_0001>

<sc_bundles>
// kernel: kernel.14.cloned.1.call-start
scs
__scs_entry_jumppad:
0x0: {  	(pc) =	sbr.rel $0x88, $3  }
0x1: {  	(tag) =	ssettag $0x0;
	lr =	simm.s32 $0x1  }
0x2: {  	[smem:$0x3F88] =	sst lr;
	_ =	strace $0xD0000000  }
0x3: {  	_ = 	snop  }
0x4: {  	_ = 	snop  }
0x5: {  	_ = 	snop  }
0x6: {  	_ = 	snop  }
0x7: {  	_ = 	snop  }
__scs_overlays_trampoline_lowered:
0x8: {  	[smem:$0x3F97] =	sst s0  }
0x9: {  	[smem:$0x3F98] =	sst s1  }
0xa: {  	[smem:$0x3F99] =	sst s2  }
0xb: {  	[smem:$0x3F9A] =	sst s3  }
0xc: {  	[smem:$0x3F9B] =	sst s4  }
0xd: {  	[smem:$0x3F9C] =	sst s5  }
0xe: {  	[smem:$0x3F9D] =	sst s6  }
0xf: {  	[smem:$0x3F9E] =	sst s7  }
0x10: {  	[smem:$0x3F9F] =	sst s8  }
0x11: {  	[smem:$0x3FA0] =	sst s9;
	s0 =	simm.s32 @!p0 $0x0  }
0x12: {  	s1 =	sld [smem:$0x3F86];
	s0 =	simm.s32 @p0 $0x1  }
0x13: {  	[smem:$0x3FA1] =	sst s0;
	s0 =	simm.s32 @!p1 $0x0  }
0x14: {  	s2 =	sld [smem:$0x3F85];
	s0 =	simm.s32 @p1 $0x1  }
0x15: {  	[smem:$0x3FA2] =	sst s0;
	s0 =	simm.s32 @!p2 $0x0  }
0x16: {  	s3 =	sld [smem:$0x3FDB];
	s0 =	simm.s32 @p2 $0x1  }
0x17: {  	s4 =	simm.s32 $0x1BF5;
	[smem:$0x3FA4] =	sst s0  }
0x18: {  	s0 =	sld [smem:$0x3F87];
	_ =	swait.ge [sflag:s4], $0x0  }
0x19: {  	s7 =	sld [smem:$0x3F88]  }
0x1a: {  	s8 =	sadd.s32 $0xFFFFE003, lr  }
0x1b: {  	s9 =	sadd.s32 $0xFFFFFEF7, lr;
	s5 =	simm.s32 $0xFFFFFFFF;
	p2 =	slt.u32 s8, $0xFFFFF086  }
0x1c: {  	p1 =	slt.u32 s9, $0xF7A;
	s5 =	simm.s32 @!p2 $0x0  }
0x1d: {  	s5 =	simm.s32 @p1 $0x1;
	p0 =	seq.s32 s7, s2  }
0x1e: {  	s7 =	smul.u32 @!p0 $0xF7A, s2;
	p2 =	seq.s32 @!p0 s5, $0x0  }
0x1f: {  	s9 =	smul.u32 $0xF7A, s1;
	s8 =	simm.s32 @!p0 $0x1BF5;
	p2 =	por !p2, p0  }
0x20: {  	[sflag:s8] =	ssyncset.s32 @!p0 $0xFFFFF086;
	s6 =	sadd.s32 @!p0 s3, s7;
	s7 =	simm.s32 @!p0 $0x108  }
0x21: {  	s3 =	sadd.s32 s3, s9;
	s6 =	sadd.s32 @!p0 $0x88, s6;
	s7 =	simm.s32 @p2 $0x1082  }
0x22: {  	[simem:s7], [sflag:s8] =	dma.local @!p0 [hbm:s6], $0xF7A  }
0x23: {  	s9 =	sor.u32 $0xD0000000, s2;
	s6 =	simm.s32 $0x108;
	_ =	swait.ge @!p0 [sflag:s8], $0x0  }
0x24: {  	s3 =	sadd.s32 $0x88, s3;
	s6 =	simm.s32 @!p1 $0x1082;
	[sflag:s4] =	ssyncset.s32 $0xFFFFF086  }
0x25: {  	[simem:s6], [sflag:s4] =	dma.local [hbm:s3], $0xF7A  }
0x26: {  	[smem:$0x3F88] =	sst s1;
	(tag) =	ssettag s2;
	_ =	strace s9  }
0x27: {  	s1 =	sld [smem:$0x3F98]  }
0x28: {  	s2 =	sld [smem:$0x3F99]  }
0x29: {  	s4 =	sld [smem:$0x3F9B]  }
0x2a: {  	p0 =	seq.s32 s5, $0x0;
	s5 =	sld [smem:$0x3F9C]  }
0x2b: {  	s6 =	sld [smem:$0x3F9D]  }
0x2c: {  	s7 =	sld [smem:$0x3F9E]  }
0x2d: {  	s3 =	simm.s32 $0x108;
	s8 =	sld [smem:$0x3F9F]  }
0x2e: {  	s3 =	simm.s32 @!p0 $0x1082;
	s9 =	sld [smem:$0x3FA0]  }
0x2f: {  	lr =	sadd.s32 s0, s3;
	s0 =	sld [smem:$0x3F97]  }
0x30: {  	s3 =	sld [smem:$0x3F9A]  }
0x31: {  	[smem:$0x3FA3] =	sst s10  }
0x32: {  	s10 =	sld [smem:$0x3FA1];
	_ =	sdelay $0x3  }
0x33: {  	p0 =	seq.s32 s10, $0x1;
	s10 =	sld [smem:$0x3FA3];
	_ =	sdelay $0x3  }
0x34: {  	[smem:$0x3FA3] =	sst s10  }
0x35: {  	s10 =	sld [smem:$0x3FA2];
	_ =	sdelay $0x3  }
0x36: {  	p1 =	seq.s32 s10, $0x1;
	s10 =	sld [smem:$0x3FA3];
	_ =	sdelay $0x3  }
0x37: {  	[smem:$0x3FA3] =	sst s10  }
0x38: {  	s10 =	sld [smem:$0x3FA4]  }
0x39: {  	_ = 	snop;
	(pc) =	sbr.ind lr, $3  }
0x3a: {  	_ = 	snop  }
0x3b: {  	_ = 	snop  }
0x3c: {  	p2 =	seq.s32 s10, $0x1;
	s10 =	sld [smem:$0x3FA3]  }
0x3d: {  	_ =	shalt  }
0x3e: {  	_ =	shalt  }
0x3f: {  	_ =	shalt  }
0x40: {  	_ =	shalt  }
0x41: {  	_ =	shalt  }
0x42: {  	_ =	shalt  }
0x43: {  	_ =	shalt  }
0x44: {  	_ =	shalt  }
0x45: {  	_ =	shalt  }
0x46: {  	_ =	shalt  }
0x47: {  	_ =	shalt  }
0x48: {  	_ =	shalt  }
0x49: {  	_ =	shalt  }
0x4a: {  	_ =	shalt  }
0x4b: {  	_ =	shalt  }
0x4c: {  	_ =	shalt  }
0x4d: {  	_ =	shalt  }
0x4e: {  	_ =	shalt  }
0x4f: {  	_ =	shalt  }
0x50: {  	_ =	shalt  }
0x51: {  	_ =	shalt  }
0x52: {  	_ =	shalt  }
0x53: {  	_ =	shalt  }
0x54: {  	_ =	shalt  }
0x55: {  	_ =	shalt  }
0x56: {  	_ =	shalt  }
0x57: {  	_ =	shalt  }
0x58: {  	_ =	shalt  }
0x59: {  	_ =	shalt  }
0x5a: {  	_ =	shalt  }
0x5b: {  	_ =	shalt  }
0x5c: {  	_ =	shalt  }
0x5d: {  	_ =	shalt  }
0x5e: {  	_ =	shalt  }
0x5f: {  	_ =	shalt  }
0x60: {  	_ =	shalt  }
0x61: {  	_ =	shalt  }
0x62: {  	_ =	shalt  }
0x63: {  	_ =	shalt  }
0x64: {  	_ =	shalt  }
0x65: {  	_ =	shalt  }
0x66: {  	_ =	shalt  }
0x67: {  	_ =	shalt  }
0x68: {  	_ =	shalt  }
0x69: {  	_ =	shalt  }
0x6a: {  	_ =	shalt  }
0x6b: {  	_ =	shalt  }
0x6c: {  	_ =	shalt  }
0x6d: {  	_ =	shalt  }
0x6e: {  	_ =	shalt  }
0x6f: {  	_ =	shalt  }
0x70: {  	_ =	shalt  }
0x71: {  	_ =	shalt  }
0x72: {  	_ =	shalt  }
0x73: {  	_ =	shalt  }
0x74: {  	_ =	shalt  }
0x75: {  	_ =	shalt  }
0x76: {  	_ =	shalt  }
0x77: {  	_ =	shalt  }
0x78: {  	_ =	shalt  }
0x79: {  	_ =	shalt  }
0x7a: {  	_ =	shalt  }
0x7b: {  	_ =	shalt  }
0x7c: {  	_ =	shalt  }
0x7d: {  	_ =	shalt  }
0x7e: {  	_ =	shalt  }
0x7f: {  	_ =	shalt  }
0x80: {  	_ =	shalt  }
0x81: {  	_ =	shalt  }
0x82: {  	_ =	shalt  }
0x83: {  	_ =	shalt  }
0x84: {  	_ =	shalt  }
0x85: {  	_ =	shalt  }
0x86: {  	_ =	shalt  }
0x87: {  	_ =	shalt  }
.Lfunc_end0:
.L_simem_size_0:
called_computation_lowered:
.L_overlay_start_0:
0x88: {  	s2 =	sld [smem:$0x3FD9]  }
0x89: {  	s3 =	sld [smem:$0x3FFE];
	_ =	sdelay $0x1  }
0x8a: {  	s1 =	srdreg.scid  }
0x8b: {  	s0 =	sand.u32 $0x1, s1  }
0x8c: {  	s16 =	sshll.u32 s0, $0xA;
	s2 =	sadd.s32 s3, s2  }
0x8d: {  	s2 =	sadd.s32 s2, s16  }
0x8e: {  	[smem:$0x3FAF] =	sst s2  }
0x8f: {  	_ = 	snop  }
0x90: {  	(tm) =	ssettm $0x1  }
0x91: {  	s17 =	sld [smem:$0x3FFB];
	_ =	sdelay $0x3  }
0x92: {  	_ =	strace s17  }
0x93: {  	s2 =	sld [smem:$0x3FFC];
	_ =	sdelay $0x3  }
0x94: {  	_ =	strace s2  }
0x95: {  	s2 =	sld [smem:$0x3FFD];
	_ =	sdelay $0x3  }
0x96: {  	_ =	strace s2  }
0x97: {  	_ =	strace $0x8FFFFFFF  }
0x98: {  	s18 =	sld [smem:$0x3FDB];
	_ =	sdelay $0x1  }
0x99: {  	s19 =	simm.s32 $_scs_section_size  }
0x9a: {  	s4 =	simm.s32 $_size__tile_overlayer_lowered;
	s5 =	simm.s32 $_tile_overlayer_lowered  }
0x9b: {  	s22 =	simm.s32 $0x1BFF;
	s21 =	sshll.u32 s5, $0x1;
	s2 =	sadd.s32 s19, s18  }
0x9c: {  	s6 =	simm.s32 $0x0;
	s20 =	sshll.u32 s4, $0x1;
	s4 =	sadd.s32 s21, s2  }
0x9d: {  	[timem:s6], [sflag:s22] =	dma.local [hbm:s4], s20  }
0x9e: {  	_ =	swait.ge [sflag:s22], s20  }
0x9f: {  	s3 =	ssub.s32 $0x0, s20;
	[sflag:s22] =	ssyncset.done $0x0  }
0xa0: {  	[sflag:s22] =	ssyncadd.s32 s3;
	_ =	sdelay $0x1  }
0xa1: {  	s23 =	simm.s32 $0x1B8B  }
0xa2: {  	_ =	swait.ge [sflag:s23], $0x1  }
0xa3: {  	[sflag:s23] =	ssyncset.done $0x0  }
0xa4: {  	s25 =	simm.s32 $0x1B8E;
	s24 =	sld [smem:$0x3FFE];
	[sflag:s23] =	ssyncadd.s32 $0xFFFFFFFF  }
0xa5: {  	s26 =	simm.s32 $execute0_lowered;
	[smem:$0x3FD2] =	sst s25  }
0xa6: {  	s4 =	sshll.u32 s26, $0x1;
	_ =	strace $0x80000046;
	[dreg:$0x1] =	wrdreg $0xFFFFFFFF  }
0xa7: {  	s28 =	simm.s32 $_size_execute0_lowered;
	s2 =	sadd.s32 s2, s4;
	[dreg:$0x0] =	wrdreg $0x0  }
0xa8: {  	s4 =	sshll.u32 s28, $0x1;
	[dreg:$0x2] =	wrdreg s2  }
0xa9: {  	[dreg:$0x3] =	wrdreg s4  }
0xaa: {  	[dreg:$0x4] =	wrdreg $0xC0  }
0xab: {  	_ =	task [dreg:s6], $0x5FFFF  }
0xac: {  	[dreg:$0x1] =	wrdreg $0xFFFFFFFF  }
0xad: {  	[dreg:$0x0] =	wrdreg $0x60  }
0xae: {  	[dreg:$0x2] =	wrdreg s24  }
0xaf: {  	[dreg:$0x3] =	wrdreg $0x68000  }
0xb0: {  	[dreg:$0x4] =	wrdreg $0x9  }
0xb1: {  	_ =	task.clear_ibuf [dreg:s6], $0x5FFFF;
	_ =	strace $0x90000046  }
0xb2: {  	s29 =	simm.s32 $0x9;
	_ =	strace $0x80000048  }
0xb3: {  	_ =	swait.ge [sflag:s29], $0x1  }
0xb4: {  	[sflag:s29] =	ssyncadd.s32 $0xFFFFFFFF  }
0xb5: {  	_ =	strace $0x90000048  }
0xb6: {  	_ =	sfence  }
0xb7: {  	s30 =	sld [smem:$0x0];
	_ =	sdelay $0x2  }
0xb8: {  	s31 =	sshll.u32 s1, $0xD;
	s1 =	sshrl.u32 s1, $0x2  }
0xb9: {  	s3 =	sand.u32 $0x4000, s31;
	s1 =	sadd.s32 s1, s30  }
0xba: {  	s0 =	sor.u32 s3, s0;
	s1 =	sshll.u32 s1, $0x11  }
0xbb: {  	s0 =	sor.u32 s1, s0  }
0xbc: {  	s0 =	sadd.s32 $0x8F2B, s0  }
0xbd: {  	[sflag:s0] =	ssyncadd.remote.s32 $0x1  }
0xbe: {  	_ =	sfence.sel $0xFFFF  }
0xbf: {  	[dreg:$0x0] =	wrdreg $0xFFFFFFFF;
	(pc) =	sbr.abs _section_cstart, $3  }
0xc0: {  	[dreg:$0x1] =	wrdreg $0xFFFFFFFF  }
0xc1: {  	_ =	task.clear_ibuf [dreg:s6], $0x2FFFF;
	_ =	strace $0x9FFFFFFF  }
0xc2: {  	(tm) =	ssettm $0x7FFFFFFF  }
0xc3: {  	_ =	shalt  }
tec
execute0_lowered:
.L_overlay_start_1:
0x0: {  	(tag) =	ssettag $0x1  }
0x1: {  	s0 =	srdreg.scid;
	s5 =	rddreg [dreg:$0x0]  }
0x2: {  	s2 =	rddreg [dreg:$0x1];
	s3 =	simm.s32 $0x0;
	s4 =	sand.u32 $0x1, s0  }
0x3: {  	s13 =	simm.s32 $0x2800;
	s0 =	stileid.u32;
	s7 =	smul.u32 $0x140000, s4  }
0x4: {  	s14 =	simm.s32 $0x1;
	s15 =	simm.s32 $0x7D;
	s8 =	smul.u32 $0x14000, s0  }
0x5: {  	[smem:$0x7FF] =	sst s3;
	s1 =	sshll.u32 s4, $0x4;
	s9 =	smul.u32 $0x50000, s0  }
0x6: {  	s29 =	ssub.s32 $0x2, s4;
	s16 =	sshll.u32 s0, $0x6;
	s1 =	sor.u32 s0, s1  }
0x7: {  	s31 =	sshrl.u32 s29, $0x1;
	s16 =	sor.u32 $0x1C01, s16;
	s6 =	smul.u32 $0x500, s1  }
0x8: {  	s1 =	rddreg [dreg:$0x2];
	_ =	strace $0x80000047;
	s7 =	sadd.s32 s8, s7  }
0x9: {  	s30 =	sshrl.u32 s9, $0x2;
	s8 =	ssub.s32 s29, s31;
	s7 =	sshrl.u32 s7, $0x3  }
0xa: {  	s4 =	sadd.s32 s30, s2;
	s8 =	smax.u32 s8, $0x1;
	s6 =	sadd.s32 s6, s5  }
0xb: {  	s7 =	sadd.s32 s7, s5;
	s5 =	sadd.s32 $0x13880, s4;
	s9 =	sadd.s32 $0x3E80, s4  }
0xc: {  	s10 =	sadd.s32 $0x7D00, s4;
	s11 =	sadd.s32 $0xBB80, s4;
	s12 =	sadd.s32 $0xFA00, s4  }
0xd: {  	v0 =	vimm.f32 $0.0e+00;
	v1 =	vimm.f32 $1.000000000e+00;
	s17 =	sshrl.u32 s4, $0x3;
	s6 =	sadd.s32 $0x7800, s6;
	s7 =	sadd.s32 $0x11800, s7  }
.LBB2_1:
0xe: {  	s18 =	simm.s32 $0x200;
	s19 =	simm.s32 $0x0  }
.LBB2_2:
0xf: {  	p0 =	sne.s32 s18, $0xF800;
	[tilespmem:s19+$0x2800] =	vst v0;
	s19 =	smov.u32 s18;
	s18 =	sadd.s32 $0x200, s18  }
.Ltmp0:
0x10: {  	(pc) =	sbr.rel @p0 .LBB2_2-.Ltmp0, $2  }
0x11: {  	_ =	sdelay $0x2  }
0x12: {  	s19 =	sshra.s32 s19, $0x2  }
0x13: {  	[tilespmem:s19+$0x2800] =	vst v0  }
0x14: {  	[spmem:s4] =	stream.linear.scatter [tilespmem:s13], [sflag:$0x1], $0x3E80, $0x38;
	[tilespmem:$0x9000] =	vst v63  }
0x15: {  	_ =	swait.ge [sflag:s14], $0x3E80  }
0x16: {  	[sflag:s14] =	ssyncset.done $0x0  }
0x17: {  	[sflag:s14] =	ssyncadd.s32 $0xFFFFC180  }
0x18: {  	[spmem:s9] =	stream.linear.scatter [tilespmem:s13], [sflag:$0x1], $0x3E80, $0x38;
	[tilespmem:$0x9000] =	vst v63  }
0x19: {  	_ =	swait.ge [sflag:s14], $0x3E80  }
0x1a: {  	[sflag:s14] =	ssyncset.done $0x0  }
0x1b: {  	[sflag:s14] =	ssyncadd.s32 $0xFFFFC180  }
0x1c: {  	[spmem:s10] =	stream.linear.scatter [tilespmem:s13], [sflag:$0x1], $0x3E80, $0x38;
	[tilespmem:$0x9000] =	vst v63  }
0x1d: {  	_ =	swait.ge [sflag:s14], $0x3E80  }
0x1e: {  	[sflag:s14] =	ssyncset.done $0x0  }
0x1f: {  	[sflag:s14] =	ssyncadd.s32 $0xFFFFC180  }
0x20: {  	[spmem:s11] =	stream.linear.scatter [tilespmem:s13], [sflag:$0x1], $0x3E80, $0x38;
	[tilespmem:$0x9000] =	vst v63  }
0x21: {  	_ =	swait.ge [sflag:s14], $0x3E80  }
0x22: {  	[sflag:s14] =	ssyncset.done $0x0  }
0x23: {  	[sflag:s14] =	ssyncadd.s32 $0xFFFFC180  }
0x24: {  	[spmem:s12] =	stream.linear.scatter [tilespmem:s13], [sflag:$0x1], $0x3E80, $0x38;
	[tilespmem:$0x9000] =	vst v63  }
0x25: {  	_ =	swait.ge [sflag:s14], $0x3E80  }
0x26: {  	[sflag:s14] =	ssyncset.done $0x0  }
0x27: {  	[sflag:s14] =	ssyncadd.s32 $0xFFFFC180  }
0x28: {  	[spmem:s5] =	stream.linear.scatter [tilespmem:s13], [sflag:$0x1], $0x780, $0x38;
	[tilespmem:$0x9000] =	vst v63  }
0x29: {  	_ =	swait.ge [sflag:s14], $0x780  }
0x2a: {  	[sflag:s14] =	ssyncset.done $0x0  }
0x2b: {  	s18 =	simm.s32 $0x200;
	s19 =	simm.s32 $0x0;
	[sflag:s14] =	ssyncadd.s32 $0xFFFFF880  }
.LBB2_4:
0x2c: {  	p0 =	sne.s32 s18, $0xF800;
	[tilespmem:s19+$0x2800] =	vst v1;
	s19 =	smov.u32 s18;
	s18 =	sadd.s32 $0x200, s18  }
.Ltmp1:
0x2d: {  	(pc) =	sbr.rel @p0 .LBB2_4-.Ltmp1, $2  }
0x2e: {  	_ =	sdelay $0x2  }
0x2f: {  	s19 =	sshra.s32 s19, $0x2  }
0x30: {  	[tilespmem:s19+$0x2800] =	vst v1  }
0x31: {  	s18 =	simm.s32 $0x0;
	[bflag:$0x0] =	sbarrier.arrive $0xFFFF  }
0x32: {  	[tilespmem:s18], [sflag:$0x1] =	stream.linear.gather [hbm4b:s6+s18], $0x2800, $0x38;
	[tilespmem:$0x9000] =	vst v63  }
0x33: {  	_ =	swait.ge [sflag:s14], $0x2800  }
0x34: {  	[sflag:s14] =	ssyncset.done $0x0  }
0x35: {  	s31 =	simm.s32 $0x0;
	[sflag:s14] =	ssyncadd.s32 $0xFFFFD800  }
0x36: {  	[spmem:s2] =	stream.indirect.scatter.add.f32 [tilespmem:s13], [sflag:$0x1], $0x10, s31, s15, $0xb8;
	[tilespmem:$0x9000] =	vst v63  }
0x37: {  	_ =	swait.ge [sflag:s14], $0x7D0  }
0x38: {  	s18 =	simm.s32 $0x200;
	[sflag:s14] =	ssyncset.done $0x0  }
.LBB2_6:
0x39: {  	s19 =	sshra.s32 s18, $0x2;
	[sflag:s14] =	ssyncadd.s32 $0xFFFFF830;
	p0 =	sne.s32 s18, $0x9E00  }
0x3a: {  	[spmem:s2] =	stream.indirect.scatter.add.f32 [tilespmem:s13], [sflag:$0x1], $0x10, s19, s15, $0xb8;
	[tilespmem:$0x9000] =	vst v63  }
.Ltmp2:
0x3b: {  	_ = 	snop;
	(pc) =	sbr.rel @p0 .LBB2_6-.Ltmp2, $4  }
0x3c: {  	_ = 	snop  }
0x3d: {  	s18 =	sadd.s32 $0x200, s18  }
0x3e: {  	_ =	swait.ge [sflag:s14], $0x7D0  }
0x3f: {  	[sflag:s14] =	ssyncset.done $0x0  }
0x40: {  	s3 =	sadd.s32 $0x1, s3  }
0x41: {  	[sflag:s14] =	ssyncadd.s32 $0xFFFFF830;
	p0 =	sne.s32 s3, s8  }
.Ltmp3:
0x42: {  	[bflag:$0x0] =	sbarrier.arrive $0xFFFF;
	(pc) =	sbr.rel @p0 .LBB2_1-.Ltmp3, $4  }
0x43: {  	[hbm:s7], [sflag:s16] =	dma.local [spmem:s17], $0x2800  }
0x44: {  	_ =	swait.ge [sflag:s14], $0x2800  }
0x45: {  	[sflag:s14] =	ssyncset.done $0x0  }
0x46: {  	[sflag:s14] =	ssyncadd.s32 $0xFFFFD800  }
0x47: {  	_ =	sfence.sel $0x180000  }
0x48: {  	[bflag:$0x0] =	sbarrier.arrive $0xFFFF  }
0x49: {  	p0 =	sne.s32 s0, $0x0;
	_ =	strace $0x90000047  }
0x4a: {  	s0 =	sadd.s32 @!p0 $0x100000, s1;
	[bflag:$0x2] =	sbarrier.arrive $0xFFFF  }
0x4b: {  	[sflag:s0] =	ssyncadd.tile.s32 @!p0 $0x1;
	_ =	shalt  }
.Lfunc_end2:
_tile_overlayer_lowered:
.L_overlay_start_2:
0x4c: {  	(tag) =	ssettag $0x2  }
0x4d: {  	s0 =	rddreg [dreg:$0x0];
	s2 =	stileid.u32  }
0x4e: {  	s1 =	rddreg [dreg:$0x1];
	p0 =	sne.s32 s2, $0x0  }
0x4f: {  	s3 =	rddreg [dreg:$0x2];
	[bflag:$0x3] =	sbarrier.arrive $0xFFFF;
	s2 =	simm.s32 @!p0 $0x1C01  }
0x50: {  	[timem:s3], [sflag:s2] =	dma.local @!p0 [hbm:s0], s1  }
0x51: {  	s0 =	simm.s32 @!p0 $0x1  }
0x52: {  	_ =	swait.ge @!p0 [sflag:s0], s1  }
0x53: {  	s1 =	ssub.s32 @!p0 $0x0, s1;
	[sflag:s0] =	ssyncset.done @!p0 $0x0  }
0x54: {  	[sflag:s0] =	ssyncadd.s32 @!p0 s1  }
0x55: {  	[bflag:$0x3] =	sbarrier.arrive $0xFFFF  }
0x56: {  	_ =	shalt  }

// kernel: kernel.17.cloned.1.call-start
scs
__scs_entry_jumppad:
0x0: {  	(pc) =	sbr.rel $0x88, $3  }
0x1: {  	(tag) =	ssettag $0x0;
	lr =	simm.s32 $0x1  }
0x2: {  	[smem:$0x3F88] =	sst lr;
	_ =	strace $0xD0000000  }
0x3: {  	_ = 	snop  }
0x4: {  	_ = 	snop  }
0x5: {  	_ = 	snop  }
0x6: {  	_ = 	snop  }
0x7: {  	_ = 	snop  }
__scs_overlays_trampoline_lowered:
0x8: {  	[smem:$0x3F97] =	sst s0  }
0x9: {  	[smem:$0x3F98] =	sst s1  }
0xa: {  	[smem:$0x3F99] =	sst s2  }
0xb: {  	[smem:$0x3F9A] =	sst s3  }
0xc: {  	[smem:$0x3F9B] =	sst s4  }
0xd: {  	[smem:$0x3F9C] =	sst s5  }
0xe: {  	[smem:$0x3F9D] =	sst s6  }
0xf: {  	[smem:$0x3F9E] =	sst s7  }
0x10: {  	[smem:$0x3F9F] =	sst s8  }
0x11: {  	[smem:$0x3FA0] =	sst s9;
	s0 =	simm.s32 @!p0 $0x0  }
0x12: {  	s1 =	sld [smem:$0x3F86];
	s0 =	simm.s32 @p0 $0x1  }
0x13: {  	[smem:$0x3FA1] =	sst s0;
	s0 =	simm.s32 @!p1 $0x0  }
0x14: {  	s2 =	sld [smem:$0x3F85];
	s0 =	simm.s32 @p1 $0x1  }
0x15: {  	[smem:$0x3FA2] =	sst s0;
	s0 =	simm.s32 @!p2 $0x0  }
0x16: {  	s3 =	sld [smem:$0x3FDB];
	s0 =	simm.s32 @p2 $0x1  }
0x17: {  	s4 =	simm.s32 $0x1BF5;
	[smem:$0x3FA4] =	sst s0  }
0x18: {  	s0 =	sld [smem:$0x3F87];
	_ =	swait.ge [sflag:s4], $0x0  }
0x19: {  	s7 =	sld [smem:$0x3F88]  }
0x1a: {  	s8 =	sadd.s32 $0xFFFFE003, lr  }
0x1b: {  	s9 =	sadd.s32 $0xFFFFFEF7, lr;
	s5 =	simm.s32 $0xFFFFFFFF;
	p2 =	slt.u32 s8, $0xFFFFF086  }
0x1c: {  	p1 =	slt.u32 s9, $0xF7A;
	s5 =	simm.s32 @!p2 $0x0  }
0x1d: {  	s5 =	simm.s32 @p1 $0x1;
	p0 =	seq.s32 s7, s2  }
0x1e: {  	s7 =	smul.u32 @!p0 $0xF7A, s2;
	p2 =	seq.s32 @!p0 s5, $0x0  }
0x1f: {  	s9 =	smul.u32 $0xF7A, s1;
	s8 =	simm.s32 @!p0 $0x1BF5;
	p2 =	por !p2, p0  }
0x20: {  	[sflag:s8] =	ssyncset.s32 @!p0 $0xFFFFF086;
	s6 =	sadd.s32 @!p0 s3, s7;
	s7 =	simm.s32 @!p0 $0x108  }
0x21: {  	s3 =	sadd.s32 s3, s9;
	s6 =	sadd.s32 @!p0 $0x88, s6;
	s7 =	simm.s32 @p2 $0x1082  }
0x22: {  	[simem:s7], [sflag:s8] =	dma.local @!p0 [hbm:s6], $0xF7A  }
0x23: {  	s9 =	sor.u32 $0xD0000000, s2;
	s6 =	simm.s32 $0x108;
	_ =	swait.ge @!p0 [sflag:s8], $0x0  }
0x24: {  	s3 =	sadd.s32 $0x88, s3;
	s6 =	simm.s32 @!p1 $0x1082;
	[sflag:s4] =	ssyncset.s32 $0xFFFFF086  }
0x25: {  	[simem:s6], [sflag:s4] =	dma.local [hbm:s3], $0xF7A  }
0x26: {  	[smem:$0x3F88] =	sst s1;
	(tag) =	ssettag s2;
	_ =	strace s9  }
0x27: {  	s1 =	sld [smem:$0x3F98]  }
0x28: {  	s2 =	sld [smem:$0x3F99]  }
0x29: {  	s4 =	sld [smem:$0x3F9B]  }
0x2a: {  	p0 =	seq.s32 s5, $0x0;
	s5 =	sld [smem:$0x3F9C]  }
0x2b: {  	s6 =	sld [smem:$0x3F9D]  }
0x2c: {  	s7 =	sld [smem:$0x3F9E]  }
0x2d: {  	s3 =	simm.s32 $0x108;
	s8 =	sld [smem:$0x3F9F]  }
0x2e: {  	s3 =	simm.s32 @!p0 $0x1082;
	s9 =	sld [smem:$0x3FA0]  }
0x2f: {  	lr =	sadd.s32 s0, s3;
	s0 =	sld [smem:$0x3F97]  }
0x30: {  	s3 =	sld [smem:$0x3F9A]  }
0x31: {  	[smem:$0x3FA3] =	sst s10  }
0x32: {  	s10 =	sld [smem:$0x3FA1];
	_ =	sdelay $0x3  }
0x33: {  	p0 =	seq.s32 s10, $0x1;
	s10 =	sld [smem:$0x3FA3];
	_ =	sdelay $0x3  }
0x34: {  	[smem:$0x3FA3] =	sst s10  }
0x35: {  	s10 =	sld [smem:$0x3FA2];
	_ =	sdelay $0x3  }
0x36: {  	p1 =	seq.s32 s10, $0x1;
	s10 =	sld [smem:$0x3FA3];
	_ =	sdelay $0x3  }
0x37: {  	[smem:$0x3FA3] =	sst s10  }
0x38: {  	s10 =	sld [smem:$0x3FA4]  }
0x39: {  	_ = 	snop;
	(pc) =	sbr.ind lr, $3  }
0x3a: {  	_ = 	snop  }
0x3b: {  	_ = 	snop  }
0x3c: {  	p2 =	seq.s32 s10, $0x1;
	s10 =	sld [smem:$0x3FA3]  }
0x3d: {  	_ =	shalt  }
0x3e: {  	_ =	shalt  }
0x3f: {  	_ =	shalt  }
0x40: {  	_ =	shalt  }
0x41: {  	_ =	shalt  }
0x42: {  	_ =	shalt  }
0x43: {  	_ =	shalt  }
0x44: {  	_ =	shalt  }
0x45: {  	_ =	shalt  }
0x46: {  	_ =	shalt  }
0x47: {  	_ =	shalt  }
0x48: {  	_ =	shalt  }
0x49: {  	_ =	shalt  }
0x4a: {  	_ =	shalt  }
0x4b: {  	_ =	shalt  }
0x4c: {  	_ =	shalt  }
0x4d: {  	_ =	shalt  }
0x4e: {  	_ =	shalt  }
0x4f: {  	_ =	shalt  }
0x50: {  	_ =	shalt  }
0x51: {  	_ =	shalt  }
0x52: {  	_ =	shalt  }
0x53: {  	_ =	shalt  }
0x54: {  	_ =	shalt  }
0x55: {  	_ =	shalt  }
0x56: {  	_ =	shalt  }
0x57: {  	_ =	shalt  }
0x58: {  	_ =	shalt  }
0x59: {  	_ =	shalt  }
0x5a: {  	_ =	shalt  }
0x5b: {  	_ =	shalt  }
0x5c: {  	_ =	shalt  }
0x5d: {  	_ =	shalt  }
0x5e: {  	_ =	shalt  }
0x5f: {  	_ =	shalt  }
0x60: {  	_ =	shalt  }
0x61: {  	_ =	shalt  }
0x62: {  	_ =	shalt  }
0x63: {  	_ =	shalt  }
0x64: {  	_ =	shalt  }
0x65: {  	_ =	shalt  }
0x66: {  	_ =	shalt  }
0x67: {  	_ =	shalt  }
0x68: {  	_ =	shalt  }
0x69: {  	_ =	shalt  }
0x6a: {  	_ =	shalt  }
0x6b: {  	_ =	shalt  }
0x6c: {  	_ =	shalt  }
0x6d: {  	_ =	shalt  }
0x6e: {  	_ =	shalt  }
0x6f: {  	_ =	shalt  }
0x70: {  	_ =	shalt  }
0x71: {  	_ =	shalt  }
0x72: {  	_ =	shalt  }
0x73: {  	_ =	shalt  }
0x74: {  	_ =	shalt  }
0x75: {  	_ =	shalt  }
0x76: {  	_ =	shalt  }
0x77: {  	_ =	shalt  }
0x78: {  	_ =	shalt  }
0x79: {  	_ =	shalt  }
0x7a: {  	_ =	shalt  }
0x7b: {  	_ =	shalt  }
0x7c: {  	_ =	shalt  }
0x7d: {  	_ =	shalt  }
0x7e: {  	_ =	shalt  }
0x7f: {  	_ =	shalt  }
0x80: {  	_ =	shalt  }
0x81: {  	_ =	shalt  }
0x82: {  	_ =	shalt  }
0x83: {  	_ =	shalt  }
0x84: {  	_ =	shalt  }
0x85: {  	_ =	shalt  }
0x86: {  	_ =	shalt  }
0x87: {  	_ =	shalt  }
.Lfunc_end0:
.L_simem_size_0:
called_computation.1_lowered:
.L_overlay_start_0:
0x88: {  	s2 =	sld [smem:$0x3FD9]  }
0x89: {  	s3 =	sld [smem:$0x3FFE];
	_ =	sdelay $0x1  }
0x8a: {  	s1 =	srdreg.scid  }
0x8b: {  	s0 =	sand.u32 $0x1, s1  }
0x8c: {  	s16 =	sshll.u32 s0, $0xA;
	s2 =	sadd.s32 s3, s2  }
0x8d: {  	s2 =	sadd.s32 s2, s16  }
0x8e: {  	[smem:$0x3FAF] =	sst s2  }
0x8f: {  	_ = 	snop  }
0x90: {  	(tm) =	ssettm $0x1  }
0x91: {  	s17 =	sld [smem:$0x3FFB];
	_ =	sdelay $0x3  }
0x92: {  	_ =	strace s17  }
0x93: {  	s2 =	sld [smem:$0x3FFC];
	_ =	sdelay $0x3  }
0x94: {  	_ =	strace s2  }
0x95: {  	s2 =	sld [smem:$0x3FFD];
	_ =	sdelay $0x3  }
0x96: {  	_ =	strace s2  }
0x97: {  	_ =	strace $0x8FFFFFFF  }
0x98: {  	s18 =	sld [smem:$0x3FDB];
	_ =	sdelay $0x1  }
0x99: {  	s19 =	simm.s32 $_scs_section_size  }
0x9a: {  	s4 =	simm.s32 $_size__tile_overlayer_lowered;
	s5 =	simm.s32 $_tile_overlayer_lowered  }
0x9b: {  	s22 =	simm.s32 $0x1BFF;
	s21 =	sshll.u32 s5, $0x1;
	s2 =	sadd.s32 s19, s18  }
0x9c: {  	s6 =	simm.s32 $0x0;
	s20 =	sshll.u32 s4, $0x1;
	s4 =	sadd.s32 s21, s2  }
0x9d: {  	[timem:s6], [sflag:s22] =	dma.local [hbm:s4], s20  }
0x9e: {  	_ =	swait.ge [sflag:s22], s20  }
0x9f: {  	s3 =	ssub.s32 $0x0, s20;
	[sflag:s22] =	ssyncset.done $0x0  }
0xa0: {  	[sflag:s22] =	ssyncadd.s32 s3;
	_ =	sdelay $0x1  }
0xa1: {  	s23 =	simm.s32 $0x1B8B  }
0xa2: {  	_ =	swait.ge [sflag:s23], $0x1  }
0xa3: {  	[sflag:s23] =	ssyncset.done $0x0  }
0xa4: {  	s25 =	simm.s32 $0x1B8E;
	s24 =	sld [smem:$0x3FFE];
	[sflag:s23] =	ssyncadd.s32 $0xFFFFFFFF  }
0xa5: {  	s26 =	simm.s32 $execute0_lowered;
	[smem:$0x3FD2] =	sst s25  }
0xa6: {  	s4 =	sshll.u32 s26, $0x1;
	_ =	strace $0x80000049;
	[dreg:$0x1] =	wrdreg $0xFFFFFFFF  }
0xa7: {  	s28 =	simm.s32 $_size_execute0_lowered;
	s2 =	sadd.s32 s2, s4;
	[dreg:$0x0] =	wrdreg $0x0  }
0xa8: {  	s4 =	sshll.u32 s28, $0x1;
	[dreg:$0x2] =	wrdreg s2  }
0xa9: {  	[dreg:$0x3] =	wrdreg s4  }
0xaa: {  	[dreg:$0x4] =	wrdreg $0xC0  }
0xab: {  	_ =	task [dreg:s6], $0x5FFFF  }
0xac: {  	[dreg:$0x1] =	wrdreg $0xFFFFFFFF  }
0xad: {  	[dreg:$0x0] =	wrdreg $0x60  }
0xae: {  	[dreg:$0x2] =	wrdreg s24  }
0xaf: {  	[dreg:$0x3] =	wrdreg $0x68000  }
0xb0: {  	[dreg:$0x4] =	wrdreg $0x9  }
0xb1: {  	_ =	task.clear_ibuf [dreg:s6], $0x5FFFF;
	_ =	strace $0x90000049  }
0xb2: {  	s29 =	simm.s32 $0x9;
	_ =	strace $0x8000004B  }
0xb3: {  	_ =	swait.ge [sflag:s29], $0x1  }
0xb4: {  	[sflag:s29] =	ssyncadd.s32 $0xFFFFFFFF  }
0xb5: {  	_ =	strace $0x9000004B  }
0xb6: {  	_ =	sfence  }
0xb7: {  	s30 =	sld [smem:$0x0];
	_ =	sdelay $0x2  }
0xb8: {  	s31 =	sshll.u32 s1, $0xD;
	s1 =	sshrl.u32 s1, $0x2  }
0xb9: {  	s3 =	sand.u32 $0x4000, s31;
	s1 =	sadd.s32 s1, s30  }
0xba: {  	s0 =	sor.u32 s3, s0;
	s1 =	sshll.u32 s1, $0x11  }
0xbb: {  	s0 =	sor.u32 s1, s0  }
0xbc: {  	s0 =	sadd.s32 $0x8F2B, s0  }
0xbd: {  	[sflag:s0] =	ssyncadd.remote.s32 $0x1  }
0xbe: {  	_ =	sfence.sel $0xFFFF  }
0xbf: {  	[dreg:$0x0] =	wrdreg $0xFFFFFFFF;
	(pc) =	sbr.abs _section_cstart, $3  }
0xc0: {  	[dreg:$0x1] =	wrdreg $0xFFFFFFFF  }
0xc1: {  	_ =	task.clear_ibuf [dreg:s6], $0x2FFFF;
	_ =	strace $0x9FFFFFFF  }
0xc2: {  	(tm) =	ssettm $0x7FFFFFFF  }
0xc3: {  	_ =	shalt  }
tec
execute0_lowered:
.L_overlay_start_1:
0x0: {  	(tag) =	ssettag $0x1  }
0x1: {  	s5 =	rddreg [dreg:$0x0];
	s0 =	srdreg.scid  }
0x2: {  	s2 =	rddreg [dreg:$0x1];
	s1 =	stileid.u32  }
0x3: {  	s3 =	simm.s32 $0x0;
	s18 =	simm.s32 $0x2;
	s19 =	simm.s32 $0x1400  }
0x4: {  	s20 =	simm.s32 $0x7D;
	s6 =	sand.u32 $0x1, s0;
	s0 =	rddreg [dreg:$0x2]  }
0x5: {  	s21 =	simm.s32 $0x1;
	s7 =	smul.u32 $0x14000, s1;
	[smem:$0x7FF] =	sst s3  }
0x6: {  	s15 =	sadd.s32 $0x61800, s5;
	s16 =	sadd.s32 $0x7800, s5;
	s8 =	smul.u32 $0x50000, s1  }
0x7: {  	s4 =	smul.u32 $0x140000, s6;
	_ =	strace $0x8000004A;
	s31 =	ssub.s32 $0x2, s6  }
0x8: {  	s6 =	sshll.u32 s6, $0x4;
	s9 =	sshrl.u32 s31, $0x1;
	s8 =	sshrl.u32 s8, $0x2  }
0x9: {  	s10 =	sor.u32 s1, s6;
	s4 =	sadd.s32 s7, s4;
	s9 =	ssub.s32 s31, s9  }
0xa: {  	s14 =	smul.u32 $0x500, s10;
	s7 =	sshrl.u32 s4, $0x3;
	s4 =	sadd.s32 $0x6B800, s5  }
0xb: {  	s7 =	sadd.s32 s7, s5;
	s5 =	sadd.s32 s8, s2;
	s8 =	smax.u32 s9, $0x1  }
0xc: {  	s17 =	sadd.s32 $0x280, s14;
	s13 =	sadd.s32 s15, s14;
	s14 =	sadd.s32 s16, s14  }
0xd: {  	s6 =	sadd.s32 $0x13880, s5;
	s7 =	sadd.s32 $0x92A00, s7;
	s9 =	sadd.s32 $0x3E80, s5  }
0xe: {  	s10 =	sadd.s32 $0x7D00, s5;
	s11 =	sadd.s32 $0xBB80, s5;
	s12 =	sadd.s32 $0xFA00, s5  }
0xf: {  	v0 =	vimm.f32 $0.0e+00;
	s15 =	sadd.s32 s15, s17;
	s16 =	sadd.s32 s16, s17;
	s17 =	simm.s32 $0x2800  }
.LBB2_1:
0x10: {  	s22 =	simm.s32 $0x70;
	s23 =	simm.s32 $0x3C0  }
.LBB2_2:
0x11: {  	p0 =	sne.s32 s23, $0xF9C0;
	[tilespmem:s22+$0x2800] =	vst v0  }
0x12: {  	[tilespmem:s22+$0x2790] =	vst v0  }
0x13: {  	[tilespmem:s22+$0x27A0] =	vst v0  }
.Ltmp0:
0x14: {  	[tilespmem:s22+$0x27B0] =	vst v0;
	(pc) =	sbr.rel @p0 .LBB2_2-.Ltmp0, $4  }
0x15: {  	[tilespmem:s22+$0x27C0] =	vst v0  }
0x16: {  	[tilespmem:s22+$0x27D0] =	vst v0  }
0x17: {  	[tilespmem:s22+$0x27E0] =	vst v0  }
0x18: {  	[tilespmem:s22+$0x27F0] =	vst v0;
	s22 =	sshra.s32 s23, $0x2;
	s23 =	sadd.s32 $0x200, s23  }
0x19: {  	[tilespmem:s22+$0x2800] =	vst v0  }
0x1a: {  	[tilespmem:s22+$0x2790] =	vst v0  }
0x1b: {  	[tilespmem:s22+$0x27A0] =	vst v0  }
0x1c: {  	[tilespmem:s22+$0x27B0] =	vst v0  }
0x1d: {  	[tilespmem:s22+$0x27C0] =	vst v0  }
0x1e: {  	[tilespmem:s22+$0x27D0] =	vst v0  }
0x1f: {  	[tilespmem:s22+$0x27E0] =	vst v0  }
0x20: {  	[tilespmem:s22+$0x27F0] =	vst v0  }
0x21: {  	[spmem:s5] =	stream.linear.scatter [tilespmem:s17], [sflag:$0x2], $0x3E80, $0x38;
	[tilespmem:$0x1A800] =	vst v63  }
0x22: {  	_ =	swait.ge [sflag:s18], $0x3E80  }
0x23: {  	[sflag:s18] =	ssyncset.done $0x0  }
0x24: {  	[sflag:s18] =	ssyncadd.s32 $0xFFFFC180  }
0x25: {  	[spmem:s9] =	stream.linear.scatter [tilespmem:s17], [sflag:$0x2], $0x3E80, $0x38;
	[tilespmem:$0x1A800] =	vst v63  }
0x26: {  	_ =	swait.ge [sflag:s18], $0x3E80  }
0x27: {  	[sflag:s18] =	ssyncset.done $0x0  }
0x28: {  	[sflag:s18] =	ssyncadd.s32 $0xFFFFC180  }
0x29: {  	[spmem:s10] =	stream.linear.scatter [tilespmem:s17], [sflag:$0x2], $0x3E80, $0x38;
	[tilespmem:$0x1A800] =	vst v63  }
0x2a: {  	_ =	swait.ge [sflag:s18], $0x3E80  }
0x2b: {  	[sflag:s18] =	ssyncset.done $0x0  }
0x2c: {  	[sflag:s18] =	ssyncadd.s32 $0xFFFFC180  }
0x2d: {  	[spmem:s11] =	stream.linear.scatter [tilespmem:s17], [sflag:$0x2], $0x3E80, $0x38;
	[tilespmem:$0x1A800] =	vst v63  }
0x2e: {  	_ =	swait.ge [sflag:s18], $0x3E80  }
0x2f: {  	[sflag:s18] =	ssyncset.done $0x0  }
0x30: {  	[sflag:s18] =	ssyncadd.s32 $0xFFFFC180  }
0x31: {  	[spmem:s12] =	stream.linear.scatter [tilespmem:s17], [sflag:$0x2], $0x3E80, $0x38;
	[tilespmem:$0x1A800] =	vst v63  }
0x32: {  	_ =	swait.ge [sflag:s18], $0x3E80  }
0x33: {  	[sflag:s18] =	ssyncset.done $0x0  }
0x34: {  	[sflag:s18] =	ssyncadd.s32 $0xFFFFC180  }
0x35: {  	[spmem:s6] =	stream.linear.scatter [tilespmem:s17], [sflag:$0x2], $0x780, $0x38;
	[tilespmem:$0x1A800] =	vst v63  }
0x36: {  	_ =	swait.ge [sflag:s18], $0x780  }
0x37: {  	[sflag:s18] =	ssyncset.done $0x0  }
0x38: {  	[sflag:s18] =	ssyncadd.s32 $0xFFFFF880  }
0x39: {  	s29 =	simm.s32 $0x0;
	[bflag:$0x0] =	sbarrier.arrive $0xFFFF  }
0x3a: {  	[tilespmem:s29], [sflag:$0x2] =	stream.linear.gather [hbm4b:s13+s29], $0x1400, $0x38;
	[tilespmem:$0x1A800] =	vst v63  }
0x3b: {  	_ =	swait.ge [sflag:s18], $0x1400  }
0x3c: {  	[sflag:s18] =	ssyncset.done $0x0  }
0x3d: {  	[sflag:s18] =	ssyncadd.s32 $0xFFFFEC00  }
0x3e: {  	[tilespmem:s19], [sflag:$0x2] =	stream.linear.gather [hbm4b:s14+s29], $0x1400, $0x38;
	[tilespmem:$0x1A800] =	vst v63  }
0x3f: {  	_ =	swait.ge [sflag:s18], $0x1400  }
0x40: {  	[sflag:s18] =	ssyncset.done $0x0  }
0x41: {  	s30 =	simm.s32 $0x0;
	[sflag:s18] =	ssyncadd.s32 $0xFFFFEC00  }
0x42: {  	[tilespmem:s17], [sflag:$0x1] =	stream.indirect.gather [hbm4b:s4+s20], $0x80, s30, s20, $0xb8;
	[tilespmem:$0x1A800] =	vst v63  }
0x43: {  	_ =	swait.ge [sflag:s21], $0x3E80  }
0x44: {  	[sflag:s21] =	ssyncset.done $0x0  }
0x45: {  	s31 =	simm.s32 $0x1400;
	[sflag:s21] =	ssyncadd.s32 $0xFFFFC180  }
0x46: {  	[spmem:s2] =	stream.indirect.scatter.add.f32 [tilespmem:s17], [sflag:$0x2], $0x80, s31, s20, $0xb8;
	[tilespmem:$0x1A800] =	vst v63  }
0x47: {  	_ =	swait.ge [sflag:s18], $0x3E80  }
0x48: {  	s22 =	simm.s32 $0x200;
	s23 =	simm.s32 $0x400;
	[sflag:s18] =	ssyncset.done $0x0  }
.LBB2_4:
0x49: {  	s24 =	sshra.s32 s22, $0x2  }
0x4a: {  	[sflag:s18] =	ssyncadd.s32 $0xFFFFC180;
	s22 =	smov.u32 s23;
	s25 =	sadd.s32 $0x200, s23  }
0x4b: {  	[tilespmem:s17], [sflag:$0x1] =	stream.indirect.gather [hbm4b:s4+s20], $0x80, s24, s20, $0xb8;
	[tilespmem:$0x1A800] =	vst v63  }
0x4c: {  	p0 =	sne.s32 s23, $0x4E00;
	_ =	swait.ge [sflag:s21], $0x3E80  }
.Ltmp1:
0x4d: {  	[sflag:s21] =	ssyncset.done $0x0;
	(pc) =	sbr.rel @p0 .LBB2_4-.Ltmp1, $4  }
0x4e: {  	s23 =	sadd.s32 $0x1400, s24;
	[sflag:s21] =	ssyncadd.s32 $0xFFFFC180  }
0x4f: {  	[spmem:s2] =	stream.indirect.scatter.add.f32 [tilespmem:s17], [sflag:$0x2], $0x80, s23, s20, $0xb8;
	[tilespmem:$0x1A800] =	vst v63  }
0x50: {  	_ =	swait.ge [sflag:s18], $0x3E80  }
0x51: {  	s23 =	smov.u32 s25;
	[sflag:s18] =	ssyncset.done $0x0  }
0x52: {  	s22 =	sshra.s32 s22, $0x2;
	[sflag:s18] =	ssyncadd.s32 $0xFFFFC180  }
0x53: {  	[tilespmem:s17], [sflag:$0x1] =	stream.indirect.gather [hbm4b:s4+s20], $0x80, s22, s20, $0xb8;
	[tilespmem:$0x1A800] =	vst v63  }
0x54: {  	_ =	swait.ge [sflag:s21], $0x3E80  }
0x55: {  	[sflag:s21] =	ssyncset.done $0x0  }
0x56: {  	s22 =	sadd.s32 $0x1400, s22;
	[sflag:s21] =	ssyncadd.s32 $0xFFFFC180  }
0x57: {  	[spmem:s2] =	stream.indirect.scatter.add.f32 [tilespmem:s17], [sflag:$0x2], $0x80, s22, s20, $0xb8;
	[tilespmem:$0x1A800] =	vst v63  }
0x58: {  	_ =	swait.ge [sflag:s18], $0x3E80  }
0x59: {  	[sflag:s18] =	ssyncset.done $0x0  }
0x5a: {  	s29 =	simm.s32 $0x0;
	[sflag:s18] =	ssyncadd.s32 $0xFFFFC180  }
0x5b: {  	[tilespmem:s29], [sflag:$0x2] =	stream.linear.gather [hbm4b:s15+s29], $0x1400, $0x38;
	[tilespmem:$0x1A800] =	vst v63  }
0x5c: {  	_ =	swait.ge [sflag:s18], $0x1400  }
0x5d: {  	[sflag:s18] =	ssyncset.done $0x0  }
0x5e: {  	[sflag:s18] =	ssyncadd.s32 $0xFFFFEC00  }
0x5f: {  	[tilespmem:s19], [sflag:$0x2] =	stream.linear.gather [hbm4b:s16+s29], $0x1400, $0x38;
	[tilespmem:$0x1A800] =	vst v63  }
0x60: {  	_ =	swait.ge [sflag:s18], $0x1400  }
0x61: {  	[sflag:s18] =	ssyncset.done $0x0  }
0x62: {  	s30 =	simm.s32 $0x0;
	[sflag:s18] =	ssyncadd.s32 $0xFFFFEC00  }
0x63: {  	[tilespmem:s17], [sflag:$0x1] =	stream.indirect.gather [hbm4b:s4+s20], $0x80, s30, s20, $0xb8;
	[tilespmem:$0x1A800] =	vst v63  }
0x64: {  	_ =	swait.ge [sflag:s21], $0x3E80  }
0x65: {  	[sflag:s21] =	ssyncset.done $0x0  }
0x66: {  	s31 =	simm.s32 $0x1400;
	[sflag:s21] =	ssyncadd.s32 $0xFFFFC180  }
0x67: {  	[spmem:s2] =	stream.indirect.scatter.add.f32 [tilespmem:s17], [sflag:$0x2], $0x80, s31, s20, $0xb8;
	[tilespmem:$0x1A800] =	vst v63  }
0x68: {  	_ =	swait.ge [sflag:s18], $0x3E80  }
0x69: {  	s23 =	simm.s32 $0x400;
	s22 =	simm.s32 $0x200;
	[sflag:s18] =	ssyncset.done $0x0  }
.LBB2_6:
0x6a: {  	s24 =	sshra.s32 s22, $0x2  }
0x6b: {  	[sflag:s18] =	ssyncadd.s32 $0xFFFFC180;
	s22 =	smov.u32 s23;
	s25 =	sadd.s32 $0x200, s23  }
0x6c: {  	[tilespmem:s17], [sflag:$0x1] =	stream.indirect.gather [hbm4b:s4+s20], $0x80, s24, s20, $0xb8;
	[tilespmem:$0x1A800] =	vst v63  }
0x6d: {  	p0 =	sne.s32 s23, $0x4E00;
	_ =	swait.ge [sflag:s21], $0x3E80  }
.Ltmp2:
0x6e: {  	[sflag:s21] =	ssyncset.done $0x0;
	(pc) =	sbr.rel @p0 .LBB2_6-.Ltmp2, $4  }
0x6f: {  	s23 =	sadd.s32 $0x1400, s24;
	[sflag:s21] =	ssyncadd.s32 $0xFFFFC180  }
0x70: {  	[spmem:s2] =	stream.indirect.scatter.add.f32 [tilespmem:s17], [sflag:$0x2], $0x80, s23, s20, $0xb8;
	[tilespmem:$0x1A800] =	vst v63  }
0x71: {  	_ =	swait.ge [sflag:s18], $0x3E80  }
0x72: {  	s23 =	smov.u32 s25;
	[sflag:s18] =	ssyncset.done $0x0  }
0x73: {  	s22 =	sshra.s32 s22, $0x2;
	[sflag:s18] =	ssyncadd.s32 $0xFFFFC180  }
0x74: {  	[tilespmem:s17], [sflag:$0x1] =	stream.indirect.gather [hbm4b:s4+s20], $0x80, s22, s20, $0xb8;
	[tilespmem:$0x1A800] =	vst v63  }
0x75: {  	_ =	swait.ge [sflag:s21], $0x3E80  }
0x76: {  	[sflag:s21] =	ssyncset.done $0x0  }
0x77: {  	s22 =	sadd.s32 $0x1400, s22;
	[sflag:s21] =	ssyncadd.s32 $0xFFFFC180  }
0x78: {  	[spmem:s2] =	stream.indirect.scatter.add.f32 [tilespmem:s17], [sflag:$0x2], $0x80, s22, s20, $0xb8;
	[tilespmem:$0x1A800] =	vst v63  }
0x79: {  	_ =	swait.ge [sflag:s18], $0x3E80  }
0x7a: {  	s31 =	sshll.u32 s1, $0x6;
	s3 =	sadd.s32 $0x1, s3;
	[sflag:s18] =	ssyncset.done $0x0  }
0x7b: {  	s23 =	sshrl.u32 s5, $0x3;
	p0 =	sne.s32 s3, s8;
	[sflag:s18] =	ssyncadd.s32 $0xFFFFC180  }
.Ltmp3:
0x7c: {  	s22 =	sor.u32 $0x1C02, s31;
	[bflag:$0x0] =	sbarrier.arrive $0xFFFF;
	(pc) =	sbr.rel @p0 .LBB2_1-.Ltmp3, $4  }
0x7d: {  	[hbm:s7], [sflag:s22] =	dma.local [spmem:s23], $0x2800  }
0x7e: {  	_ =	swait.ge [sflag:s18], $0x2800  }
0x7f: {  	[sflag:s18] =	ssyncset.done $0x0  }
0x80: {  	[sflag:s18] =	ssyncadd.s32 $0xFFFFD800  }
0x81: {  	_ =	sfence.sel $0x180000  }
0x82: {  	[bflag:$0x0] =	sbarrier.arrive $0xFFFF  }
0x83: {  	p0 =	sne.s32 s1, $0x0;
	_ =	strace $0x9000004A  }
0x84: {  	s0 =	sadd.s32 @!p0 $0x100000, s0;
	[bflag:$0x2] =	sbarrier.arrive $0xFFFF  }
0x85: {  	[sflag:s0] =	ssyncadd.tile.s32 @!p0 $0x1;
	_ =	shalt  }
.Lfunc_end2:
_tile_overlayer_lowered:
.L_overlay_start_2:
0x86: {  	(tag) =	ssettag $0x2  }
0x87: {  	s0 =	rddreg [dreg:$0x0];
	s2 =	stileid.u32  }
0x88: {  	s1 =	rddreg [dreg:$0x1];
	p0 =	sne.s32 s2, $0x0  }
0x89: {  	s3 =	rddreg [dreg:$0x2];
	[bflag:$0x3] =	sbarrier.arrive $0xFFFF;
	s2 =	simm.s32 @!p0 $0x1C02  }
0x8a: {  	[timem:s3], [sflag:s2] =	dma.local @!p0 [hbm:s0], s1  }
0x8b: {  	s0 =	simm.s32 @!p0 $0x2  }
0x8c: {  	_ =	swait.ge @!p0 [sflag:s0], s1  }
0x8d: {  	s1 =	ssub.s32 @!p0 $0x0, s1;
	[sflag:s0] =	ssyncset.done @!p0 $0x0  }
0x8e: {  	[sflag:s0] =	ssyncadd.s32 @!p0 s1  }
0x8f: {  	[bflag:$0x3] =	sbarrier.arrive $0xFFFF  }
0x90: {  	_ =	shalt  }

// kernel: kernel.20.cloned.1.call-start
scs
__scs_entry_jumppad:
0x0: {  	(pc) =	sbr.rel $0x88, $3  }
0x1: {  	(tag) =	ssettag $0x0;
	lr =	simm.s32 $0x1  }
0x2: {  	[smem:$0x3F88] =	sst lr;
	_ =	strace $0xD0000000  }
0x3: {  	_ = 	snop  }
0x4: {  	_ = 	snop  }
0x5: {  	_ = 	snop  }
0x6: {  	_ = 	snop  }
0x7: {  	_ = 	snop  }
__scs_overlays_trampoline_lowered:
0x8: {  	[smem:$0x3F97] =	sst s0  }
0x9: {  	[smem:$0x3F98] =	sst s1  }
0xa: {  	[smem:$0x3F99] =	sst s2  }
0xb: {  	[smem:$0x3F9A] =	sst s3  }
0xc: {  	[smem:$0x3F9B] =	sst s4  }
0xd: {  	[smem:$0x3F9C] =	sst s5  }
0xe: {  	[smem:$0x3F9D] =	sst s6  }
0xf: {  	[smem:$0x3F9E] =	sst s7  }
0x10: {  	[smem:$0x3F9F] =	sst s8  }
0x11: {  	[smem:$0x3FA0] =	sst s9;
	s0 =	simm.s32 @!p0 $0x0  }
0x12: {  	s1 =	sld [smem:$0x3F86];
	s0 =	simm.s32 @p0 $0x1  }
0x13: {  	[smem:$0x3FA1] =	sst s0;
	s0 =	simm.s32 @!p1 $0x0  }
0x14: {  	s2 =	sld [smem:$0x3F85];
	s0 =	simm.s32 @p1 $0x1  }
0x15: {  	[smem:$0x3FA2] =	sst s0;
	s0 =	simm.s32 @!p2 $0x0  }
0x16: {  	s3 =	sld [smem:$0x3FDB];
	s0 =	simm.s32 @p2 $0x1  }
0x17: {  	s4 =	simm.s32 $0x1BF5;
	[smem:$0x3FA4] =	sst s0  }
0x18: {  	s0 =	sld [smem:$0x3F87];
	_ =	swait.ge [sflag:s4], $0x0  }
0x19: {  	s7 =	sld [smem:$0x3F88]  }
0x1a: {  	s8 =	sadd.s32 $0xFFFFE003, lr  }
0x1b: {  	s9 =	sadd.s32 $0xFFFFFEF7, lr;
	s5 =	simm.s32 $0xFFFFFFFF;
	p2 =	slt.u32 s8, $0xFFFFF086  }
0x1c: {  	p1 =	slt.u32 s9, $0xF7A;
	s5 =	simm.s32 @!p2 $0x0  }
0x1d: {  	s5 =	simm.s32 @p1 $0x1;
	p0 =	seq.s32 s7, s2  }
0x1e: {  	s7 =	smul.u32 @!p0 $0xF7A, s2;
	p2 =	seq.s32 @!p0 s5, $0x0  }
0x1f: {  	s9 =	smul.u32 $0xF7A, s1;
	s8 =	simm.s32 @!p0 $0x1BF5;
	p2 =	por !p2, p0  }
0x20: {  	[sflag:s8] =	ssyncset.s32 @!p0 $0xFFFFF086;
	s6 =	sadd.s32 @!p0 s3, s7;
	s7 =	simm.s32 @!p0 $0x108  }
0x21: {  	s3 =	sadd.s32 s3, s9;
	s6 =	sadd.s32 @!p0 $0x88, s6;
	s7 =	simm.s32 @p2 $0x1082  }
0x22: {  	[simem:s7], [sflag:s8] =	dma.local @!p0 [hbm:s6], $0xF7A  }
0x23: {  	s9 =	sor.u32 $0xD0000000, s2;
	s6 =	simm.s32 $0x108;
	_ =	swait.ge @!p0 [sflag:s8], $0x0  }
0x24: {  	s3 =	sadd.s32 $0x88, s3;
	s6 =	simm.s32 @!p1 $0x1082;
	[sflag:s4] =	ssyncset.s32 $0xFFFFF086  }
0x25: {  	[simem:s6], [sflag:s4] =	dma.local [hbm:s3], $0xF7A  }
0x26: {  	[smem:$0x3F88] =	sst s1;
	(tag) =	ssettag s2;
	_ =	strace s9  }
0x27: {  	s1 =	sld [smem:$0x3F98]  }
0x28: {  	s2 =	sld [smem:$0x3F99]  }
0x29: {  	s4 =	sld [smem:$0x3F9B]  }
0x2a: {  	p0 =	seq.s32 s5, $0x0;
	s5 =	sld [smem:$0x3F9C]  }
0x2b: {  	s6 =	sld [smem:$0x3F9D]  }
0x2c: {  	s7 =	sld [smem:$0x3F9E]  }
0x2d: {  	s3 =	simm.s32 $0x108;
	s8 =	sld [smem:$0x3F9F]  }
0x2e: {  	s3 =	simm.s32 @!p0 $0x1082;
	s9 =	sld [smem:$0x3FA0]  }
0x2f: {  	lr =	sadd.s32 s0, s3;
	s0 =	sld [smem:$0x3F97]  }
0x30: {  	s3 =	sld [smem:$0x3F9A]  }
0x31: {  	[smem:$0x3FA3] =	sst s10  }
0x32: {  	s10 =	sld [smem:$0x3FA1];
	_ =	sdelay $0x3  }
0x33: {  	p0 =	seq.s32 s10, $0x1;
	s10 =	sld [smem:$0x3FA3];
	_ =	sdelay $0x3  }
0x34: {  	[smem:$0x3FA3] =	sst s10  }
0x35: {  	s10 =	sld [smem:$0x3FA2];
	_ =	sdelay $0x3  }
0x36: {  	p1 =	seq.s32 s10, $0x1;
	s10 =	sld [smem:$0x3FA3];
	_ =	sdelay $0x3  }
0x37: {  	[smem:$0x3FA3] =	sst s10  }
0x38: {  	s10 =	sld [smem:$0x3FA4]  }
0x39: {  	_ = 	snop;
	(pc) =	sbr.ind lr, $3  }
0x3a: {  	_ = 	snop  }
0x3b: {  	_ = 	snop  }
0x3c: {  	p2 =	seq.s32 s10, $0x1;
	s10 =	sld [smem:$0x3FA3]  }
0x3d: {  	_ =	shalt  }
0x3e: {  	_ =	shalt  }
0x3f: {  	_ =	shalt  }
0x40: {  	_ =	shalt  }
0x41: {  	_ =	shalt  }
0x42: {  	_ =	shalt  }
0x43: {  	_ =	shalt  }
0x44: {  	_ =	shalt  }
0x45: {  	_ =	shalt  }
0x46: {  	_ =	shalt  }
0x47: {  	_ =	shalt  }
0x48: {  	_ =	shalt  }
0x49: {  	_ =	shalt  }
0x4a: {  	_ =	shalt  }
0x4b: {  	_ =	shalt  }
0x4c: {  	_ =	shalt  }
0x4d: {  	_ =	shalt  }
0x4e: {  	_ =	shalt  }
0x4f: {  	_ =	shalt  }
0x50: {  	_ =	shalt  }
0x51: {  	_ =	shalt  }
0x52: {  	_ =	shalt  }
0x53: {  	_ =	shalt  }
0x54: {  	_ =	shalt  }
0x55: {  	_ =	shalt  }
0x56: {  	_ =	shalt  }
0x57: {  	_ =	shalt  }
0x58: {  	_ =	shalt  }
0x59: {  	_ =	shalt  }
0x5a: {  	_ =	shalt  }
0x5b: {  	_ =	shalt  }
0x5c: {  	_ =	shalt  }
0x5d: {  	_ =	shalt  }
0x5e: {  	_ =	shalt  }
0x5f: {  	_ =	shalt  }
0x60: {  	_ =	shalt  }
0x61: {  	_ =	shalt  }
0x62: {  	_ =	shalt  }
0x63: {  	_ =	shalt  }
0x64: {  	_ =	shalt  }
0x65: {  	_ =	shalt  }
0x66: {  	_ =	shalt  }
0x67: {  	_ =	shalt  }
0x68: {  	_ =	shalt  }
0x69: {  	_ =	shalt  }
0x6a: {  	_ =	shalt  }
0x6b: {  	_ =	shalt  }
0x6c: {  	_ =	shalt  }
0x6d: {  	_ =	shalt  }
0x6e: {  	_ =	shalt  }
0x6f: {  	_ =	shalt  }
0x70: {  	_ =	shalt  }
0x71: {  	_ =	shalt  }
0x72: {  	_ =	shalt  }
0x73: {  	_ =	shalt  }
0x74: {  	_ =	shalt  }
0x75: {  	_ =	shalt  }
0x76: {  	_ =	shalt  }
0x77: {  	_ =	shalt  }
0x78: {  	_ =	shalt  }
0x79: {  	_ =	shalt  }
0x7a: {  	_ =	shalt  }
0x7b: {  	_ =	shalt  }
0x7c: {  	_ =	shalt  }
0x7d: {  	_ =	shalt  }
0x7e: {  	_ =	shalt  }
0x7f: {  	_ =	shalt  }
0x80: {  	_ =	shalt  }
0x81: {  	_ =	shalt  }
0x82: {  	_ =	shalt  }
0x83: {  	_ =	shalt  }
0x84: {  	_ =	shalt  }
0x85: {  	_ =	shalt  }
0x86: {  	_ =	shalt  }
0x87: {  	_ =	shalt  }
.Lfunc_end0:
.L_simem_size_0:
called_computation.2_lowered:
.L_overlay_start_0:
0x88: {  	s2 =	sld [smem:$0x3FD9]  }
0x89: {  	s3 =	sld [smem:$0x3FFE];
	_ =	sdelay $0x1  }
0x8a: {  	s1 =	srdreg.scid  }
0x8b: {  	s0 =	sand.u32 $0x1, s1  }
0x8c: {  	s16 =	sshll.u32 s0, $0xA;
	s2 =	sadd.s32 s3, s2  }
0x8d: {  	s2 =	sadd.s32 s2, s16  }
0x8e: {  	[smem:$0x3FAF] =	sst s2  }
0x8f: {  	_ = 	snop  }
0x90: {  	(tm) =	ssettm $0x1  }
0x91: {  	s17 =	sld [smem:$0x3FFB];
	_ =	sdelay $0x3  }
0x92: {  	_ =	strace s17  }
0x93: {  	s2 =	sld [smem:$0x3FFC];
	_ =	sdelay $0x3  }
0x94: {  	_ =	strace s2  }
0x95: {  	s2 =	sld [smem:$0x3FFD];
	_ =	sdelay $0x3  }
0x96: {  	_ =	strace s2  }
0x97: {  	_ =	strace $0x8FFFFFFF  }
0x98: {  	s18 =	sld [smem:$0x3FDB];
	_ =	sdelay $0x1  }
0x99: {  	s19 =	simm.s32 $_scs_section_size  }
0x9a: {  	s4 =	simm.s32 $_size__tile_overlayer_lowered;
	s5 =	simm.s32 $_tile_overlayer_lowered  }
0x9b: {  	s22 =	simm.s32 $0x1BFF;
	s21 =	sshll.u32 s5, $0x1;
	s2 =	sadd.s32 s19, s18  }
0x9c: {  	s6 =	simm.s32 $0x0;
	s20 =	sshll.u32 s4, $0x1;
	s4 =	sadd.s32 s21, s2  }
0x9d: {  	[timem:s6], [sflag:s22] =	dma.local [hbm:s4], s20  }
0x9e: {  	_ =	swait.ge [sflag:s22], s20  }
0x9f: {  	s3 =	ssub.s32 $0x0, s20;
	[sflag:s22] =	ssyncset.done $0x0  }
0xa0: {  	[sflag:s22] =	ssyncadd.s32 s3;
	_ =	sdelay $0x1  }
0xa1: {  	s23 =	simm.s32 $0x1B8B  }
0xa2: {  	_ =	swait.ge [sflag:s23], $0x1  }
0xa3: {  	[sflag:s23] =	ssyncset.done $0x0  }
0xa4: {  	s25 =	simm.s32 $0x1B8E;
	s24 =	sld [smem:$0x3FFE];
	[sflag:s23] =	ssyncadd.s32 $0xFFFFFFFF  }
0xa5: {  	s26 =	simm.s32 $execute0_lowered;
	[smem:$0x3FD2] =	sst s25  }
0xa6: {  	s4 =	sshll.u32 s26, $0x1;
	_ =	strace $0x8000004C;
	[dreg:$0x1] =	wrdreg $0xFFFFFFFF  }
0xa7: {  	s28 =	simm.s32 $_size_execute0_lowered;
	s2 =	sadd.s32 s2, s4;
	[dreg:$0x0] =	wrdreg $0x0  }
0xa8: {  	s4 =	sshll.u32 s28, $0x1;
	[dreg:$0x2] =	wrdreg s2  }
0xa9: {  	[dreg:$0x3] =	wrdreg s4  }
0xaa: {  	[dreg:$0x4] =	wrdreg $0xC0  }
0xab: {  	_ =	task [dreg:s6], $0x5FFFF  }
0xac: {  	[dreg:$0x1] =	wrdreg $0xFFFFFFFF  }
0xad: {  	[dreg:$0x0] =	wrdreg $0x60  }
0xae: {  	[dreg:$0x2] =	wrdreg s24  }
0xaf: {  	[dreg:$0x3] =	wrdreg $0x68000  }
0xb0: {  	[dreg:$0x4] =	wrdreg $0x9  }
0xb1: {  	_ =	task.clear_ibuf [dreg:s6], $0x5FFFF;
	_ =	strace $0x9000004C  }
0xb2: {  	s29 =	simm.s32 $0x9;
	_ =	strace $0x8000004E  }
0xb3: {  	_ =	swait.ge [sflag:s29], $0x1  }
0xb4: {  	[sflag:s29] =	ssyncadd.s32 $0xFFFFFFFF  }
0xb5: {  	_ =	strace $0x9000004E  }
0xb6: {  	_ =	sfence  }
0xb7: {  	s30 =	sld [smem:$0x0];
	_ =	sdelay $0x2  }
0xb8: {  	s31 =	sshll.u32 s1, $0xD;
	s1 =	sshrl.u32 s1, $0x2  }
0xb9: {  	s3 =	sand.u32 $0x4000, s31;
	s1 =	sadd.s32 s1, s30  }
0xba: {  	s0 =	sor.u32 s3, s0;
	s1 =	sshll.u32 s1, $0x11  }
0xbb: {  	s0 =	sor.u32 s1, s0  }
0xbc: {  	s0 =	sadd.s32 $0x8F2B, s0  }
0xbd: {  	[sflag:s0] =	ssyncadd.remote.s32 $0x1  }
0xbe: {  	_ =	sfence.sel $0xFFFF  }
0xbf: {  	[dreg:$0x0] =	wrdreg $0xFFFFFFFF;
	(pc) =	sbr.abs _section_cstart, $3  }
0xc0: {  	[dreg:$0x1] =	wrdreg $0xFFFFFFFF  }
0xc1: {  	_ =	task.clear_ibuf [dreg:s6], $0x2FFFF;
	_ =	strace $0x9FFFFFFF  }
0xc2: {  	(tm) =	ssettm $0x7FFFFFFF  }
0xc3: {  	_ =	shalt  }
tec
execute0_lowered:
.L_overlay_start_1:
0x0: {  	(tag) =	ssettag $0x1  }
0x1: {  	s5 =	rddreg [dreg:$0x0];
	s0 =	srdreg.scid  }
0x2: {  	s2 =	rddreg [dreg:$0x1];
	s1 =	stileid.u32  }
0x3: {  	s3 =	simm.s32 $0x0;
	s18 =	simm.s32 $0x2;
	s19 =	simm.s32 $0x1400  }
0x4: {  	s20 =	simm.s32 $0x7D;
	s6 =	sand.u32 $0x1, s0;
	s0 =	rddreg [dreg:$0x2]  }
0x5: {  	s21 =	simm.s32 $0x1;
	s7 =	smul.u32 $0x14000, s1;
	[smem:$0x7FF] =	sst s3  }
0x6: {  	s15 =	sadd.s32 $0x61800, s5;
	s16 =	sadd.s32 $0x7800, s5;
	s8 =	smul.u32 $0x50000, s1  }
0x7: {  	s4 =	smul.u32 $0x140000, s6;
	_ =	strace $0x8000004D;
	s31 =	ssub.s32 $0x2, s6  }
0x8: {  	s6 =	sshll.u32 s6, $0x4;
	s9 =	sshrl.u32 s31, $0x1;
	s8 =	sshrl.u32 s8, $0x2  }
0x9: {  	s10 =	sor.u32 s1, s6;
	s4 =	sadd.s32 s7, s4;
	s9 =	ssub.s32 s31, s9  }
0xa: {  	s14 =	smul.u32 $0x500, s10;
	s7 =	sshrl.u32 s4, $0x3;
	s4 =	sadd.s32 $0x6B800, s5  }
0xb: {  	s7 =	sadd.s32 s7, s5;
	s5 =	sadd.s32 s8, s2;
	s8 =	smax.u32 s9, $0x1  }
0xc: {  	s17 =	sadd.s32 $0x280, s14;
	s13 =	sadd.s32 s15, s14;
	s14 =	sadd.s32 s16, s14  }
0xd: {  	s6 =	sadd.s32 $0x13880, s5;
	s7 =	sadd.s32 $0x92A00, s7;
	s9 =	sadd.s32 $0x3E80, s5  }
0xe: {  	s10 =	sadd.s32 $0x7D00, s5;
	s11 =	sadd.s32 $0xBB80, s5;
	s12 =	sadd.s32 $0xFA00, s5  }
0xf: {  	v0 =	vimm.f32 $0.0e+00;
	s15 =	sadd.s32 s15, s17;
	s16 =	sadd.s32 s16, s17;
	s17 =	simm.s32 $0x2800  }
.LBB2_1:
0x10: {  	s22 =	simm.s32 $0x70;
	s23 =	simm.s32 $0x3C0  }
.LBB2_2:
0x11: {  	p0 =	sne.s32 s23, $0xF9C0;
	[tilespmem:s22+$0x2800] =	vst v0  }
0x12: {  	[tilespmem:s22+$0x2790] =	vst v0  }
0x13: {  	[tilespmem:s22+$0x27A0] =	vst v0  }
.Ltmp0:
0x14: {  	[tilespmem:s22+$0x27B0] =	vst v0;
	(pc) =	sbr.rel @p0 .LBB2_2-.Ltmp0, $4  }
0x15: {  	[tilespmem:s22+$0x27C0] =	vst v0  }
0x16: {  	[tilespmem:s22+$0x27D0] =	vst v0  }
0x17: {  	[tilespmem:s22+$0x27E0] =	vst v0  }
0x18: {  	[tilespmem:s22+$0x27F0] =	vst v0;
	s22 =	sshra.s32 s23, $0x2;
	s23 =	sadd.s32 $0x200, s23  }
0x19: {  	[tilespmem:s22+$0x2800] =	vst v0  }
0x1a: {  	[tilespmem:s22+$0x2790] =	vst v0  }
0x1b: {  	[tilespmem:s22+$0x27A0] =	vst v0  }
0x1c: {  	[tilespmem:s22+$0x27B0] =	vst v0  }
0x1d: {  	[tilespmem:s22+$0x27C0] =	vst v0  }
0x1e: {  	[tilespmem:s22+$0x27D0] =	vst v0  }
0x1f: {  	[tilespmem:s22+$0x27E0] =	vst v0  }
0x20: {  	[tilespmem:s22+$0x27F0] =	vst v0  }
0x21: {  	[spmem:s5] =	stream.linear.scatter [tilespmem:s17], [sflag:$0x2], $0x3E80, $0x38;
	[tilespmem:$0x1A800] =	vst v63  }
0x22: {  	_ =	swait.ge [sflag:s18], $0x3E80  }
0x23: {  	[sflag:s18] =	ssyncset.done $0x0  }
0x24: {  	[sflag:s18] =	ssyncadd.s32 $0xFFFFC180  }
0x25: {  	[spmem:s9] =	stream.linear.scatter [tilespmem:s17], [sflag:$0x2], $0x3E80, $0x38;
	[tilespmem:$0x1A800] =	vst v63  }
0x26: {  	_ =	swait.ge [sflag:s18], $0x3E80  }
0x27: {  	[sflag:s18] =	ssyncset.done $0x0  }
0x28: {  	[sflag:s18] =	ssyncadd.s32 $0xFFFFC180  }
0x29: {  	[spmem:s10] =	stream.linear.scatter [tilespmem:s17], [sflag:$0x2], $0x3E80, $0x38;
	[tilespmem:$0x1A800] =	vst v63  }
0x2a: {  	_ =	swait.ge [sflag:s18], $0x3E80  }
0x2b: {  	[sflag:s18] =	ssyncset.done $0x0  }
0x2c: {  	[sflag:s18] =	ssyncadd.s32 $0xFFFFC180  }
0x2d: {  	[spmem:s11] =	stream.linear.scatter [tilespmem:s17], [sflag:$0x2], $0x3E80, $0x38;
	[tilespmem:$0x1A800] =	vst v63  }
0x2e: {  	_ =	swait.ge [sflag:s18], $0x3E80  }
0x2f: {  	[sflag:s18] =	ssyncset.done $0x0  }
0x30: {  	[sflag:s18] =	ssyncadd.s32 $0xFFFFC180  }
0x31: {  	[spmem:s12] =	stream.linear.scatter [tilespmem:s17], [sflag:$0x2], $0x3E80, $0x38;
	[tilespmem:$0x1A800] =	vst v63  }
0x32: {  	_ =	swait.ge [sflag:s18], $0x3E80  }
0x33: {  	[sflag:s18] =	ssyncset.done $0x0  }
0x34: {  	[sflag:s18] =	ssyncadd.s32 $0xFFFFC180  }
0x35: {  	[spmem:s6] =	stream.linear.scatter [tilespmem:s17], [sflag:$0x2], $0x780, $0x38;
	[tilespmem:$0x1A800] =	vst v63  }
0x36: {  	_ =	swait.ge [sflag:s18], $0x780  }
0x37: {  	[sflag:s18] =	ssyncset.done $0x0  }
0x38: {  	[sflag:s18] =	ssyncadd.s32 $0xFFFFF880  }
0x39: {  	s29 =	simm.s32 $0x0;
	[bflag:$0x0] =	sbarrier.arrive $0xFFFF  }
0x3a: {  	[tilespmem:s29], [sflag:$0x2] =	stream.linear.gather [hbm4b:s13+s29], $0x1400, $0x38;
	[tilespmem:$0x1A800] =	vst v63  }
0x3b: {  	_ =	swait.ge [sflag:s18], $0x1400  }
0x3c: {  	[sflag:s18] =	ssyncset.done $0x0  }
0x3d: {  	[sflag:s18] =	ssyncadd.s32 $0xFFFFEC00  }
0x3e: {  	[tilespmem:s19], [sflag:$0x2] =	stream.linear.gather [hbm4b:s14+s29], $0x1400, $0x38;
	[tilespmem:$0x1A800] =	vst v63  }
0x3f: {  	_ =	swait.ge [sflag:s18], $0x1400  }
0x40: {  	[sflag:s18] =	ssyncset.done $0x0  }
0x41: {  	s30 =	simm.s32 $0x0;
	[sflag:s18] =	ssyncadd.s32 $0xFFFFEC00  }
0x42: {  	[tilespmem:s17], [sflag:$0x1] =	stream.indirect.gather [hbm4b:s4+s20], $0x80, s30, s20, $0xb8;
	[tilespmem:$0x1A800] =	vst v63  }
0x43: {  	_ =	swait.ge [sflag:s21], $0x3E80  }
0x44: {  	[sflag:s21] =	ssyncset.done $0x0  }
0x45: {  	s31 =	simm.s32 $0x1400;
	[sflag:s21] =	ssyncadd.s32 $0xFFFFC180  }
0x46: {  	[spmem:s2] =	stream.indirect.scatter.add.f32 [tilespmem:s17], [sflag:$0x2], $0x80, s31, s20, $0xb8;
	[tilespmem:$0x1A800] =	vst v63  }
0x47: {  	_ =	swait.ge [sflag:s18], $0x3E80  }
0x48: {  	s22 =	simm.s32 $0x200;
	s23 =	simm.s32 $0x400;
	[sflag:s18] =	ssyncset.done $0x0  }
.LBB2_4:
0x49: {  	s24 =	sshra.s32 s22, $0x2  }
0x4a: {  	[sflag:s18] =	ssyncadd.s32 $0xFFFFC180;
	s22 =	smov.u32 s23;
	s25 =	sadd.s32 $0x200, s23  }
0x4b: {  	[tilespmem:s17], [sflag:$0x1] =	stream.indirect.gather [hbm4b:s4+s20], $0x80, s24, s20, $0xb8;
	[tilespmem:$0x1A800] =	vst v63  }
0x4c: {  	p0 =	sne.s32 s23, $0x4E00;
	_ =	swait.ge [sflag:s21], $0x3E80  }
.Ltmp1:
0x4d: {  	[sflag:s21] =	ssyncset.done $0x0;
	(pc) =	sbr.rel @p0 .LBB2_4-.Ltmp1, $4  }
0x4e: {  	s23 =	sadd.s32 $0x1400, s24;
	[sflag:s21] =	ssyncadd.s32 $0xFFFFC180  }
0x4f: {  	[spmem:s2] =	stream.indirect.scatter.add.f32 [tilespmem:s17], [sflag:$0x2], $0x80, s23, s20, $0xb8;
	[tilespmem:$0x1A800] =	vst v63  }
0x50: {  	_ =	swait.ge [sflag:s18], $0x3E80  }
0x51: {  	s23 =	smov.u32 s25;
	[sflag:s18] =	ssyncset.done $0x0  }
0x52: {  	s22 =	sshra.s32 s22, $0x2;
	[sflag:s18] =	ssyncadd.s32 $0xFFFFC180  }
0x53: {  	[tilespmem:s17], [sflag:$0x1] =	stream.indirect.gather [hbm4b:s4+s20], $0x80, s22, s20, $0xb8;
	[tilespmem:$0x1A800] =	vst v63  }
0x54: {  	_ =	swait.ge [sflag:s21], $0x3E80  }
0x55: {  	[sflag:s21] =	ssyncset.done $0x0  }
0x56: {  	s22 =	sadd.s32 $0x1400, s22;
	[sflag:s21] =	ssyncadd.s32 $0xFFFFC180  }
0x57: {  	[spmem:s2] =	stream.indirect.scatter.add.f32 [tilespmem:s17], [sflag:$0x2], $0x80, s22, s20, $0xb8;
	[tilespmem:$0x1A800] =	vst v63  }
0x58: {  	_ =	swait.ge [sflag:s18], $0x3E80  }
0x59: {  	[sflag:s18] =	ssyncset.done $0x0  }
0x5a: {  	s29 =	simm.s32 $0x0;
	[sflag:s18] =	ssyncadd.s32 $0xFFFFC180  }
0x5b: {  	[tilespmem:s29], [sflag:$0x2] =	stream.linear.gather [hbm4b:s15+s29], $0x1400, $0x38;
	[tilespmem:$0x1A800] =	vst v63  }
0x5c: {  	_ =	swait.ge [sflag:s18], $0x1400  }
0x5d: {  	[sflag:s18] =	ssyncset.done $0x0  }
0x5e: {  	[sflag:s18] =	ssyncadd.s32 $0xFFFFEC00  }
0x5f: {  	[tilespmem:s19], [sflag:$0x2] =	stream.linear.gather [hbm4b:s16+s29], $0x1400, $0x38;
	[tilespmem:$0x1A800] =	vst v63  }
0x60: {  	_ =	swait.ge [sflag:s18], $0x1400  }
0x61: {  	[sflag:s18] =	ssyncset.done $0x0  }
0x62: {  	s30 =	simm.s32 $0x0;
	[sflag:s18] =	ssyncadd.s32 $0xFFFFEC00  }
0x63: {  	[tilespmem:s17], [sflag:$0x1] =	stream.indirect.gather [hbm4b:s4+s20], $0x80, s30, s20, $0xb8;
	[tilespmem:$0x1A800] =	vst v63  }
0x64: {  	_ =	swait.ge [sflag:s21], $0x3E80  }
0x65: {  	[sflag:s21] =	ssyncset.done $0x0  }
0x66: {  	s31 =	simm.s32 $0x1400;
	[sflag:s21] =	ssyncadd.s32 $0xFFFFC180  }
0x67: {  	[spmem:s2] =	stream.indirect.scatter.add.f32 [tilespmem:s17], [sflag:$0x2], $0x80, s31, s20, $0xb8;
	[tilespmem:$0x1A800] =	vst v63  }
0x68: {  	_ =	swait.ge [sflag:s18], $0x3E80  }
0x69: {  	s23 =	simm.s32 $0x400;
	s22 =	simm.s32 $0x200;
	[sflag:s18] =	ssyncset.done $0x0  }
.LBB2_6:
0x6a: {  	s24 =	sshra.s32 s22, $0x2  }
0x6b: {  	[sflag:s18] =	ssyncadd.s32 $0xFFFFC180;
	s22 =	smov.u32 s23;
	s25 =	sadd.s32 $0x200, s23  }
0x6c: {  	[tilespmem:s17], [sflag:$0x1] =	stream.indirect.gather [hbm4b:s4+s20], $0x80, s24, s20, $0xb8;
	[tilespmem:$0x1A800] =	vst v63  }
0x6d: {  	p0 =	sne.s32 s23, $0x4E00;
	_ =	swait.ge [sflag:s21], $0x3E80  }
.Ltmp2:
0x6e: {  	[sflag:s21] =	ssyncset.done $0x0;
	(pc) =	sbr.rel @p0 .LBB2_6-.Ltmp2, $4  }
0x6f: {  	s23 =	sadd.s32 $0x1400, s24;
	[sflag:s21] =	ssyncadd.s32 $0xFFFFC180  }
0x70: {  	[spmem:s2] =	stream.indirect.scatter.add.f32 [tilespmem:s17], [sflag:$0x2], $0x80, s23, s20, $0xb8;
	[tilespmem:$0x1A800] =	vst v63  }
0x71: {  	_ =	swait.ge [sflag:s18], $0x3E80  }
0x72: {  	s23 =	smov.u32 s25;
	[sflag:s18] =	ssyncset.done $0x0  }
0x73: {  	s22 =	sshra.s32 s22, $0x2;
	[sflag:s18] =	ssyncadd.s32 $0xFFFFC180  }
0x74: {  	[tilespmem:s17], [sflag:$0x1] =	stream.indirect.gather [hbm4b:s4+s20], $0x80, s22, s20, $0xb8;
	[tilespmem:$0x1A800] =	vst v63  }
0x75: {  	_ =	swait.ge [sflag:s21], $0x3E80  }
0x76: {  	[sflag:s21] =	ssyncset.done $0x0  }
0x77: {  	s22 =	sadd.s32 $0x1400, s22;
	[sflag:s21] =	ssyncadd.s32 $0xFFFFC180  }
0x78: {  	[spmem:s2] =	stream.indirect.scatter.add.f32 [tilespmem:s17], [sflag:$0x2], $0x80, s22, s20, $0xb8;
	[tilespmem:$0x1A800] =	vst v63  }
0x79: {  	_ =	swait.ge [sflag:s18], $0x3E80  }
0x7a: {  	s31 =	sshll.u32 s1, $0x6;
	s3 =	sadd.s32 $0x1, s3;
	[sflag:s18] =	ssyncset.done $0x0  }
0x7b: {  	s23 =	sshrl.u32 s5, $0x3;
	p0 =	sne.s32 s3, s8;
	[sflag:s18] =	ssyncadd.s32 $0xFFFFC180  }
.Ltmp3:
0x7c: {  	s22 =	sor.u32 $0x1C02, s31;
	[bflag:$0x0] =	sbarrier.arrive $0xFFFF;
	(pc) =	sbr.rel @p0 .LBB2_1-.Ltmp3, $4  }
0x7d: {  	[hbm:s7], [sflag:s22] =	dma.local [spmem:s23], $0x2800  }
0x7e: {  	_ =	swait.ge [sflag:s18], $0x2800  }
0x7f: {  	[sflag:s18] =	ssyncset.done $0x0  }
0x80: {  	[sflag:s18] =	ssyncadd.s32 $0xFFFFD800  }
0x81: {  	_ =	sfence.sel $0x180000  }
0x82: {  	[bflag:$0x0] =	sbarrier.arrive $0xFFFF  }
0x83: {  	p0 =	sne.s32 s1, $0x0;
	_ =	strace $0x9000004D  }
0x84: {  	s0 =	sadd.s32 @!p0 $0x100000, s0;
	[bflag:$0x2] =	sbarrier.arrive $0xFFFF  }
0x85: {  	[sflag:s0] =	ssyncadd.tile.s32 @!p0 $0x1;
	_ =	shalt  }
.Lfunc_end2:
_tile_overlayer_lowered:
.L_overlay_start_2:
0x86: {  	(tag) =	ssettag $0x2  }
0x87: {  	s0 =	rddreg [dreg:$0x0];
	s2 =	stileid.u32  }
0x88: {  	s1 =	rddreg [dreg:$0x1];
	p0 =	sne.s32 s2, $0x0  }
0x89: {  	s3 =	rddreg [dreg:$0x2];
	[bflag:$0x3] =	sbarrier.arrive $0xFFFF;
	s2 =	simm.s32 @!p0 $0x1C02  }
0x8a: {  	[timem:s3], [sflag:s2] =	dma.local @!p0 [hbm:s0], s1  }
0x8b: {  	s0 =	simm.s32 @!p0 $0x2  }
0x8c: {  	_ =	swait.ge @!p0 [sflag:s0], s1  }
0x8d: {  	s1 =	ssub.s32 @!p0 $0x0, s1;
	[sflag:s0] =	ssyncset.done @!p0 $0x0  }
0x8e: {  	[sflag:s0] =	ssyncadd.s32 @!p0 s1  }
0x8f: {  	[bflag:$0x3] =	sbarrier.arrive $0xFFFF  }
0x90: {  	_ =	shalt  }

// kernel: kernel.23.cloned.1.call-start
scs
__scs_entry_jumppad:
0x0: {  	(pc) =	sbr.rel $0x88, $3  }
0x1: {  	(tag) =	ssettag $0x0;
	lr =	simm.s32 $0x1  }
0x2: {  	[smem:$0x3F88] =	sst lr;
	_ =	strace $0xD0000000  }
0x3: {  	_ = 	snop  }
0x4: {  	_ = 	snop  }
0x5: {  	_ = 	snop  }
0x6: {  	_ = 	snop  }
0x7: {  	_ = 	snop  }
__scs_overlays_trampoline_lowered:
0x8: {  	[smem:$0x3F97] =	sst s0  }
0x9: {  	[smem:$0x3F98] =	sst s1  }
0xa: {  	[smem:$0x3F99] =	sst s2  }
0xb: {  	[smem:$0x3F9A] =	sst s3  }
0xc: {  	[smem:$0x3F9B] =	sst s4  }
0xd: {  	[smem:$0x3F9C] =	sst s5  }
0xe: {  	[smem:$0x3F9D] =	sst s6  }
0xf: {  	[smem:$0x3F9E] =	sst s7  }
0x10: {  	[smem:$0x3F9F] =	sst s8  }
0x11: {  	[smem:$0x3FA0] =	sst s9;
	s0 =	simm.s32 @!p0 $0x0  }
0x12: {  	s1 =	sld [smem:$0x3F86];
	s0 =	simm.s32 @p0 $0x1  }
0x13: {  	[smem:$0x3FA1] =	sst s0;
	s0 =	simm.s32 @!p1 $0x0  }
0x14: {  	s2 =	sld [smem:$0x3F85];
	s0 =	simm.s32 @p1 $0x1  }
0x15: {  	[smem:$0x3FA2] =	sst s0;
	s0 =	simm.s32 @!p2 $0x0  }
0x16: {  	s3 =	sld [smem:$0x3FDB];
	s0 =	simm.s32 @p2 $0x1  }
0x17: {  	s4 =	simm.s32 $0x1BF5;
	[smem:$0x3FA4] =	sst s0  }
0x18: {  	s0 =	sld [smem:$0x3F87];
	_ =	swait.ge [sflag:s4], $0x0  }
0x19: {  	s7 =	sld [smem:$0x3F88]  }
0x1a: {  	s8 =	sadd.s32 $0xFFFFE003, lr  }
0x1b: {  	s9 =	sadd.s32 $0xFFFFFEF7, lr;
	s5 =	simm.s32 $0xFFFFFFFF;
	p2 =	slt.u32 s8, $0xFFFFF086  }
0x1c: {  	p1 =	slt.u32 s9, $0xF7A;
	s5 =	simm.s32 @!p2 $0x0  }
0x1d: {  	s5 =	simm.s32 @p1 $0x1;
	p0 =	seq.s32 s7, s2  }
0x1e: {  	s7 =	smul.u32 @!p0 $0xF7A, s2;
	p2 =	seq.s32 @!p0 s5, $0x0  }
0x1f: {  	s9 =	smul.u32 $0xF7A, s1;
	s8 =	simm.s32 @!p0 $0x1BF5;
	p2 =	por !p2, p0  }
0x20: {  	[sflag:s8] =	ssyncset.s32 @!p0 $0xFFFFF086;
	s6 =	sadd.s32 @!p0 s3, s7;
	s7 =	simm.s32 @!p0 $0x108  }
0x21: {  	s3 =	sadd.s32 s3, s9;
	s6 =	sadd.s32 @!p0 $0x88, s6;
	s7 =	simm.s32 @p2 $0x1082  }
0x22: {  	[simem:s7], [sflag:s8] =	dma.local @!p0 [hbm:s6], $0xF7A  }
0x23: {  	s9 =	sor.u32 $0xD0000000, s2;
	s6 =	simm.s32 $0x108;
	_ =	swait.ge @!p0 [sflag:s8], $0x0  }
0x24: {  	s3 =	sadd.s32 $0x88, s3;
	s6 =	simm.s32 @!p1 $0x1082;
	[sflag:s4] =	ssyncset.s32 $0xFFFFF086  }
0x25: {  	[simem:s6], [sflag:s4] =	dma.local [hbm:s3], $0xF7A  }
0x26: {  	[smem:$0x3F88] =	sst s1;
	(tag) =	ssettag s2;
	_ =	strace s9  }
0x27: {  	s1 =	sld [smem:$0x3F98]  }
0x28: {  	s2 =	sld [smem:$0x3F99]  }
0x29: {  	s4 =	sld [smem:$0x3F9B]  }
0x2a: {  	p0 =	seq.s32 s5, $0x0;
	s5 =	sld [smem:$0x3F9C]  }
0x2b: {  	s6 =	sld [smem:$0x3F9D]  }
0x2c: {  	s7 =	sld [smem:$0x3F9E]  }
0x2d: {  	s3 =	simm.s32 $0x108;
	s8 =	sld [smem:$0x3F9F]  }
0x2e: {  	s3 =	simm.s32 @!p0 $0x1082;
	s9 =	sld [smem:$0x3FA0]  }
0x2f: {  	lr =	sadd.s32 s0, s3;
	s0 =	sld [smem:$0x3F97]  }
0x30: {  	s3 =	sld [smem:$0x3F9A]  }
0x31: {  	[smem:$0x3FA3] =	sst s10  }
0x32: {  	s10 =	sld [smem:$0x3FA1];
	_ =	sdelay $0x3  }
0x33: {  	p0 =	seq.s32 s10, $0x1;
	s10 =	sld [smem:$0x3FA3];
	_ =	sdelay $0x3  }
0x34: {  	[smem:$0x3FA3] =	sst s10  }
0x35: {  	s10 =	sld [smem:$0x3FA2];
	_ =	sdelay $0x3  }
0x36: {  	p1 =	seq.s32 s10, $0x1;
	s10 =	sld [smem:$0x3FA3];
	_ =	sdelay $0x3  }
0x37: {  	[smem:$0x3FA3] =	sst s10  }
0x38: {  	s10 =	sld [smem:$0x3FA4]  }
0x39: {  	_ = 	snop;
	(pc) =	sbr.ind lr, $3  }
0x3a: {  	_ = 	snop  }
0x3b: {  	_ = 	snop  }
0x3c: {  	p2 =	seq.s32 s10, $0x1;
	s10 =	sld [smem:$0x3FA3]  }
0x3d: {  	_ =	shalt  }
0x3e: {  	_ =	shalt  }
0x3f: {  	_ =	shalt  }
0x40: {  	_ =	shalt  }
0x41: {  	_ =	shalt  }
0x42: {  	_ =	shalt  }
0x43: {  	_ =	shalt  }
0x44: {  	_ =	shalt  }
0x45: {  	_ =	shalt  }
0x46: {  	_ =	shalt  }
0x47: {  	_ =	shalt  }
0x48: {  	_ =	shalt  }
0x49: {  	_ =	shalt  }
0x4a: {  	_ =	shalt  }
0x4b: {  	_ =	shalt  }
0x4c: {  	_ =	shalt  }
0x4d: {  	_ =	shalt  }
0x4e: {  	_ =	shalt  }
0x4f: {  	_ =	shalt  }
0x50: {  	_ =	shalt  }
0x51: {  	_ =	shalt  }
0x52: {  	_ =	shalt  }
0x53: {  	_ =	shalt  }
0x54: {  	_ =	shalt  }
0x55: {  	_ =	shalt  }
0x56: {  	_ =	shalt  }
0x57: {  	_ =	shalt  }
0x58: {  	_ =	shalt  }
0x59: {  	_ =	shalt  }
0x5a: {  	_ =	shalt  }
0x5b: {  	_ =	shalt  }
0x5c: {  	_ =	shalt  }
0x5d: {  	_ =	shalt  }
0x5e: {  	_ =	shalt  }
0x5f: {  	_ =	shalt  }
0x60: {  	_ =	shalt  }
0x61: {  	_ =	shalt  }
0x62: {  	_ =	shalt  }
0x63: {  	_ =	shalt  }
0x64: {  	_ =	shalt  }
0x65: {  	_ =	shalt  }
0x66: {  	_ =	shalt  }
0x67: {  	_ =	shalt  }
0x68: {  	_ =	shalt  }
0x69: {  	_ =	shalt  }
0x6a: {  	_ =	shalt  }
0x6b: {  	_ =	shalt  }
0x6c: {  	_ =	shalt  }
0x6d: {  	_ =	shalt  }
0x6e: {  	_ =	shalt  }
0x6f: {  	_ =	shalt  }
0x70: {  	_ =	shalt  }
0x71: {  	_ =	shalt  }
0x72: {  	_ =	shalt  }
0x73: {  	_ =	shalt  }
0x74: {  	_ =	shalt  }
0x75: {  	_ =	shalt  }
0x76: {  	_ =	shalt  }
0x77: {  	_ =	shalt  }
0x78: {  	_ =	shalt  }
0x79: {  	_ =	shalt  }
0x7a: {  	_ =	shalt  }
0x7b: {  	_ =	shalt  }
0x7c: {  	_ =	shalt  }
0x7d: {  	_ =	shalt  }
0x7e: {  	_ =	shalt  }
0x7f: {  	_ =	shalt  }
0x80: {  	_ =	shalt  }
0x81: {  	_ =	shalt  }
0x82: {  	_ =	shalt  }
0x83: {  	_ =	shalt  }
0x84: {  	_ =	shalt  }
0x85: {  	_ =	shalt  }
0x86: {  	_ =	shalt  }
0x87: {  	_ =	shalt  }
.Lfunc_end0:
.L_simem_size_0:
called_computation.3_lowered:
.L_overlay_start_0:
0x88: {  	s2 =	sld [smem:$0x3FD9]  }
0x89: {  	s3 =	sld [smem:$0x3FFE];
	_ =	sdelay $0x1  }
0x8a: {  	s1 =	srdreg.scid  }
0x8b: {  	s0 =	sand.u32 $0x1, s1  }
0x8c: {  	s16 =	sshll.u32 s0, $0xA;
	s2 =	sadd.s32 s3, s2  }
0x8d: {  	s2 =	sadd.s32 s2, s16  }
0x8e: {  	[smem:$0x3FAF] =	sst s2  }
0x8f: {  	_ = 	snop  }
0x90: {  	(tm) =	ssettm $0x1  }
0x91: {  	s17 =	sld [smem:$0x3FFB];
	_ =	sdelay $0x3  }
0x92: {  	_ =	strace s17  }
0x93: {  	s2 =	sld [smem:$0x3FFC];
	_ =	sdelay $0x3  }
0x94: {  	_ =	strace s2  }
0x95: {  	s2 =	sld [smem:$0x3FFD];
	_ =	sdelay $0x3  }
0x96: {  	_ =	strace s2  }
0x97: {  	_ =	strace $0x8FFFFFFF  }
0x98: {  	s18 =	sld [smem:$0x3FDB];
	_ =	sdelay $0x1  }
0x99: {  	s19 =	simm.s32 $_scs_section_size  }
0x9a: {  	s4 =	simm.s32 $_size__tile_overlayer_lowered;
	s5 =	simm.s32 $_tile_overlayer_lowered  }
0x9b: {  	s22 =	simm.s32 $0x1BFF;
	s21 =	sshll.u32 s5, $0x1;
	s2 =	sadd.s32 s19, s18  }
0x9c: {  	s6 =	simm.s32 $0x0;
	s20 =	sshll.u32 s4, $0x1;
	s4 =	sadd.s32 s21, s2  }
0x9d: {  	[timem:s6], [sflag:s22] =	dma.local [hbm:s4], s20  }
0x9e: {  	_ =	swait.ge [sflag:s22], s20  }
0x9f: {  	s3 =	ssub.s32 $0x0, s20;
	[sflag:s22] =	ssyncset.done $0x0  }
0xa0: {  	[sflag:s22] =	ssyncadd.s32 s3;
	_ =	sdelay $0x1  }
0xa1: {  	s23 =	simm.s32 $0x1B8B  }
0xa2: {  	_ =	swait.ge [sflag:s23], $0x1  }
0xa3: {  	[sflag:s23] =	ssyncset.done $0x0  }
0xa4: {  	s25 =	simm.s32 $0x1B8E;
	s24 =	sld [smem:$0x3FFE];
	[sflag:s23] =	ssyncadd.s32 $0xFFFFFFFF  }
0xa5: {  	s26 =	simm.s32 $execute0_lowered;
	[smem:$0x3FD2] =	sst s25  }
0xa6: {  	s4 =	sshll.u32 s26, $0x1;
	_ =	strace $0x8000004F;
	[dreg:$0x1] =	wrdreg $0xFFFFFFFF  }
0xa7: {  	s28 =	simm.s32 $_size_execute0_lowered;
	s2 =	sadd.s32 s2, s4;
	[dreg:$0x0] =	wrdreg $0x0  }
0xa8: {  	s4 =	sshll.u32 s28, $0x1;
	[dreg:$0x2] =	wrdreg s2  }
0xa9: {  	[dreg:$0x3] =	wrdreg s4  }
0xaa: {  	[dreg:$0x4] =	wrdreg $0xC0  }
0xab: {  	_ =	task [dreg:s6], $0x5FFFF  }
0xac: {  	[dreg:$0x1] =	wrdreg $0xFFFFFFFF  }
0xad: {  	[dreg:$0x0] =	wrdreg $0x60  }
0xae: {  	[dreg:$0x2] =	wrdreg s24  }
0xaf: {  	[dreg:$0x3] =	wrdreg $0x68000  }
0xb0: {  	[dreg:$0x4] =	wrdreg $0x9  }
0xb1: {  	_ =	task.clear_ibuf [dreg:s6], $0x5FFFF;
	_ =	strace $0x9000004F  }
0xb2: {  	s29 =	simm.s32 $0x9;
	_ =	strace $0x80000051  }
0xb3: {  	_ =	swait.ge [sflag:s29], $0x1  }
0xb4: {  	[sflag:s29] =	ssyncadd.s32 $0xFFFFFFFF  }
0xb5: {  	_ =	strace $0x90000051  }
0xb6: {  	_ =	sfence  }
0xb7: {  	s30 =	sld [smem:$0x0];
	_ =	sdelay $0x2  }
0xb8: {  	s31 =	sshll.u32 s1, $0xD;
	s1 =	sshrl.u32 s1, $0x2  }
0xb9: {  	s3 =	sand.u32 $0x4000, s31;
	s1 =	sadd.s32 s1, s30  }
0xba: {  	s0 =	sor.u32 s3, s0;
	s1 =	sshll.u32 s1, $0x11  }
0xbb: {  	s0 =	sor.u32 s1, s0  }
0xbc: {  	s0 =	sadd.s32 $0x8F2B, s0  }
0xbd: {  	[sflag:s0] =	ssyncadd.remote.s32 $0x1  }
0xbe: {  	_ =	sfence.sel $0xFFFF  }
0xbf: {  	[dreg:$0x0] =	wrdreg $0xFFFFFFFF;
	(pc) =	sbr.abs _section_cstart, $3  }
0xc0: {  	[dreg:$0x1] =	wrdreg $0xFFFFFFFF  }
0xc1: {  	_ =	task.clear_ibuf [dreg:s6], $0x2FFFF;
	_ =	strace $0x9FFFFFFF  }
0xc2: {  	(tm) =	ssettm $0x7FFFFFFF  }
0xc3: {  	_ =	shalt  }
tec
execute0_lowered:
.L_overlay_start_1:
0x0: {  	(tag) =	ssettag $0x1  }
0x1: {  	s5 =	rddreg [dreg:$0x0];
	s0 =	srdreg.scid  }
0x2: {  	s2 =	rddreg [dreg:$0x1];
	s1 =	stileid.u32  }
0x3: {  	s3 =	simm.s32 $0x0;
	s18 =	simm.s32 $0x2;
	s19 =	simm.s32 $0x1400  }
0x4: {  	s20 =	simm.s32 $0x7D;
	s6 =	sand.u32 $0x1, s0;
	s0 =	rddreg [dreg:$0x2]  }
0x5: {  	s21 =	simm.s32 $0x1;
	s7 =	smul.u32 $0x14000, s1;
	[smem:$0x7FF] =	sst s3  }
0x6: {  	s15 =	sadd.s32 $0x61800, s5;
	s16 =	sadd.s32 $0x7800, s5;
	s8 =	smul.u32 $0x50000, s1  }
0x7: {  	s4 =	smul.u32 $0x140000, s6;
	_ =	strace $0x80000050;
	s31 =	ssub.s32 $0x2, s6  }
0x8: {  	s6 =	sshll.u32 s6, $0x4;
	s9 =	sshrl.u32 s31, $0x1;
	s8 =	sshrl.u32 s8, $0x2  }
0x9: {  	s10 =	sor.u32 s1, s6;
	s4 =	sadd.s32 s7, s4;
	s9 =	ssub.s32 s31, s9  }
0xa: {  	s14 =	smul.u32 $0x500, s10;
	s7 =	sshrl.u32 s4, $0x3;
	s4 =	sadd.s32 $0x6B800, s5  }
0xb: {  	s7 =	sadd.s32 s7, s5;
	s5 =	sadd.s32 s8, s2;
	s8 =	smax.u32 s9, $0x1  }
0xc: {  	s17 =	sadd.s32 $0x280, s14;
	s13 =	sadd.s32 s15, s14;
	s14 =	sadd.s32 s16, s14  }
0xd: {  	s6 =	sadd.s32 $0x13880, s5;
	s7 =	sadd.s32 $0x92A00, s7;
	s9 =	sadd.s32 $0x3E80, s5  }
0xe: {  	s10 =	sadd.s32 $0x7D00, s5;
	s11 =	sadd.s32 $0xBB80, s5;
	s12 =	sadd.s32 $0xFA00, s5  }
0xf: {  	v0 =	vimm.f32 $0.0e+00;
	s15 =	sadd.s32 s15, s17;
	s16 =	sadd.s32 s16, s17;
	s17 =	simm.s32 $0x2800  }
.LBB2_1:
0x10: {  	s22 =	simm.s32 $0x70;
	s23 =	simm.s32 $0x3C0  }
.LBB2_2:
0x11: {  	p0 =	sne.s32 s23, $0xF9C0;
	[tilespmem:s22+$0x2800] =	vst v0  }
0x12: {  	[tilespmem:s22+$0x2790] =	vst v0  }
0x13: {  	[tilespmem:s22+$0x27A0] =	vst v0  }
.Ltmp0:
0x14: {  	[tilespmem:s22+$0x27B0] =	vst v0;
	(pc) =	sbr.rel @p0 .LBB2_2-.Ltmp0, $4  }
0x15: {  	[tilespmem:s22+$0x27C0] =	vst v0  }
0x16: {  	[tilespmem:s22+$0x27D0] =	vst v0  }
0x17: {  	[tilespmem:s22+$0x27E0] =	vst v0  }
0x18: {  	[tilespmem:s22+$0x27F0] =	vst v0;
	s22 =	sshra.s32 s23, $0x2;
	s23 =	sadd.s32 $0x200, s23  }
0x19: {  	[tilespmem:s22+$0x2800] =	vst v0  }
0x1a: {  	[tilespmem:s22+$0x2790] =	vst v0  }
0x1b: {  	[tilespmem:s22+$0x27A0] =	vst v0  }
0x1c: {  	[tilespmem:s22+$0x27B0] =	vst v0  }
0x1d: {  	[tilespmem:s22+$0x27C0] =	vst v0  }
0x1e: {  	[tilespmem:s22+$0x27D0] =	vst v0  }
0x1f: {  	[tilespmem:s22+$0x27E0] =	vst v0  }
0x20: {  	[tilespmem:s22+$0x27F0] =	vst v0  }
0x21: {  	[spmem:s5] =	stream.linear.scatter [tilespmem:s17], [sflag:$0x2], $0x3E80, $0x38;
	[tilespmem:$0x1A800] =	vst v63  }
0x22: {  	_ =	swait.ge [sflag:s18], $0x3E80  }
0x23: {  	[sflag:s18] =	ssyncset.done $0x0  }
0x24: {  	[sflag:s18] =	ssyncadd.s32 $0xFFFFC180  }
0x25: {  	[spmem:s9] =	stream.linear.scatter [tilespmem:s17], [sflag:$0x2], $0x3E80, $0x38;
	[tilespmem:$0x1A800] =	vst v63  }
0x26: {  	_ =	swait.ge [sflag:s18], $0x3E80  }
0x27: {  	[sflag:s18] =	ssyncset.done $0x0  }
0x28: {  	[sflag:s18] =	ssyncadd.s32 $0xFFFFC180  }
0x29: {  	[spmem:s10] =	stream.linear.scatter [tilespmem:s17], [sflag:$0x2], $0x3E80, $0x38;
	[tilespmem:$0x1A800] =	vst v63  }
0x2a: {  	_ =	swait.ge [sflag:s18], $0x3E80  }
0x2b: {  	[sflag:s18] =	ssyncset.done $0x0  }
0x2c: {  	[sflag:s18] =	ssyncadd.s32 $0xFFFFC180  }
0x2d: {  	[spmem:s11] =	stream.linear.scatter [tilespmem:s17], [sflag:$0x2], $0x3E80, $0x38;
	[tilespmem:$0x1A800] =	vst v63  }
0x2e: {  	_ =	swait.ge [sflag:s18], $0x3E80  }
0x2f: {  	[sflag:s18] =	ssyncset.done $0x0  }
0x30: {  	[sflag:s18] =	ssyncadd.s32 $0xFFFFC180  }
0x31: {  	[spmem:s12] =	stream.linear.scatter [tilespmem:s17], [sflag:$0x2], $0x3E80, $0x38;
	[tilespmem:$0x1A800] =	vst v63  }
0x32: {  	_ =	swait.ge [sflag:s18], $0x3E80  }
0x33: {  	[sflag:s18] =	ssyncset.done $0x0  }
0x34: {  	[sflag:s18] =	ssyncadd.s32 $0xFFFFC180  }
0x35: {  	[spmem:s6] =	stream.linear.scatter [tilespmem:s17], [sflag:$0x2], $0x780, $0x38;
	[tilespmem:$0x1A800] =	vst v63  }
0x36: {  	_ =	swait.ge [sflag:s18], $0x780  }
0x37: {  	[sflag:s18] =	ssyncset.done $0x0  }
0x38: {  	[sflag:s18] =	ssyncadd.s32 $0xFFFFF880  }
0x39: {  	s29 =	simm.s32 $0x0;
	[bflag:$0x0] =	sbarrier.arrive $0xFFFF  }
0x3a: {  	[tilespmem:s29], [sflag:$0x2] =	stream.linear.gather [hbm4b:s13+s29], $0x1400, $0x38;
	[tilespmem:$0x1A800] =	vst v63  }
0x3b: {  	_ =	swait.ge [sflag:s18], $0x1400  }
0x3c: {  	[sflag:s18] =	ssyncset.done $0x0  }
0x3d: {  	[sflag:s18] =	ssyncadd.s32 $0xFFFFEC00  }
0x3e: {  	[tilespmem:s19], [sflag:$0x2] =	stream.linear.gather [hbm4b:s14+s29], $0x1400, $0x38;
	[tilespmem:$0x1A800] =	vst v63  }
0x3f: {  	_ =	swait.ge [sflag:s18], $0x1400  }
0x40: {  	[sflag:s18] =	ssyncset.done $0x0  }
0x41: {  	s30 =	simm.s32 $0x0;
	[sflag:s18] =	ssyncadd.s32 $0xFFFFEC00  }
0x42: {  	[tilespmem:s17], [sflag:$0x1] =	stream.indirect.gather [hbm4b:s4+s20], $0x80, s30, s20, $0xb8;
	[tilespmem:$0x1A800] =	vst v63  }
0x43: {  	_ =	swait.ge [sflag:s21], $0x3E80  }
0x44: {  	[sflag:s21] =	ssyncset.done $0x0  }
0x45: {  	s31 =	simm.s32 $0x1400;
	[sflag:s21] =	ssyncadd.s32 $0xFFFFC180  }
0x46: {  	[spmem:s2] =	stream.indirect.scatter.add.f32 [tilespmem:s17], [sflag:$0x2], $0x80, s31, s20, $0xb8;
	[tilespmem:$0x1A800] =	vst v63  }
0x47: {  	_ =	swait.ge [sflag:s18], $0x3E80  }
0x48: {  	s22 =	simm.s32 $0x200;
	s23 =	simm.s32 $0x400;
	[sflag:s18] =	ssyncset.done $0x0  }
.LBB2_4:
0x49: {  	s24 =	sshra.s32 s22, $0x2  }
0x4a: {  	[sflag:s18] =	ssyncadd.s32 $0xFFFFC180;
	s22 =	smov.u32 s23;
	s25 =	sadd.s32 $0x200, s23  }
0x4b: {  	[tilespmem:s17], [sflag:$0x1] =	stream.indirect.gather [hbm4b:s4+s20], $0x80, s24, s20, $0xb8;
	[tilespmem:$0x1A800] =	vst v63  }
0x4c: {  	p0 =	sne.s32 s23, $0x4E00;
	_ =	swait.ge [sflag:s21], $0x3E80  }
.Ltmp1:
0x4d: {  	[sflag:s21] =	ssyncset.done $0x0;
	(pc) =	sbr.rel @p0 .LBB2_4-.Ltmp1, $4  }
0x4e: {  	s23 =	sadd.s32 $0x1400, s24;
	[sflag:s21] =	ssyncadd.s32 $0xFFFFC180  }
0x4f: {  	[spmem:s2] =	stream.indirect.scatter.add.f32 [tilespmem:s17], [sflag:$0x2], $0x80, s23, s20, $0xb8;
	[tilespmem:$0x1A800] =	vst v63  }
0x50: {  	_ =	swait.ge [sflag:s18], $0x3E80  }
0x51: {  	s23 =	smov.u32 s25;
	[sflag:s18] =	ssyncset.done $0x0  }
0x52: {  	s22 =	sshra.s32 s22, $0x2;
	[sflag:s18] =	ssyncadd.s32 $0xFFFFC180  }
0x53: {  	[tilespmem:s17], [sflag:$0x1] =	stream.indirect.gather [hbm4b:s4+s20], $0x80, s22, s20, $0xb8;
	[tilespmem:$0x1A800] =	vst v63  }
0x54: {  	_ =	swait.ge [sflag:s21], $0x3E80  }
0x55: {  	[sflag:s21] =	ssyncset.done $0x0  }
0x56: {  	s22 =	sadd.s32 $0x1400, s22;
	[sflag:s21] =	ssyncadd.s32 $0xFFFFC180  }
0x57: {  	[spmem:s2] =	stream.indirect.scatter.add.f32 [tilespmem:s17], [sflag:$0x2], $0x80, s22, s20, $0xb8;
	[tilespmem:$0x1A800] =	vst v63  }
0x58: {  	_ =	swait.ge [sflag:s18], $0x3E80  }
0x59: {  	[sflag:s18] =	ssyncset.done $0x0  }
0x5a: {  	s29 =	simm.s32 $0x0;
	[sflag:s18] =	ssyncadd.s32 $0xFFFFC180  }
0x5b: {  	[tilespmem:s29], [sflag:$0x2] =	stream.linear.gather [hbm4b:s15+s29], $0x1400, $0x38;
	[tilespmem:$0x1A800] =	vst v63  }
0x5c: {  	_ =	swait.ge [sflag:s18], $0x1400  }
0x5d: {  	[sflag:s18] =	ssyncset.done $0x0  }
0x5e: {  	[sflag:s18] =	ssyncadd.s32 $0xFFFFEC00  }
0x5f: {  	[tilespmem:s19], [sflag:$0x2] =	stream.linear.gather [hbm4b:s16+s29], $0x1400, $0x38;
	[tilespmem:$0x1A800] =	vst v63  }
0x60: {  	_ =	swait.ge [sflag:s18], $0x1400  }
0x61: {  	[sflag:s18] =	ssyncset.done $0x0  }
0x62: {  	s30 =	simm.s32 $0x0;
	[sflag:s18] =	ssyncadd.s32 $0xFFFFEC00  }
0x63: {  	[tilespmem:s17], [sflag:$0x1] =	stream.indirect.gather [hbm4b:s4+s20], $0x80, s30, s20, $0xb8;
	[tilespmem:$0x1A800] =	vst v63  }
0x64: {  	_ =	swait.ge [sflag:s21], $0x3E80  }
0x65: {  	[sflag:s21] =	ssyncset.done $0x0  }
0x66: {  	s31 =	simm.s32 $0x1400;
	[sflag:s21] =	ssyncadd.s32 $0xFFFFC180  }
0x67: {  	[spmem:s2] =	stream.indirect.scatter.add.f32 [tilespmem:s17], [sflag:$0x2], $0x80, s31, s20, $0xb8;
	[tilespmem:$0x1A800] =	vst v63  }
0x68: {  	_ =	swait.ge [sflag:s18], $0x3E80  }
0x69: {  	s23 =	simm.s32 $0x400;
	s22 =	simm.s32 $0x200;
	[sflag:s18] =	ssyncset.done $0x0  }
.LBB2_6:
0x6a: {  	s24 =	sshra.s32 s22, $0x2  }
0x6b: {  	[sflag:s18] =	ssyncadd.s32 $0xFFFFC180;
	s22 =	smov.u32 s23;
	s25 =	sadd.s32 $0x200, s23  }
0x6c: {  	[tilespmem:s17], [sflag:$0x1] =	stream.indirect.gather [hbm4b:s4+s20], $0x80, s24, s20, $0xb8;
	[tilespmem:$0x1A800] =	vst v63  }
0x6d: {  	p0 =	sne.s32 s23, $0x4E00;
	_ =	swait.ge [sflag:s21], $0x3E80  }
.Ltmp2:
0x6e: {  	[sflag:s21] =	ssyncset.done $0x0;
	(pc) =	sbr.rel @p0 .LBB2_6-.Ltmp2, $4  }
0x6f: {  	s23 =	sadd.s32 $0x1400, s24;
	[sflag:s21] =	ssyncadd.s32 $0xFFFFC180  }
0x70: {  	[spmem:s2] =	stream.indirect.scatter.add.f32 [tilespmem:s17], [sflag:$0x2], $0x80, s23, s20, $0xb8;
	[tilespmem:$0x1A800] =	vst v63  }
0x71: {  	_ =	swait.ge [sflag:s18], $0x3E80  }
0x72: {  	s23 =	smov.u32 s25;
	[sflag:s18] =	ssyncset.done $0x0  }
0x73: {  	s22 =	sshra.s32 s22, $0x2;
	[sflag:s18] =	ssyncadd.s32 $0xFFFFC180  }
0x74: {  	[tilespmem:s17], [sflag:$0x1] =	stream.indirect.gather [hbm4b:s4+s20], $0x80, s22, s20, $0xb8;
	[tilespmem:$0x1A800] =	vst v63  }
0x75: {  	_ =	swait.ge [sflag:s21], $0x3E80  }
0x76: {  	[sflag:s21] =	ssyncset.done $0x0  }
0x77: {  	s22 =	sadd.s32 $0x1400, s22;
	[sflag:s21] =	ssyncadd.s32 $0xFFFFC180  }
0x78: {  	[spmem:s2] =	stream.indirect.scatter.add.f32 [tilespmem:s17], [sflag:$0x2], $0x80, s22, s20, $0xb8;
	[tilespmem:$0x1A800] =	vst v63  }
0x79: {  	_ =	swait.ge [sflag:s18], $0x3E80  }
0x7a: {  	s31 =	sshll.u32 s1, $0x6;
	s3 =	sadd.s32 $0x1, s3;
	[sflag:s18] =	ssyncset.done $0x0  }
0x7b: {  	s23 =	sshrl.u32 s5, $0x3;
	p0 =	sne.s32 s3, s8;
	[sflag:s18] =	ssyncadd.s32 $0xFFFFC180  }
.Ltmp3:
0x7c: {  	s22 =	sor.u32 $0x1C02, s31;
	[bflag:$0x0] =	sbarrier.arrive $0xFFFF;
	(pc) =	sbr.rel @p0 .LBB2_1-.Ltmp3, $4  }
0x7d: {  	[hbm:s7], [sflag:s22] =	dma.local [spmem:s23], $0x2800  }
0x7e: {  	_ =	swait.ge [sflag:s18], $0x2800  }
0x7f: {  	[sflag:s18] =	ssyncset.done $0x0  }
0x80: {  	[sflag:s18] =	ssyncadd.s32 $0xFFFFD800  }
0x81: {  	_ =	sfence.sel $0x180000  }
0x82: {  	[bflag:$0x0] =	sbarrier.arrive $0xFFFF  }
0x83: {  	p0 =	sne.s32 s1, $0x0;
	_ =	strace $0x90000050  }
0x84: {  	s0 =	sadd.s32 @!p0 $0x100000, s0;
	[bflag:$0x2] =	sbarrier.arrive $0xFFFF  }
0x85: {  	[sflag:s0] =	ssyncadd.tile.s32 @!p0 $0x1;
	_ =	shalt  }
.Lfunc_end2:
_tile_overlayer_lowered:
.L_overlay_start_2:
0x86: {  	(tag) =	ssettag $0x2  }
0x87: {  	s0 =	rddreg [dreg:$0x0];
	s2 =	stileid.u32  }
0x88: {  	s1 =	rddreg [dreg:$0x1];
	p0 =	sne.s32 s2, $0x0  }
0x89: {  	s3 =	rddreg [dreg:$0x2];
	[bflag:$0x3] =	sbarrier.arrive $0xFFFF;
	s2 =	simm.s32 @!p0 $0x1C02  }
0x8a: {  	[timem:s3], [sflag:s2] =	dma.local @!p0 [hbm:s0], s1  }
0x8b: {  	s0 =	simm.s32 @!p0 $0x2  }
0x8c: {  	_ =	swait.ge @!p0 [sflag:s0], s1  }
0x8d: {  	s1 =	ssub.s32 @!p0 $0x0, s1;
	[sflag:s0] =	ssyncset.done @!p0 $0x0  }
0x8e: {  	[sflag:s0] =	ssyncadd.s32 @!p0 s1  }
0x8f: {  	[bflag:$0x3] =	sbarrier.arrive $0xFFFF  }
0x90: {  	_ =	shalt  }

</sc_bundles>
